<compile_context>
chip_gen: v7x
topology: tpu7x:2x2x1
jax: 0.10.2.dev20260603
libtpu: 0.0.44.dev20260713+nightly
codegen_flags: <defaults>
</compile_context>

<pallas_src>
import functools

import jax
import jax.numpy as jnp
from jax import lax
from jax.experimental import pallas as pl
from jax.experimental.pallas import tpu as pltpu
from jax.experimental.pallas import tpu_sc as plsc

N = 10000
E = 320000
D = 128
H = 2 * D
L = 3

NC = 2
NS = 16
EP = E // (NC * NS)
EK = 125
NCH = EP // EK
NB = 3
NCH_MAIN = (NCH // NB) * NB
RPT = 624
RPT_LAST = N - RPT * (NS - 1)
R_LAST0 = RPT * (NS - 1)


def _sc_aggregate(h, src, dst):
    mesh = plsc.VectorSubcoreMesh(core_axis_name="c", subcore_axis_name="s")

    @functools.partial(
        pl.kernel,
        out_type=jax.ShapeDtypeStruct((NC, N, D), jnp.float32),
        mesh=mesh,
        scratch_types=[
            [pltpu.VMEM((EK,), jnp.int32) for _ in range(NB)],
            [pltpu.VMEM((EK,), jnp.int32) for _ in range(NB)],
            [pltpu.VMEM((EK, D), jnp.float32) for _ in range(NB)],
            pltpu.VMEM_SHARED((N, D), jnp.float32),
            [pltpu.SemaphoreType.DMA for _ in range(NB)],
            [pltpu.SemaphoreType.DMA for _ in range(NB)],
            [pltpu.SemaphoreType.DMA for _ in range(NB)],
        ],
    )
    def sc_kernel(h_hbm, src_hbm, dst_hbm, out_hbm, srcb, dstb,
                  rows, acc, semsi, semd, sem):
        c = lax.axis_index("c")
        s = lax.axis_index("s")
        r0 = s * RPT
        tile = c * NS + s

        src_t = src_hbm.at[tile]
        dst_t = dst_hbm.at[tile]

        @pl.when(s < NS - 1)
        def _init_main():
            pltpu.sync_copy(h_hbm.at[pl.ds(r0, RPT)], acc.at[pl.ds(r0, RPT)])

        @pl.when(s == NS - 1)
        def _init_last():
            pltpu.sync_copy(h_hbm.at[pl.ds(R_LAST0, RPT_LAST)],
                            acc.at[pl.ds(R_LAST0, RPT_LAST)])

        plsc.subcore_barrier()

        def issue_idx(k, b):
            pltpu.async_copy(src_t.at[k], srcb[b], semsi[b])
            pltpu.async_copy(dst_t.at[k], dstb[b], semd[b])

        def issue_gather(k, b):
            pltpu.make_async_copy(src_t.at[k], srcb[b], semsi[b]).wait()
            pltpu.async_copy(h_hbm.at[srcb[b]], rows[b], sem[b])

        for b in range(NB):
            issue_idx(b, b)
        for b in range(NB):
            issue_gather(b, b)

        @pl.loop(0, NCH_MAIN, step=NB)
        def _edge_chunk(j):
            for b in range(NB):
                k = j + b
                pltpu.make_async_copy(h_hbm.at[srcb[b]], rows[b], sem[b]).wait()

                @pl.when(k + NB < NCH)
                def _prefetch_src_idx():
                    pltpu.async_copy(src_t.at[k + NB], srcb[b], semsi[b])

                pltpu.make_async_copy(dst_t.at[k], dstb[b], semd[b]).wait()
                pltpu.sync_copy(rows[b], acc.at[dstb[b]], add=True)

                @pl.when(k + NB < NCH)
                def _refill_gather():
                    pltpu.async_copy(dst_t.at[k + NB], dstb[b], semd[b])
                    issue_gather(k + NB, b)

        for b in range(NCH - NCH_MAIN):
            pltpu.make_async_copy(h_hbm.at[srcb[b]], rows[b], sem[b]).wait()
            pltpu.make_async_copy(dst_t.at[NCH_MAIN + b], dstb[b], semd[b]).wait()
            pltpu.sync_copy(rows[b], acc.at[dstb[b]], add=True)

        plsc.subcore_barrier()

        @pl.when(s < NS - 1)
        def _out_main():
            pltpu.sync_copy(acc.at[pl.ds(r0, RPT)],
                            out_hbm.at[c].at[pl.ds(r0, RPT)])

        @pl.when(s == NS - 1)
        def _out_last():
            pltpu.sync_copy(acc.at[pl.ds(R_LAST0, RPT_LAST)],
                            out_hbm.at[c].at[pl.ds(R_LAST0, RPT_LAST)])

    return sc_kernel(h, src, dst)


def _tc_embed(x, W0, b0):
    def body(x_ref, w_ref, b_ref, o_ref):
        o_ref[...] = (
            jnp.dot(x_ref[...], w_ref[...], preferred_element_type=jnp.float32)
            + b_ref[...]
        )

    return pl.pallas_call(
        body,
        out_shape=jax.ShapeDtypeStruct((N, D), jnp.float32),
    )(x, W0, b0.reshape(1, D))


def _tc_layer(h, parts, W1, b1, g1, be1, W2, b2, g, be):
    def body(h_ref, p_ref, w1_ref, b1_ref, g1_ref, be1_ref, w2_ref, b2_ref,
             g_ref, be_ref, o_ref):
        hv = h_ref[...]
        z0 = p_ref[0] + p_ref[1] - hv
        z = jnp.dot(z0, w1_ref[...], preferred_element_type=jnp.float32) + b1_ref[...]
        m = jnp.mean(z, axis=0, keepdims=True)
        v = jnp.mean((z - m) * (z - m), axis=0, keepdims=True)
        z = g1_ref[...] * (z - m) * lax.rsqrt(v + 1e-5) + be1_ref[...]
        z = jnp.maximum(z, 0.0)
        z = jnp.dot(z, w2_ref[...], preferred_element_type=jnp.float32) + b2_ref[...]
        hn = z + hv
        m2 = jnp.mean(hn, axis=0, keepdims=True)
        v2 = jnp.mean((hn - m2) * (hn - m2), axis=0, keepdims=True)
        o_ref[...] = g_ref[...] * (hn - m2) * lax.rsqrt(v2 + 1e-5) + be_ref[...]

    return pl.pallas_call(
        body,
        out_shape=jax.ShapeDtypeStruct((N, D), jnp.float32),
    )(h, parts, W1, b1.reshape(1, H), g1.reshape(1, H), be1.reshape(1, H),
      W2, b2.reshape(1, D), g.reshape(1, D), be.reshape(1, D))


def kernel(pre_node_emb, edge_index, W0, b0, W1s, b1s, g1s, be1s, W2s, b2s, gs, bes):
    x = pre_node_emb[0]
    src = edge_index[0, :, 0].reshape(NC * NS, NCH, EK)
    dst = edge_index[0, :, 1].reshape(NC * NS, NCH, EK)
    h = _tc_embed(x, W0, b0)
    for i in range(L):
        parts = _sc_aggregate(h, src, dst)
        h = _tc_layer(h, parts, W1s[i], b1s[i], g1s[i], be1s[i],
                      W2s[i], b2s[i], gs[i], bes[i])
    return h

# --- scband reference (transcript-rebuilt; emitter-appended) ---
"""Pipeline reference for scband-gin2-6098853560655 (READ-ONLY COPY).

The authoritative reference and input builder live on the scoring server;
editing this copy changes nothing except your own understanding.
"""

import jax, jax.numpy as jnp
import numpy as np

N = 10000
E = 320000
D = 128
H = 2 * D
L = 3


def _bn(x, gamma, beta):
    m = jnp.mean(x, axis=0, keepdims=True)
    v = jnp.var(x, axis=0, keepdims=True)
    return gamma * (x - m) / jnp.sqrt(v + 1e-5) + beta


def setup_inputs(seed: int = 0):
    key = jax.random.key(seed)
    ks = jax.random.split(key, 12)
    inp = {}
    inp["pre_node_emb"] = jax.random.normal(ks[0], (1, N, D), dtype=jnp.float32)
    inp["edge_index"] = jax.random.randint(ks[1], (1, E, 2), 0, N, dtype=jnp.int32)
    # node_embeder Linear(D, D)
    inp["W0"] = jax.random.normal(ks[2], (D, D), dtype=jnp.float32) * (1.0 / np.sqrt(D))
    inp["b0"] = jnp.zeros((D,), dtype=jnp.float32)
    # per-layer GIN MLP params, stacked over L layers
    inp["W1s"] = jax.random.normal(ks[3], (L, D, H), dtype=jnp.float32) * (1.0 / np.sqrt(D))
    inp["b1s"] = jnp.zeros((L, H), dtype=jnp.float32)
    inp["g1s"] = jnp.ones((L, H), dtype=jnp.float32)
    inp["be1s"] = jnp.zeros((L, H), dtype=jnp.float32)
    inp["W2s"] = jax.random.normal(ks[4], (L, H, D), dtype=jnp.float32) * (1.0 / np.sqrt(H))
    inp["b2s"] = jnp.zeros((L, D), dtype=jnp.float32)
    # outer per-layer BatchNorm params
    inp["gs"] = jnp.ones((L, D), dtype=jnp.float32)
    inp["bes"] = jnp.zeros((L, D), dtype=jnp.float32)
    return inp


def reference(pre_node_emb, edge_index, W0, b0, W1s, b1s, g1s, be1s, W2s, b2s, gs, bes):
    x = pre_node_emb[0]            # squeeze(0) -> [N, D]
    ei = edge_index[0].T           # squeeze(0).t() -> [2, E]
    src = ei[0]
    dst = ei[1]
    h = x @ W0 + b0                # node_embeder
    for i in range(L):
        # GINConv: aggr = sum_{j in N(i)} h_j ; out = mlp((1+eps)*h + aggr), eps=0
        agg = jnp.zeros_like(h).at[dst].add(h[src])
        z = h + agg
        z = z @ W1s[i] + b1s[i]
        z = _bn(z, g1s[i], be1s[i])
        z = jax.nn.relu(z)
        z = z @ W2s[i] + b2s[i]
        h = z + h                  # residual
        h = _bn(h, gs[i], bes[i])  # outer BatchNorm
    return h

if __name__ == "__main__":
    import jax
    _d = setup_inputs()
    print(jax.jit(kernel)(*tuple(_d.values())))

</pallas_src>

<mosaic_0001>
#map = affine_map<(d0, d1) -> (0, 0)>
#map1 = affine_map<(d0, d1) -> (0, 0, 0)>
module attributes {stable_mosaic.version = 14 : i64} {
  func.func @sc_kernel(%arg0: i32, %arg1: i32, %arg2: memref<10000x128xf32, #tpu.memory_space<hbm>>, %arg3: memref<32x80x125xi32, #tpu.memory_space<hbm>>, %arg4: memref<32x80x125xi32, #tpu.memory_space<hbm>>, %arg5: memref<2x10000x128xf32, #tpu.memory_space<hbm>>, %arg6: memref<125xi32, #tpu.memory_space<vmem>>, %arg7: memref<125xi32, #tpu.memory_space<vmem>>, %arg8: memref<125xi32, #tpu.memory_space<vmem>>, %arg9: memref<125xi32, #tpu.memory_space<vmem>>, %arg10: memref<125xi32, #tpu.memory_space<vmem>>, %arg11: memref<125xi32, #tpu.memory_space<vmem>>, %arg12: memref<125x128xf32, #tpu.memory_space<vmem>>, %arg13: memref<125x128xf32, #tpu.memory_space<vmem>>, %arg14: memref<125x128xf32, #tpu.memory_space<vmem>>, %arg15: memref<10000x128xf32, #tpu.memory_space<vmem_shared>>, %arg16: memref<!tpu.dma_semaphore, #tpu.memory_space<semaphore_mem>>, %arg17: memref<!tpu.dma_semaphore, #tpu.memory_space<semaphore_mem>>, %arg18: memref<!tpu.dma_semaphore, #tpu.memory_space<semaphore_mem>>, %arg19: memref<!tpu.dma_semaphore, #tpu.memory_space<semaphore_mem>>, %arg20: memref<!tpu.dma_semaphore, #tpu.memory_space<semaphore_mem>>, %arg21: memref<!tpu.dma_semaphore, #tpu.memory_space<semaphore_mem>>, %arg22: memref<!tpu.dma_semaphore, #tpu.memory_space<semaphore_mem>>, %arg23: memref<!tpu.dma_semaphore, #tpu.memory_space<semaphore_mem>>, %arg24: memref<!tpu.dma_semaphore, #tpu.memory_space<semaphore_mem>>) attributes {dimension_semantics = [#tpu.dimension_semantics<core_parallel>, #tpu.dimension_semantics<subcore_parallel>], iteration_bounds = array<i64: 2, 16>, scalar_prefetch = 0 : i64, scratch_operands = 19 : i64, tpu.core_type = #tpu.core_type<sc_vector_subcore>, window_params = [{transform_indices = #map}, {transform_indices = #map1}, {transform_indices = #map1}, {transform_indices = #map1}]} {
    %mul3A = arith.constant 624 : i32
    %mul3A_0 = arith.muli %arg1, %mul3A : i32
    %mul3A_1 = arith.constant 16 : i32
    %mul3A_2 = arith.muli %arg0, %mul3A_1 : i32
    %add3A = arith.addi %mul3A_2, %arg1 : i32
    %lt3A = arith.constant 15 : i32
    %lt3A_3 = arith.cmpi slt, %arg1, %lt3A : i32
    %convert_element_type3A = arith.extui %lt3A_3 : i1 to i32
    %cond3A = arith.constant 0 : i32
    %cond3A_4 = arith.cmpi ne, %convert_element_type3A, %cond3A : i32
    scf.if %cond3A_4 {
      "tpu.region"() ({
        %run_scoped3A = tpu.sem_alloc : memref<!tpu.dma_semaphore, #tpu.memory_space<semaphore_mem>>
        %dma_start3A_202 = arith.constant 0 : i32
        %dma_start3A_203 = tpu.memref_slice %arg15[%mul3A_0, %dma_start3A_202] : memref<10000x128xf32, #tpu.memory_space<vmem_shared>> -> memref<624x128xf32, #tpu.memory_space<vmem_shared>>
        %dma_start3A_204 = arith.constant 0 : i32
        %dma_start3A_205 = tpu.memref_slice %arg2[%mul3A_0, %dma_start3A_204] : memref<10000x128xf32, #tpu.memory_space<hbm>> -> memref<624x128xf32, #tpu.memory_space<hbm>>
        tpu.enqueue_dma source(%dma_start3A_205 : memref<624x128xf32, #tpu.memory_space<hbm>>) target(%dma_start3A_203 : memref<624x128xf32, #tpu.memory_space<vmem_shared>>) target_semaphore(%run_scoped3A : memref<!tpu.dma_semaphore, #tpu.memory_space<semaphore_mem>>)
        %dma_wait3A_206 = arith.constant 0 : i32
        %dma_wait3A_207 = tpu.memref_slice %arg15[%mul3A_0, %dma_wait3A_206] : memref<10000x128xf32, #tpu.memory_space<vmem_shared>> -> memref<624x128xf32, #tpu.memory_space<vmem_shared>>
        %dma_wait3A_208 = arith.constant 0 : i32
        %dma_wait3A_209 = tpu.memref_slice %arg2[%mul3A_0, %dma_wait3A_208] : memref<10000x128xf32, #tpu.memory_space<hbm>> -> memref<624x128xf32, #tpu.memory_space<hbm>>
        tpu.wait_dma2 semaphore(%run_scoped3A : memref<!tpu.dma_semaphore, #tpu.memory_space<semaphore_mem>>) src(%dma_wait3A_209 : memref<624x128xf32, #tpu.memory_space<hbm>>) dst(%dma_wait3A_207 : memref<624x128xf32, #tpu.memory_space<vmem_shared>>)
        tpu.yield
      }) : () -> ()
    } else {
    }
    %eq3A = arith.constant 15 : i32
    %eq3A_5 = arith.cmpi eq, %arg1, %eq3A : i32
    %convert_element_type3A_6 = arith.extui %eq3A_5 : i1 to i32
    %cond3A_7 = arith.constant 0 : i32
    %cond3A_8 = arith.cmpi ne, %convert_element_type3A_6, %cond3A_7 : i32
    scf.if %cond3A_8 {
      "tpu.region"() ({
        %run_scoped3A = tpu.sem_alloc : memref<!tpu.dma_semaphore, #tpu.memory_space<semaphore_mem>>
        %dma_start3A_202 = arith.constant 9360 : i32
        %dma_start3A_203 = arith.constant 0 : i32
        %dma_start3A_204 = tpu.memref_slice %arg15[%dma_start3A_202, %dma_start3A_203] : memref<10000x128xf32, #tpu.memory_space<vmem_shared>> -> memref<640x128xf32, #tpu.memory_space<vmem_shared>>
        %dma_start3A_205 = arith.constant 9360 : i32
        %dma_start3A_206 = arith.constant 0 : i32
        %dma_start3A_207 = tpu.memref_slice %arg2[%dma_start3A_205, %dma_start3A_206] : memref<10000x128xf32, #tpu.memory_space<hbm>> -> memref<640x128xf32, #tpu.memory_space<hbm>>
        tpu.enqueue_dma source(%dma_start3A_207 : memref<640x128xf32, #tpu.memory_space<hbm>>) target(%dma_start3A_204 : memref<640x128xf32, #tpu.memory_space<vmem_shared>>) target_semaphore(%run_scoped3A : memref<!tpu.dma_semaphore, #tpu.memory_space<semaphore_mem>>)
        %dma_wait3A_208 = arith.constant 9360 : i32
        %dma_wait3A_209 = arith.constant 0 : i32
        %dma_wait3A_210 = tpu.memref_slice %arg15[%dma_wait3A_208, %dma_wait3A_209] : memref<10000x128xf32, #tpu.memory_space<vmem_shared>> -> memref<640x128xf32, #tpu.memory_space<vmem_shared>>
        %dma_wait3A_211 = arith.constant 9360 : i32
        %dma_wait3A_212 = arith.constant 0 : i32
        %dma_wait3A_213 = tpu.memref_slice %arg2[%dma_wait3A_211, %dma_wait3A_212] : memref<10000x128xf32, #tpu.memory_space<hbm>> -> memref<640x128xf32, #tpu.memory_space<hbm>>
        tpu.wait_dma2 semaphore(%run_scoped3A : memref<!tpu.dma_semaphore, #tpu.memory_space<semaphore_mem>>) src(%dma_wait3A_213 : memref<640x128xf32, #tpu.memory_space<hbm>>) dst(%dma_wait3A_210 : memref<640x128xf32, #tpu.memory_space<vmem_shared>>)
        tpu.yield
      }) : () -> ()
    } else {
    }
    %barrier3A = arith.constant 0 : index
    tpu.barrier barrier_id(%barrier3A)
    %dma_start3A = arith.constant 0 : i32
    %dma_start3A_9 = arith.constant 0 : i32
    %dma_start3A_10 = arith.constant 0 : i32
    %dma_start3A_11 = tpu.memref_slice %arg3[%add3A, %dma_start3A_9, %dma_start3A_10] : memref<32x80x125xi32, #tpu.memory_space<hbm>> -> memref<1x80x125xi32, #tpu.memory_space<hbm>>
    %dma_start3A_12 = tpu.memref_squeeze %dma_start3A_11 : memref<1x80x125xi32, #tpu.memory_space<hbm>> -> memref<80x125xi32, #tpu.memory_space<hbm>>
    %dma_start3A_13 = arith.constant 0 : i32
    %dma_start3A_14 = tpu.memref_slice %dma_start3A_12[%dma_start3A, %dma_start3A_13] : memref<80x125xi32, #tpu.memory_space<hbm>> -> memref<1x125xi32, #tpu.memory_space<hbm>>
    %dma_start3A_15 = tpu.memref_squeeze %dma_start3A_14 : memref<1x125xi32, #tpu.memory_space<hbm>> -> memref<125xi32, #tpu.memory_space<hbm>>
    %dma_start3A_16 = arith.constant 0 : i32
    %dma_start3A_17 = arith.constant 0 : i32
    %dma_start3A_18 = tpu.memref_slice %arg3[%add3A, %dma_start3A_16, %dma_start3A_17] : memref<32x80x125xi32, #tpu.memory_space<hbm>> -> memref<1x80x125xi32, #tpu.memory_space<hbm>>
    %dma_start3A_19 = tpu.memref_squeeze %dma_start3A_18 : memref<1x80x125xi32, #tpu.memory_space<hbm>> -> memref<80x125xi32, #tpu.memory_space<hbm>>
    %dma_start3A_20 = arith.constant 0 : i32
    %dma_start3A_21 = tpu.memref_slice %dma_start3A_19[%dma_start3A, %dma_start3A_20] : memref<80x125xi32, #tpu.memory_space<hbm>> -> memref<1x125xi32, #tpu.memory_space<hbm>>
    %dma_start3A_22 = tpu.memref_squeeze %dma_start3A_21 : memref<1x125xi32, #tpu.memory_space<hbm>> -> memref<125xi32, #tpu.memory_space<hbm>>
    tpu.enqueue_dma source(%dma_start3A_22 : memref<125xi32, #tpu.memory_space<hbm>>) target(%arg6 : memref<125xi32, #tpu.memory_space<vmem>>) target_semaphore(%arg16 : memref<!tpu.dma_semaphore, #tpu.memory_space<semaphore_mem>>)
    %dma_start3A_23 = arith.constant 0 : i32
    %dma_start3A_24 = arith.constant 0 : i32
    %dma_start3A_25 = arith.constant 0 : i32
    %dma_start3A_26 = tpu.memref_slice %arg4[%add3A, %dma_start3A_24, %dma_start3A_25] : memref<32x80x125xi32, #tpu.memory_space<hbm>> -> memref<1x80x125xi32, #tpu.memory_space<hbm>>
    %dma_start3A_27 = tpu.memref_squeeze %dma_start3A_26 : memref<1x80x125xi32, #tpu.memory_space<hbm>> -> memref<80x125xi32, #tpu.memory_space<hbm>>
    %dma_start3A_28 = arith.constant 0 : i32
    %dma_start3A_29 = tpu.memref_slice %dma_start3A_27[%dma_start3A_23, %dma_start3A_28] : memref<80x125xi32, #tpu.memory_space<hbm>> -> memref<1x125xi32, #tpu.memory_space<hbm>>
    %dma_start3A_30 = tpu.memref_squeeze %dma_start3A_29 : memref<1x125xi32, #tpu.memory_space<hbm>> -> memref<125xi32, #tpu.memory_space<hbm>>
    %dma_start3A_31 = arith.constant 0 : i32
    %dma_start3A_32 = arith.constant 0 : i32
    %dma_start3A_33 = tpu.memref_slice %arg4[%add3A, %dma_start3A_31, %dma_start3A_32] : memref<32x80x125xi32, #tpu.memory_space<hbm>> -> memref<1x80x125xi32, #tpu.memory_space<hbm>>
    %dma_start3A_34 = tpu.memref_squeeze %dma_start3A_33 : memref<1x80x125xi32, #tpu.memory_space<hbm>> -> memref<80x125xi32, #tpu.memory_space<hbm>>
    %dma_start3A_35 = arith.constant 0 : i32
    %dma_start3A_36 = tpu.memref_slice %dma_start3A_34[%dma_start3A_23, %dma_start3A_35] : memref<80x125xi32, #tpu.memory_space<hbm>> -> memref<1x125xi32, #tpu.memory_space<hbm>>
    %dma_start3A_37 = tpu.memref_squeeze %dma_start3A_36 : memref<1x125xi32, #tpu.memory_space<hbm>> -> memref<125xi32, #tpu.memory_space<hbm>>
    tpu.enqueue_dma source(%dma_start3A_37 : memref<125xi32, #tpu.memory_space<hbm>>) target(%arg9 : memref<125xi32, #tpu.memory_space<vmem>>) target_semaphore(%arg19 : memref<!tpu.dma_semaphore, #tpu.memory_space<semaphore_mem>>)
    %dma_start3A_38 = arith.constant 1 : i32
    %dma_start3A_39 = arith.constant 0 : i32
    %dma_start3A_40 = arith.constant 0 : i32
    %dma_start3A_41 = tpu.memref_slice %arg3[%add3A, %dma_start3A_39, %dma_start3A_40] : memref<32x80x125xi32, #tpu.memory_space<hbm>> -> memref<1x80x125xi32, #tpu.memory_space<hbm>>
    %dma_start3A_42 = tpu.memref_squeeze %dma_start3A_41 : memref<1x80x125xi32, #tpu.memory_space<hbm>> -> memref<80x125xi32, #tpu.memory_space<hbm>>
    %dma_start3A_43 = arith.constant 0 : i32
    %dma_start3A_44 = tpu.memref_slice %dma_start3A_42[%dma_start3A_38, %dma_start3A_43] : memref<80x125xi32, #tpu.memory_space<hbm>> -> memref<1x125xi32, #tpu.memory_space<hbm>>
    %dma_start3A_45 = tpu.memref_squeeze %dma_start3A_44 : memref<1x125xi32, #tpu.memory_space<hbm>> -> memref<125xi32, #tpu.memory_space<hbm>>
    %dma_start3A_46 = arith.constant 0 : i32
    %dma_start3A_47 = arith.constant 0 : i32
    %dma_start3A_48 = tpu.memref_slice %arg3[%add3A, %dma_start3A_46, %dma_start3A_47] : memref<32x80x125xi32, #tpu.memory_space<hbm>> -> memref<1x80x125xi32, #tpu.memory_space<hbm>>
    %dma_start3A_49 = tpu.memref_squeeze %dma_start3A_48 : memref<1x80x125xi32, #tpu.memory_space<hbm>> -> memref<80x125xi32, #tpu.memory_space<hbm>>
    %dma_start3A_50 = arith.constant 0 : i32
    %dma_start3A_51 = tpu.memref_slice %dma_start3A_49[%dma_start3A_38, %dma_start3A_50] : memref<80x125xi32, #tpu.memory_space<hbm>> -> memref<1x125xi32, #tpu.memory_space<hbm>>
    %dma_start3A_52 = tpu.memref_squeeze %dma_start3A_51 : memref<1x125xi32, #tpu.memory_space<hbm>> -> memref<125xi32, #tpu.memory_space<hbm>>
    tpu.enqueue_dma source(%dma_start3A_52 : memref<125xi32, #tpu.memory_space<hbm>>) target(%arg7 : memref<125xi32, #tpu.memory_space<vmem>>) target_semaphore(%arg17 : memref<!tpu.dma_semaphore, #tpu.memory_space<semaphore_mem>>)
    %dma_start3A_53 = arith.constant 1 : i32
    %dma_start3A_54 = arith.constant 0 : i32
    %dma_start3A_55 = arith.constant 0 : i32
    %dma_start3A_56 = tpu.memref_slice %arg4[%add3A, %dma_start3A_54, %dma_start3A_55] : memref<32x80x125xi32, #tpu.memory_space<hbm>> -> memref<1x80x125xi32, #tpu.memory_space<hbm>>
    %dma_start3A_57 = tpu.memref_squeeze %dma_start3A_56 : memref<1x80x125xi32, #tpu.memory_space<hbm>> -> memref<80x125xi32, #tpu.memory_space<hbm>>
    %dma_start3A_58 = arith.constant 0 : i32
    %dma_start3A_59 = tpu.memref_slice %dma_start3A_57[%dma_start3A_53, %dma_start3A_58] : memref<80x125xi32, #tpu.memory_space<hbm>> -> memref<1x125xi32, #tpu.memory_space<hbm>>
    %dma_start3A_60 = tpu.memref_squeeze %dma_start3A_59 : memref<1x125xi32, #tpu.memory_space<hbm>> -> memref<125xi32, #tpu.memory_space<hbm>>
    %dma_start3A_61 = arith.constant 0 : i32
    %dma_start3A_62 = arith.constant 0 : i32
    %dma_start3A_63 = tpu.memref_slice %arg4[%add3A, %dma_start3A_61, %dma_start3A_62] : memref<32x80x125xi32, #tpu.memory_space<hbm>> -> memref<1x80x125xi32, #tpu.memory_space<hbm>>
    %dma_start3A_64 = tpu.memref_squeeze %dma_start3A_63 : memref<1x80x125xi32, #tpu.memory_space<hbm>> -> memref<80x125xi32, #tpu.memory_space<hbm>>
    %dma_start3A_65 = arith.constant 0 : i32
    %dma_start3A_66 = tpu.memref_slice %dma_start3A_64[%dma_start3A_53, %dma_start3A_65] : memref<80x125xi32, #tpu.memory_space<hbm>> -> memref<1x125xi32, #tpu.memory_space<hbm>>
    %dma_start3A_67 = tpu.memref_squeeze %dma_start3A_66 : memref<1x125xi32, #tpu.memory_space<hbm>> -> memref<125xi32, #tpu.memory_space<hbm>>
    tpu.enqueue_dma source(%dma_start3A_67 : memref<125xi32, #tpu.memory_space<hbm>>) target(%arg10 : memref<125xi32, #tpu.memory_space<vmem>>) target_semaphore(%arg20 : memref<!tpu.dma_semaphore, #tpu.memory_space<semaphore_mem>>)
    %dma_start3A_68 = arith.constant 2 : i32
    %dma_start3A_69 = arith.constant 0 : i32
    %dma_start3A_70 = arith.constant 0 : i32
    %dma_start3A_71 = tpu.memref_slice %arg3[%add3A, %dma_start3A_69, %dma_start3A_70] : memref<32x80x125xi32, #tpu.memory_space<hbm>> -> memref<1x80x125xi32, #tpu.memory_space<hbm>>
    %dma_start3A_72 = tpu.memref_squeeze %dma_start3A_71 : memref<1x80x125xi32, #tpu.memory_space<hbm>> -> memref<80x125xi32, #tpu.memory_space<hbm>>
    %dma_start3A_73 = arith.constant 0 : i32
    %dma_start3A_74 = tpu.memref_slice %dma_start3A_72[%dma_start3A_68, %dma_start3A_73] : memref<80x125xi32, #tpu.memory_space<hbm>> -> memref<1x125xi32, #tpu.memory_space<hbm>>
    %dma_start3A_75 = tpu.memref_squeeze %dma_start3A_74 : memref<1x125xi32, #tpu.memory_space<hbm>> -> memref<125xi32, #tpu.memory_space<hbm>>
    %dma_start3A_76 = arith.constant 0 : i32
    %dma_start3A_77 = arith.constant 0 : i32
    %dma_start3A_78 = tpu.memref_slice %arg3[%add3A, %dma_start3A_76, %dma_start3A_77] : memref<32x80x125xi32, #tpu.memory_space<hbm>> -> memref<1x80x125xi32, #tpu.memory_space<hbm>>
    %dma_start3A_79 = tpu.memref_squeeze %dma_start3A_78 : memref<1x80x125xi32, #tpu.memory_space<hbm>> -> memref<80x125xi32, #tpu.memory_space<hbm>>
    %dma_start3A_80 = arith.constant 0 : i32
    %dma_start3A_81 = tpu.memref_slice %dma_start3A_79[%dma_start3A_68, %dma_start3A_80] : memref<80x125xi32, #tpu.memory_space<hbm>> -> memref<1x125xi32, #tpu.memory_space<hbm>>
    %dma_start3A_82 = tpu.memref_squeeze %dma_start3A_81 : memref<1x125xi32, #tpu.memory_space<hbm>> -> memref<125xi32, #tpu.memory_space<hbm>>
    tpu.enqueue_dma source(%dma_start3A_82 : memref<125xi32, #tpu.memory_space<hbm>>) target(%arg8 : memref<125xi32, #tpu.memory_space<vmem>>) target_semaphore(%arg18 : memref<!tpu.dma_semaphore, #tpu.memory_space<semaphore_mem>>)
    %dma_start3A_83 = arith.constant 2 : i32
    %dma_start3A_84 = arith.constant 0 : i32
    %dma_start3A_85 = arith.constant 0 : i32
    %dma_start3A_86 = tpu.memref_slice %arg4[%add3A, %dma_start3A_84, %dma_start3A_85] : memref<32x80x125xi32, #tpu.memory_space<hbm>> -> memref<1x80x125xi32, #tpu.memory_space<hbm>>
    %dma_start3A_87 = tpu.memref_squeeze %dma_start3A_86 : memref<1x80x125xi32, #tpu.memory_space<hbm>> -> memref<80x125xi32, #tpu.memory_space<hbm>>
    %dma_start3A_88 = arith.constant 0 : i32
    %dma_start3A_89 = tpu.memref_slice %dma_start3A_87[%dma_start3A_83, %dma_start3A_88] : memref<80x125xi32, #tpu.memory_space<hbm>> -> memref<1x125xi32, #tpu.memory_space<hbm>>
    %dma_start3A_90 = tpu.memref_squeeze %dma_start3A_89 : memref<1x125xi32, #tpu.memory_space<hbm>> -> memref<125xi32, #tpu.memory_space<hbm>>
    %dma_start3A_91 = arith.constant 0 : i32
    %dma_start3A_92 = arith.constant 0 : i32
    %dma_start3A_93 = tpu.memref_slice %arg4[%add3A, %dma_start3A_91, %dma_start3A_92] : memref<32x80x125xi32, #tpu.memory_space<hbm>> -> memref<1x80x125xi32, #tpu.memory_space<hbm>>
    %dma_start3A_94 = tpu.memref_squeeze %dma_start3A_93 : memref<1x80x125xi32, #tpu.memory_space<hbm>> -> memref<80x125xi32, #tpu.memory_space<hbm>>
    %dma_start3A_95 = arith.constant 0 : i32
    %dma_start3A_96 = tpu.memref_slice %dma_start3A_94[%dma_start3A_83, %dma_start3A_95] : memref<80x125xi32, #tpu.memory_space<hbm>> -> memref<1x125xi32, #tpu.memory_space<hbm>>
    %dma_start3A_97 = tpu.memref_squeeze %dma_start3A_96 : memref<1x125xi32, #tpu.memory_space<hbm>> -> memref<125xi32, #tpu.memory_space<hbm>>
    tpu.enqueue_dma source(%dma_start3A_97 : memref<125xi32, #tpu.memory_space<hbm>>) target(%arg11 : memref<125xi32, #tpu.memory_space<vmem>>) target_semaphore(%arg21 : memref<!tpu.dma_semaphore, #tpu.memory_space<semaphore_mem>>)
    %dma_wait3A = arith.constant 0 : i32
    %dma_wait3A_98 = arith.constant 0 : i32
    %dma_wait3A_99 = arith.constant 0 : i32
    %dma_wait3A_100 = tpu.memref_slice %arg3[%add3A, %dma_wait3A_98, %dma_wait3A_99] : memref<32x80x125xi32, #tpu.memory_space<hbm>> -> memref<1x80x125xi32, #tpu.memory_space<hbm>>
    %dma_wait3A_101 = tpu.memref_squeeze %dma_wait3A_100 : memref<1x80x125xi32, #tpu.memory_space<hbm>> -> memref<80x125xi32, #tpu.memory_space<hbm>>
    %dma_wait3A_102 = arith.constant 0 : i32
    %dma_wait3A_103 = tpu.memref_slice %dma_wait3A_101[%dma_wait3A, %dma_wait3A_102] : memref<80x125xi32, #tpu.memory_space<hbm>> -> memref<1x125xi32, #tpu.memory_space<hbm>>
    %dma_wait3A_104 = tpu.memref_squeeze %dma_wait3A_103 : memref<1x125xi32, #tpu.memory_space<hbm>> -> memref<125xi32, #tpu.memory_space<hbm>>
    %dma_wait3A_105 = arith.constant 0 : i32
    %dma_wait3A_106 = arith.constant 0 : i32
    %dma_wait3A_107 = tpu.memref_slice %arg3[%add3A, %dma_wait3A_105, %dma_wait3A_106] : memref<32x80x125xi32, #tpu.memory_space<hbm>> -> memref<1x80x125xi32, #tpu.memory_space<hbm>>
    %dma_wait3A_108 = tpu.memref_squeeze %dma_wait3A_107 : memref<1x80x125xi32, #tpu.memory_space<hbm>> -> memref<80x125xi32, #tpu.memory_space<hbm>>
    %dma_wait3A_109 = arith.constant 0 : i32
    %dma_wait3A_110 = tpu.memref_slice %dma_wait3A_108[%dma_wait3A, %dma_wait3A_109] : memref<80x125xi32, #tpu.memory_space<hbm>> -> memref<1x125xi32, #tpu.memory_space<hbm>>
    %dma_wait3A_111 = tpu.memref_squeeze %dma_wait3A_110 : memref<1x125xi32, #tpu.memory_space<hbm>> -> memref<125xi32, #tpu.memory_space<hbm>>
    tpu.wait_dma2 semaphore(%arg16 : memref<!tpu.dma_semaphore, #tpu.memory_space<semaphore_mem>>) src(%dma_wait3A_111 : memref<125xi32, #tpu.memory_space<hbm>>) dst(%arg6 : memref<125xi32, #tpu.memory_space<vmem>>)
    %dma_start3A_112 = arith.constant 0 : i32
    %dma_start3A_113 = arith.constant 0 : i32
    %dma_start3A_114 = tpu.memref_slice %arg2[%dma_start3A_112, %dma_start3A_113] : memref<10000x128xf32, #tpu.memory_space<hbm>> -> memref<10000x128xf32, #tpu.memory_space<hbm>>
    tpu.enqueue_indirect_dma source(%dma_start3A_114 : memref<10000x128xf32, #tpu.memory_space<hbm>>) target(%arg12 : memref<125x128xf32, #tpu.memory_space<vmem>>) offsets(%arg6 : memref<125xi32, #tpu.memory_space<vmem>>) semaphore(%arg22 : memref<!tpu.dma_semaphore, #tpu.memory_space<semaphore_mem>>)
    %dma_wait3A_115 = arith.constant 1 : i32
    %dma_wait3A_116 = arith.constant 0 : i32
    %dma_wait3A_117 = arith.constant 0 : i32
    %dma_wait3A_118 = tpu.memref_slice %arg3[%add3A, %dma_wait3A_116, %dma_wait3A_117] : memref<32x80x125xi32, #tpu.memory_space<hbm>> -> memref<1x80x125xi32, #tpu.memory_space<hbm>>
    %dma_wait3A_119 = tpu.memref_squeeze %dma_wait3A_118 : memref<1x80x125xi32, #tpu.memory_space<hbm>> -> memref<80x125xi32, #tpu.memory_space<hbm>>
    %dma_wait3A_120 = arith.constant 0 : i32
    %dma_wait3A_121 = tpu.memref_slice %dma_wait3A_119[%dma_wait3A_115, %dma_wait3A_120] : memref<80x125xi32, #tpu.memory_space<hbm>> -> memref<1x125xi32, #tpu.memory_space<hbm>>
    %dma_wait3A_122 = tpu.memref_squeeze %dma_wait3A_121 : memref<1x125xi32, #tpu.memory_space<hbm>> -> memref<125xi32, #tpu.memory_space<hbm>>
    %dma_wait3A_123 = arith.constant 0 : i32
    %dma_wait3A_124 = arith.constant 0 : i32
    %dma_wait3A_125 = tpu.memref_slice %arg3[%add3A, %dma_wait3A_123, %dma_wait3A_124] : memref<32x80x125xi32, #tpu.memory_space<hbm>> -> memref<1x80x125xi32, #tpu.memory_space<hbm>>
    %dma_wait3A_126 = tpu.memref_squeeze %dma_wait3A_125 : memref<1x80x125xi32, #tpu.memory_space<hbm>> -> memref<80x125xi32, #tpu.memory_space<hbm>>
    %dma_wait3A_127 = arith.constant 0 : i32
    %dma_wait3A_128 = tpu.memref_slice %dma_wait3A_126[%dma_wait3A_115, %dma_wait3A_127] : memref<80x125xi32, #tpu.memory_space<hbm>> -> memref<1x125xi32, #tpu.memory_space<hbm>>
    %dma_wait3A_129 = tpu.memref_squeeze %dma_wait3A_128 : memref<1x125xi32, #tpu.memory_space<hbm>> -> memref<125xi32, #tpu.memory_space<hbm>>
    tpu.wait_dma2 semaphore(%arg17 : memref<!tpu.dma_semaphore, #tpu.memory_space<semaphore_mem>>) src(%dma_wait3A_129 : memref<125xi32, #tpu.memory_space<hbm>>) dst(%arg7 : memref<125xi32, #tpu.memory_space<vmem>>)
    %dma_start3A_130 = arith.constant 0 : i32
    %dma_start3A_131 = arith.constant 0 : i32
    %dma_start3A_132 = tpu.memref_slice %arg2[%dma_start3A_130, %dma_start3A_131] : memref<10000x128xf32, #tpu.memory_space<hbm>> -> memref<10000x128xf32, #tpu.memory_space<hbm>>
    tpu.enqueue_indirect_dma source(%dma_start3A_132 : memref<10000x128xf32, #tpu.memory_space<hbm>>) target(%arg13 : memref<125x128xf32, #tpu.memory_space<vmem>>) offsets(%arg7 : memref<125xi32, #tpu.memory_space<vmem>>) semaphore(%arg23 : memref<!tpu.dma_semaphore, #tpu.memory_space<semaphore_mem>>)
    %dma_wait3A_133 = arith.constant 2 : i32
    %dma_wait3A_134 = arith.constant 0 : i32
    %dma_wait3A_135 = arith.constant 0 : i32
    %dma_wait3A_136 = tpu.memref_slice %arg3[%add3A, %dma_wait3A_134, %dma_wait3A_135] : memref<32x80x125xi32, #tpu.memory_space<hbm>> -> memref<1x80x125xi32, #tpu.memory_space<hbm>>
    %dma_wait3A_137 = tpu.memref_squeeze %dma_wait3A_136 : memref<1x80x125xi32, #tpu.memory_space<hbm>> -> memref<80x125xi32, #tpu.memory_space<hbm>>
    %dma_wait3A_138 = arith.constant 0 : i32
    %dma_wait3A_139 = tpu.memref_slice %dma_wait3A_137[%dma_wait3A_133, %dma_wait3A_138] : memref<80x125xi32, #tpu.memory_space<hbm>> -> memref<1x125xi32, #tpu.memory_space<hbm>>
    %dma_wait3A_140 = tpu.memref_squeeze %dma_wait3A_139 : memref<1x125xi32, #tpu.memory_space<hbm>> -> memref<125xi32, #tpu.memory_space<hbm>>
    %dma_wait3A_141 = arith.constant 0 : i32
    %dma_wait3A_142 = arith.constant 0 : i32
    %dma_wait3A_143 = tpu.memref_slice %arg3[%add3A, %dma_wait3A_141, %dma_wait3A_142] : memref<32x80x125xi32, #tpu.memory_space<hbm>> -> memref<1x80x125xi32, #tpu.memory_space<hbm>>
    %dma_wait3A_144 = tpu.memref_squeeze %dma_wait3A_143 : memref<1x80x125xi32, #tpu.memory_space<hbm>> -> memref<80x125xi32, #tpu.memory_space<hbm>>
    %dma_wait3A_145 = arith.constant 0 : i32
    %dma_wait3A_146 = tpu.memref_slice %dma_wait3A_144[%dma_wait3A_133, %dma_wait3A_145] : memref<80x125xi32, #tpu.memory_space<hbm>> -> memref<1x125xi32, #tpu.memory_space<hbm>>
    %dma_wait3A_147 = tpu.memref_squeeze %dma_wait3A_146 : memref<1x125xi32, #tpu.memory_space<hbm>> -> memref<125xi32, #tpu.memory_space<hbm>>
    tpu.wait_dma2 semaphore(%arg18 : memref<!tpu.dma_semaphore, #tpu.memory_space<semaphore_mem>>) src(%dma_wait3A_147 : memref<125xi32, #tpu.memory_space<hbm>>) dst(%arg8 : memref<125xi32, #tpu.memory_space<vmem>>)
    %dma_start3A_148 = arith.constant 0 : i32
    %dma_start3A_149 = arith.constant 0 : i32
    %dma_start3A_150 = tpu.memref_slice %arg2[%dma_start3A_148, %dma_start3A_149] : memref<10000x128xf32, #tpu.memory_space<hbm>> -> memref<10000x128xf32, #tpu.memory_space<hbm>>
    tpu.enqueue_indirect_dma source(%dma_start3A_150 : memref<10000x128xf32, #tpu.memory_space<hbm>>) target(%arg14 : memref<125x128xf32, #tpu.memory_space<vmem>>) offsets(%arg8 : memref<125xi32, #tpu.memory_space<vmem>>) semaphore(%arg24 : memref<!tpu.dma_semaphore, #tpu.memory_space<semaphore_mem>>)
    %scan3A = arith.constant 0 : i32
    %scan3A_151 = arith.constant 26 : i32
    %scan3A_152 = arith.addi %scan3A, %scan3A_151 : i32
    %scan3A_153 = arith.constant 1 : i32
    scf.for %scan3A_202 = %scan3A to %scan3A_152 step %scan3A_153  : i32 {
      %mul3A_203 = arith.constant 3 : i32
      %mul3A_204 = arith.muli %scan3A_202, %mul3A_203 : i32
      %add3A_205 = arith.constant 0 : i32
      %add3A_206 = arith.addi %add3A_205, %mul3A_204 : i32
      %add3A_207 = arith.constant 0 : i32
      %add3A_208 = arith.addi %add3A_206, %add3A_207 : i32
      %dma_wait3A_209 = arith.constant 0 : i32
      %dma_wait3A_210 = arith.constant 0 : i32
      %dma_wait3A_211 = tpu.memref_slice %arg2[%dma_wait3A_209, %dma_wait3A_210] : memref<10000x128xf32, #tpu.memory_space<hbm>> -> memref<10000x128xf32, #tpu.memory_space<hbm>>
      tpu.wait_indirect_dma semaphore(%arg22 : memref<!tpu.dma_semaphore, #tpu.memory_space<semaphore_mem>>) src(%dma_wait3A_211 : memref<10000x128xf32, #tpu.memory_space<hbm>>) dst(%arg12 : memref<125x128xf32, #tpu.memory_space<vmem>>)
      %add3A_212 = arith.constant 3 : i32
      %add3A_213 = arith.addi %add3A_208, %add3A_212 : i32
      %lt3A_214 = arith.constant 80 : i32
      %lt3A_215 = arith.cmpi slt, %add3A_213, %lt3A_214 : i32
      %convert_element_type3A_216 = arith.extui %lt3A_215 : i1 to i32
      %cond3A_217 = arith.constant 0 : i32
      %cond3A_218 = arith.cmpi ne, %convert_element_type3A_216, %cond3A_217 : i32
      scf.if %cond3A_218 {
        %add3A_306 = arith.constant 3 : i32
        %add3A_307 = arith.addi %add3A_208, %add3A_306 : i32
        %dma_start3A_308 = arith.constant 0 : i32
        %dma_start3A_309 = arith.constant 0 : i32
        %dma_start3A_310 = tpu.memref_slice %arg3[%add3A, %dma_start3A_308, %dma_start3A_309] : memref<32x80x125xi32, #tpu.memory_space<hbm>> -> memref<1x80x125xi32, #tpu.memory_space<hbm>>
        %dma_start3A_311 = tpu.memref_squeeze %dma_start3A_310 : memref<1x80x125xi32, #tpu.memory_space<hbm>> -> memref<80x125xi32, #tpu.memory_space<hbm>>
        %dma_start3A_312 = arith.constant 0 : i32
        %dma_start3A_313 = tpu.memref_slice %dma_start3A_311[%add3A_307, %dma_start3A_312] : memref<80x125xi32, #tpu.memory_space<hbm>> -> memref<1x125xi32, #tpu.memory_space<hbm>>
        %dma_start3A_314 = tpu.memref_squeeze %dma_start3A_313 : memref<1x125xi32, #tpu.memory_space<hbm>> -> memref<125xi32, #tpu.memory_space<hbm>>
        %dma_start3A_315 = arith.constant 0 : i32
        %dma_start3A_316 = arith.constant 0 : i32
        %dma_start3A_317 = tpu.memref_slice %arg3[%add3A, %dma_start3A_315, %dma_start3A_316] : memref<32x80x125xi32, #tpu.memory_space<hbm>> -> memref<1x80x125xi32, #tpu.memory_space<hbm>>
        %dma_start3A_318 = tpu.memref_squeeze %dma_start3A_317 : memref<1x80x125xi32, #tpu.memory_space<hbm>> -> memref<80x125xi32, #tpu.memory_space<hbm>>
        %dma_start3A_319 = arith.constant 0 : i32
        %dma_start3A_320 = tpu.memref_slice %dma_start3A_318[%add3A_307, %dma_start3A_319] : memref<80x125xi32, #tpu.memory_space<hbm>> -> memref<1x125xi32, #tpu.memory_space<hbm>>
        %dma_start3A_321 = tpu.memref_squeeze %dma_start3A_320 : memref<1x125xi32, #tpu.memory_space<hbm>> -> memref<125xi32, #tpu.memory_space<hbm>>
        tpu.enqueue_dma source(%dma_start3A_321 : memref<125xi32, #tpu.memory_space<hbm>>) target(%arg6 : memref<125xi32, #tpu.memory_space<vmem>>) target_semaphore(%arg16 : memref<!tpu.dma_semaphore, #tpu.memory_space<semaphore_mem>>)
      } else {
      }
      %dma_wait3A_219 = arith.constant 0 : i32
      %dma_wait3A_220 = arith.constant 0 : i32
      %dma_wait3A_221 = tpu.memref_slice %arg4[%add3A, %dma_wait3A_219, %dma_wait3A_220] : memref<32x80x125xi32, #tpu.memory_space<hbm>> -> memref<1x80x125xi32, #tpu.memory_space<hbm>>
      %dma_wait3A_222 = tpu.memref_squeeze %dma_wait3A_221 : memref<1x80x125xi32, #tpu.memory_space<hbm>> -> memref<80x125xi32, #tpu.memory_space<hbm>>
      %dma_wait3A_223 = arith.constant 0 : i32
      %dma_wait3A_224 = tpu.memref_slice %dma_wait3A_222[%add3A_208, %dma_wait3A_223] : memref<80x125xi32, #tpu.memory_space<hbm>> -> memref<1x125xi32, #tpu.memory_space<hbm>>
      %dma_wait3A_225 = tpu.memref_squeeze %dma_wait3A_224 : memref<1x125xi32, #tpu.memory_space<hbm>> -> memref<125xi32, #tpu.memory_space<hbm>>
      %dma_wait3A_226 = arith.constant 0 : i32
      %dma_wait3A_227 = arith.constant 0 : i32
      %dma_wait3A_228 = tpu.memref_slice %arg4[%add3A, %dma_wait3A_226, %dma_wait3A_227] : memref<32x80x125xi32, #tpu.memory_space<hbm>> -> memref<1x80x125xi32, #tpu.memory_space<hbm>>
      %dma_wait3A_229 = tpu.memref_squeeze %dma_wait3A_228 : memref<1x80x125xi32, #tpu.memory_space<hbm>> -> memref<80x125xi32, #tpu.memory_space<hbm>>
      %dma_wait3A_230 = arith.constant 0 : i32
      %dma_wait3A_231 = tpu.memref_slice %dma_wait3A_229[%add3A_208, %dma_wait3A_230] : memref<80x125xi32, #tpu.memory_space<hbm>> -> memref<1x125xi32, #tpu.memory_space<hbm>>
      %dma_wait3A_232 = tpu.memref_squeeze %dma_wait3A_231 : memref<1x125xi32, #tpu.memory_space<hbm>> -> memref<125xi32, #tpu.memory_space<hbm>>
      tpu.wait_dma2 semaphore(%arg19 : memref<!tpu.dma_semaphore, #tpu.memory_space<semaphore_mem>>) src(%dma_wait3A_232 : memref<125xi32, #tpu.memory_space<hbm>>) dst(%arg9 : memref<125xi32, #tpu.memory_space<vmem>>)
      "tpu.region"() ({
        %run_scoped3A = tpu.sem_alloc : memref<!tpu.dma_semaphore, #tpu.memory_space<semaphore_mem>>
        %dma_start3A_306 = arith.constant 0 : i32
        %dma_start3A_307 = arith.constant 0 : i32
        %dma_start3A_308 = tpu.memref_slice %arg15[%dma_start3A_306, %dma_start3A_307] : memref<10000x128xf32, #tpu.memory_space<vmem_shared>> -> memref<10000x128xf32, #tpu.memory_space<vmem_shared>>
        tpu.enqueue_indirect_dma source(%arg12 : memref<125x128xf32, #tpu.memory_space<vmem>>) target(%dma_start3A_308 : memref<10000x128xf32, #tpu.memory_space<vmem_shared>>) offsets(%arg9 : memref<125xi32, #tpu.memory_space<vmem>>) semaphore(%run_scoped3A : memref<!tpu.dma_semaphore, #tpu.memory_space<semaphore_mem>>) {add = true}
        %dma_wait3A_309 = arith.constant 0 : i32
        %dma_wait3A_310 = arith.constant 0 : i32
        %dma_wait3A_311 = tpu.memref_slice %arg15[%dma_wait3A_309, %dma_wait3A_310] : memref<10000x128xf32, #tpu.memory_space<vmem_shared>> -> memref<10000x128xf32, #tpu.memory_space<vmem_shared>>
        tpu.wait_indirect_dma semaphore(%run_scoped3A : memref<!tpu.dma_semaphore, #tpu.memory_space<semaphore_mem>>) src(%arg12 : memref<125x128xf32, #tpu.memory_space<vmem>>) dst(%dma_wait3A_311 : memref<10000x128xf32, #tpu.memory_space<vmem_shared>>)
        tpu.yield
      }) : () -> ()
      %add3A_233 = arith.constant 3 : i32
      %add3A_234 = arith.addi %add3A_208, %add3A_233 : i32
      %lt3A_235 = arith.constant 80 : i32
      %lt3A_236 = arith.cmpi slt, %add3A_234, %lt3A_235 : i32
      %convert_element_type3A_237 = arith.extui %lt3A_236 : i1 to i32
      %cond3A_238 = arith.constant 0 : i32
      %cond3A_239 = arith.cmpi ne, %convert_element_type3A_237, %cond3A_238 : i32
      scf.if %cond3A_239 {
        %add3A_306 = arith.constant 3 : i32
        %add3A_307 = arith.addi %add3A_208, %add3A_306 : i32
        %dma_start3A_308 = arith.constant 0 : i32
        %dma_start3A_309 = arith.constant 0 : i32
        %dma_start3A_310 = tpu.memref_slice %arg4[%add3A, %dma_start3A_308, %dma_start3A_309] : memref<32x80x125xi32, #tpu.memory_space<hbm>> -> memref<1x80x125xi32, #tpu.memory_space<hbm>>
        %dma_start3A_311 = tpu.memref_squeeze %dma_start3A_310 : memref<1x80x125xi32, #tpu.memory_space<hbm>> -> memref<80x125xi32, #tpu.memory_space<hbm>>
        %dma_start3A_312 = arith.constant 0 : i32
        %dma_start3A_313 = tpu.memref_slice %dma_start3A_311[%add3A_307, %dma_start3A_312] : memref<80x125xi32, #tpu.memory_space<hbm>> -> memref<1x125xi32, #tpu.memory_space<hbm>>
        %dma_start3A_314 = tpu.memref_squeeze %dma_start3A_313 : memref<1x125xi32, #tpu.memory_space<hbm>> -> memref<125xi32, #tpu.memory_space<hbm>>
        %dma_start3A_315 = arith.constant 0 : i32
        %dma_start3A_316 = arith.constant 0 : i32
        %dma_start3A_317 = tpu.memref_slice %arg4[%add3A, %dma_start3A_315, %dma_start3A_316] : memref<32x80x125xi32, #tpu.memory_space<hbm>> -> memref<1x80x125xi32, #tpu.memory_space<hbm>>
        %dma_start3A_318 = tpu.memref_squeeze %dma_start3A_317 : memref<1x80x125xi32, #tpu.memory_space<hbm>> -> memref<80x125xi32, #tpu.memory_space<hbm>>
        %dma_start3A_319 = arith.constant 0 : i32
        %dma_start3A_320 = tpu.memref_slice %dma_start3A_318[%add3A_307, %dma_start3A_319] : memref<80x125xi32, #tpu.memory_space<hbm>> -> memref<1x125xi32, #tpu.memory_space<hbm>>
        %dma_start3A_321 = tpu.memref_squeeze %dma_start3A_320 : memref<1x125xi32, #tpu.memory_space<hbm>> -> memref<125xi32, #tpu.memory_space<hbm>>
        tpu.enqueue_dma source(%dma_start3A_321 : memref<125xi32, #tpu.memory_space<hbm>>) target(%arg9 : memref<125xi32, #tpu.memory_space<vmem>>) target_semaphore(%arg19 : memref<!tpu.dma_semaphore, #tpu.memory_space<semaphore_mem>>)
        %add3A_322 = arith.constant 3 : i32
        %add3A_323 = arith.addi %add3A_208, %add3A_322 : i32
        %dma_wait3A_324 = arith.constant 0 : i32
        %dma_wait3A_325 = arith.constant 0 : i32
        %dma_wait3A_326 = tpu.memref_slice %arg3[%add3A, %dma_wait3A_324, %dma_wait3A_325] : memref<32x80x125xi32, #tpu.memory_space<hbm>> -> memref<1x80x125xi32, #tpu.memory_space<hbm>>
        %dma_wait3A_327 = tpu.memref_squeeze %dma_wait3A_326 : memref<1x80x125xi32, #tpu.memory_space<hbm>> -> memref<80x125xi32, #tpu.memory_space<hbm>>
        %dma_wait3A_328 = arith.constant 0 : i32
        %dma_wait3A_329 = tpu.memref_slice %dma_wait3A_327[%add3A_323, %dma_wait3A_328] : memref<80x125xi32, #tpu.memory_space<hbm>> -> memref<1x125xi32, #tpu.memory_space<hbm>>
        %dma_wait3A_330 = tpu.memref_squeeze %dma_wait3A_329 : memref<1x125xi32, #tpu.memory_space<hbm>> -> memref<125xi32, #tpu.memory_space<hbm>>
        %dma_wait3A_331 = arith.constant 0 : i32
        %dma_wait3A_332 = arith.constant 0 : i32
        %dma_wait3A_333 = tpu.memref_slice %arg3[%add3A, %dma_wait3A_331, %dma_wait3A_332] : memref<32x80x125xi32, #tpu.memory_space<hbm>> -> memref<1x80x125xi32, #tpu.memory_space<hbm>>
        %dma_wait3A_334 = tpu.memref_squeeze %dma_wait3A_333 : memref<1x80x125xi32, #tpu.memory_space<hbm>> -> memref<80x125xi32, #tpu.memory_space<hbm>>
        %dma_wait3A_335 = arith.constant 0 : i32
        %dma_wait3A_336 = tpu.memref_slice %dma_wait3A_334[%add3A_323, %dma_wait3A_335] : memref<80x125xi32, #tpu.memory_space<hbm>> -> memref<1x125xi32, #tpu.memory_space<hbm>>
        %dma_wait3A_337 = tpu.memref_squeeze %dma_wait3A_336 : memref<1x125xi32, #tpu.memory_space<hbm>> -> memref<125xi32, #tpu.memory_space<hbm>>
        tpu.wait_dma2 semaphore(%arg16 : memref<!tpu.dma_semaphore, #tpu.memory_space<semaphore_mem>>) src(%dma_wait3A_337 : memref<125xi32, #tpu.memory_space<hbm>>) dst(%arg6 : memref<125xi32, #tpu.memory_space<vmem>>)
        %dma_start3A_338 = arith.constant 0 : i32
        %dma_start3A_339 = arith.constant 0 : i32
        %dma_start3A_340 = tpu.memref_slice %arg2[%dma_start3A_338, %dma_start3A_339] : memref<10000x128xf32, #tpu.memory_space<hbm>> -> memref<10000x128xf32, #tpu.memory_space<hbm>>
        tpu.enqueue_indirect_dma source(%dma_start3A_340 : memref<10000x128xf32, #tpu.memory_space<hbm>>) target(%arg12 : memref<125x128xf32, #tpu.memory_space<vmem>>) offsets(%arg6 : memref<125xi32, #tpu.memory_space<vmem>>) semaphore(%arg22 : memref<!tpu.dma_semaphore, #tpu.memory_space<semaphore_mem>>)
      } else {
      }
      %add3A_240 = arith.constant 1 : i32
      %add3A_241 = arith.addi %add3A_206, %add3A_240 : i32
      %dma_wait3A_242 = arith.constant 0 : i32
      %dma_wait3A_243 = arith.constant 0 : i32
      %dma_wait3A_244 = tpu.memref_slice %arg2[%dma_wait3A_242, %dma_wait3A_243] : memref<10000x128xf32, #tpu.memory_space<hbm>> -> memref<10000x128xf32, #tpu.memory_space<hbm>>
      tpu.wait_indirect_dma semaphore(%arg23 : memref<!tpu.dma_semaphore, #tpu.memory_space<semaphore_mem>>) src(%dma_wait3A_244 : memref<10000x128xf32, #tpu.memory_space<hbm>>) dst(%arg13 : memref<125x128xf32, #tpu.memory_space<vmem>>)
      %add3A_245 = arith.constant 3 : i32
      %add3A_246 = arith.addi %add3A_241, %add3A_245 : i32
      %lt3A_247 = arith.constant 80 : i32
      %lt3A_248 = arith.cmpi slt, %add3A_246, %lt3A_247 : i32
      %convert_element_type3A_249 = arith.extui %lt3A_248 : i1 to i32
      %cond3A_250 = arith.constant 0 : i32
      %cond3A_251 = arith.cmpi ne, %convert_element_type3A_249, %cond3A_250 : i32
      scf.if %cond3A_251 {
        %add3A_306 = arith.constant 3 : i32
        %add3A_307 = arith.addi %add3A_241, %add3A_306 : i32
        %dma_start3A_308 = arith.constant 0 : i32
        %dma_start3A_309 = arith.constant 0 : i32
        %dma_start3A_310 = tpu.memref_slice %arg3[%add3A, %dma_start3A_308, %dma_start3A_309] : memref<32x80x125xi32, #tpu.memory_space<hbm>> -> memref<1x80x125xi32, #tpu.memory_space<hbm>>
        %dma_start3A_311 = tpu.memref_squeeze %dma_start3A_310 : memref<1x80x125xi32, #tpu.memory_space<hbm>> -> memref<80x125xi32, #tpu.memory_space<hbm>>
        %dma_start3A_312 = arith.constant 0 : i32
        %dma_start3A_313 = tpu.memref_slice %dma_start3A_311[%add3A_307, %dma_start3A_312] : memref<80x125xi32, #tpu.memory_space<hbm>> -> memref<1x125xi32, #tpu.memory_space<hbm>>
        %dma_start3A_314 = tpu.memref_squeeze %dma_start3A_313 : memref<1x125xi32, #tpu.memory_space<hbm>> -> memref<125xi32, #tpu.memory_space<hbm>>
        %dma_start3A_315 = arith.constant 0 : i32
        %dma_start3A_316 = arith.constant 0 : i32
        %dma_start3A_317 = tpu.memref_slice %arg3[%add3A, %dma_start3A_315, %dma_start3A_316] : memref<32x80x125xi32, #tpu.memory_space<hbm>> -> memref<1x80x125xi32, #tpu.memory_space<hbm>>
        %dma_start3A_318 = tpu.memref_squeeze %dma_start3A_317 : memref<1x80x125xi32, #tpu.memory_space<hbm>> -> memref<80x125xi32, #tpu.memory_space<hbm>>
        %dma_start3A_319 = arith.constant 0 : i32
        %dma_start3A_320 = tpu.memref_slice %dma_start3A_318[%add3A_307, %dma_start3A_319] : memref<80x125xi32, #tpu.memory_space<hbm>> -> memref<1x125xi32, #tpu.memory_space<hbm>>
        %dma_start3A_321 = tpu.memref_squeeze %dma_start3A_320 : memref<1x125xi32, #tpu.memory_space<hbm>> -> memref<125xi32, #tpu.memory_space<hbm>>
        tpu.enqueue_dma source(%dma_start3A_321 : memref<125xi32, #tpu.memory_space<hbm>>) target(%arg7 : memref<125xi32, #tpu.memory_space<vmem>>) target_semaphore(%arg17 : memref<!tpu.dma_semaphore, #tpu.memory_space<semaphore_mem>>)
      } else {
      }
      %dma_wait3A_252 = arith.constant 0 : i32
      %dma_wait3A_253 = arith.constant 0 : i32
      %dma_wait3A_254 = tpu.memref_slice %arg4[%add3A, %dma_wait3A_252, %dma_wait3A_253] : memref<32x80x125xi32, #tpu.memory_space<hbm>> -> memref<1x80x125xi32, #tpu.memory_space<hbm>>
      %dma_wait3A_255 = tpu.memref_squeeze %dma_wait3A_254 : memref<1x80x125xi32, #tpu.memory_space<hbm>> -> memref<80x125xi32, #tpu.memory_space<hbm>>
      %dma_wait3A_256 = arith.constant 0 : i32
      %dma_wait3A_257 = tpu.memref_slice %dma_wait3A_255[%add3A_241, %dma_wait3A_256] : memref<80x125xi32, #tpu.memory_space<hbm>> -> memref<1x125xi32, #tpu.memory_space<hbm>>
      %dma_wait3A_258 = tpu.memref_squeeze %dma_wait3A_257 : memref<1x125xi32, #tpu.memory_space<hbm>> -> memref<125xi32, #tpu.memory_space<hbm>>
      %dma_wait3A_259 = arith.constant 0 : i32
      %dma_wait3A_260 = arith.constant 0 : i32
      %dma_wait3A_261 = tpu.memref_slice %arg4[%add3A, %dma_wait3A_259, %dma_wait3A_260] : memref<32x80x125xi32, #tpu.memory_space<hbm>> -> memref<1x80x125xi32, #tpu.memory_space<hbm>>
      %dma_wait3A_262 = tpu.memref_squeeze %dma_wait3A_261 : memref<1x80x125xi32, #tpu.memory_space<hbm>> -> memref<80x125xi32, #tpu.memory_space<hbm>>
      %dma_wait3A_263 = arith.constant 0 : i32
      %dma_wait3A_264 = tpu.memref_slice %dma_wait3A_262[%add3A_241, %dma_wait3A_263] : memref<80x125xi32, #tpu.memory_space<hbm>> -> memref<1x125xi32, #tpu.memory_space<hbm>>
      %dma_wait3A_265 = tpu.memref_squeeze %dma_wait3A_264 : memref<1x125xi32, #tpu.memory_space<hbm>> -> memref<125xi32, #tpu.memory_space<hbm>>
      tpu.wait_dma2 semaphore(%arg20 : memref<!tpu.dma_semaphore, #tpu.memory_space<semaphore_mem>>) src(%dma_wait3A_265 : memref<125xi32, #tpu.memory_space<hbm>>) dst(%arg10 : memref<125xi32, #tpu.memory_space<vmem>>)
      "tpu.region"() ({
        %run_scoped3A = tpu.sem_alloc : memref<!tpu.dma_semaphore, #tpu.memory_space<semaphore_mem>>
        %dma_start3A_306 = arith.constant 0 : i32
        %dma_start3A_307 = arith.constant 0 : i32
        %dma_start3A_308 = tpu.memref_slice %arg15[%dma_start3A_306, %dma_start3A_307] : memref<10000x128xf32, #tpu.memory_space<vmem_shared>> -> memref<10000x128xf32, #tpu.memory_space<vmem_shared>>
        tpu.enqueue_indirect_dma source(%arg13 : memref<125x128xf32, #tpu.memory_space<vmem>>) target(%dma_start3A_308 : memref<10000x128xf32, #tpu.memory_space<vmem_shared>>) offsets(%arg10 : memref<125xi32, #tpu.memory_space<vmem>>) semaphore(%run_scoped3A : memref<!tpu.dma_semaphore, #tpu.memory_space<semaphore_mem>>) {add = true}
        %dma_wait3A_309 = arith.constant 0 : i32
        %dma_wait3A_310 = arith.constant 0 : i32
        %dma_wait3A_311 = tpu.memref_slice %arg15[%dma_wait3A_309, %dma_wait3A_310] : memref<10000x128xf32, #tpu.memory_space<vmem_shared>> -> memref<10000x128xf32, #tpu.memory_space<vmem_shared>>
        tpu.wait_indirect_dma semaphore(%run_scoped3A : memref<!tpu.dma_semaphore, #tpu.memory_space<semaphore_mem>>) src(%arg13 : memref<125x128xf32, #tpu.memory_space<vmem>>) dst(%dma_wait3A_311 : memref<10000x128xf32, #tpu.memory_space<vmem_shared>>)
        tpu.yield
      }) : () -> ()
      %add3A_266 = arith.constant 3 : i32
      %add3A_267 = arith.addi %add3A_241, %add3A_266 : i32
      %lt3A_268 = arith.constant 80 : i32
      %lt3A_269 = arith.cmpi slt, %add3A_267, %lt3A_268 : i32
      %convert_element_type3A_270 = arith.extui %lt3A_269 : i1 to i32
      %cond3A_271 = arith.constant 0 : i32
      %cond3A_272 = arith.cmpi ne, %convert_element_type3A_270, %cond3A_271 : i32
      scf.if %cond3A_272 {
        %add3A_306 = arith.constant 3 : i32
        %add3A_307 = arith.addi %add3A_241, %add3A_306 : i32
        %dma_start3A_308 = arith.constant 0 : i32
        %dma_start3A_309 = arith.constant 0 : i32
        %dma_start3A_310 = tpu.memref_slice %arg4[%add3A, %dma_start3A_308, %dma_start3A_309] : memref<32x80x125xi32, #tpu.memory_space<hbm>> -> memref<1x80x125xi32, #tpu.memory_space<hbm>>
        %dma_start3A_311 = tpu.memref_squeeze %dma_start3A_310 : memref<1x80x125xi32, #tpu.memory_space<hbm>> -> memref<80x125xi32, #tpu.memory_space<hbm>>
        %dma_start3A_312 = arith.constant 0 : i32
        %dma_start3A_313 = tpu.memref_slice %dma_start3A_311[%add3A_307, %dma_start3A_312] : memref<80x125xi32, #tpu.memory_space<hbm>> -> memref<1x125xi32, #tpu.memory_space<hbm>>
        %dma_start3A_314 = tpu.memref_squeeze %dma_start3A_313 : memref<1x125xi32, #tpu.memory_space<hbm>> -> memref<125xi32, #tpu.memory_space<hbm>>
        %dma_start3A_315 = arith.constant 0 : i32
        %dma_start3A_316 = arith.constant 0 : i32
        %dma_start3A_317 = tpu.memref_slice %arg4[%add3A, %dma_start3A_315, %dma_start3A_316] : memref<32x80x125xi32, #tpu.memory_space<hbm>> -> memref<1x80x125xi32, #tpu.memory_space<hbm>>
        %dma_start3A_318 = tpu.memref_squeeze %dma_start3A_317 : memref<1x80x125xi32, #tpu.memory_space<hbm>> -> memref<80x125xi32, #tpu.memory_space<hbm>>
        %dma_start3A_319 = arith.constant 0 : i32
        %dma_start3A_320 = tpu.memref_slice %dma_start3A_318[%add3A_307, %dma_start3A_319] : memref<80x125xi32, #tpu.memory_space<hbm>> -> memref<1x125xi32, #tpu.memory_space<hbm>>
        %dma_start3A_321 = tpu.memref_squeeze %dma_start3A_320 : memref<1x125xi32, #tpu.memory_space<hbm>> -> memref<125xi32, #tpu.memory_space<hbm>>
        tpu.enqueue_dma source(%dma_start3A_321 : memref<125xi32, #tpu.memory_space<hbm>>) target(%arg10 : memref<125xi32, #tpu.memory_space<vmem>>) target_semaphore(%arg20 : memref<!tpu.dma_semaphore, #tpu.memory_space<semaphore_mem>>)
        %add3A_322 = arith.constant 3 : i32
        %add3A_323 = arith.addi %add3A_241, %add3A_322 : i32
        %dma_wait3A_324 = arith.constant 0 : i32
        %dma_wait3A_325 = arith.constant 0 : i32
        %dma_wait3A_326 = tpu.memref_slice %arg3[%add3A, %dma_wait3A_324, %dma_wait3A_325] : memref<32x80x125xi32, #tpu.memory_space<hbm>> -> memref<1x80x125xi32, #tpu.memory_space<hbm>>
        %dma_wait3A_327 = tpu.memref_squeeze %dma_wait3A_326 : memref<1x80x125xi32, #tpu.memory_space<hbm>> -> memref<80x125xi32, #tpu.memory_space<hbm>>
        %dma_wait3A_328 = arith.constant 0 : i32
        %dma_wait3A_329 = tpu.memref_slice %dma_wait3A_327[%add3A_323, %dma_wait3A_328] : memref<80x125xi32, #tpu.memory_space<hbm>> -> memref<1x125xi32, #tpu.memory_space<hbm>>
        %dma_wait3A_330 = tpu.memref_squeeze %dma_wait3A_329 : memref<1x125xi32, #tpu.memory_space<hbm>> -> memref<125xi32, #tpu.memory_space<hbm>>
        %dma_wait3A_331 = arith.constant 0 : i32
        %dma_wait3A_332 = arith.constant 0 : i32
        %dma_wait3A_333 = tpu.memref_slice %arg3[%add3A, %dma_wait3A_331, %dma_wait3A_332] : memref<32x80x125xi32, #tpu.memory_space<hbm>> -> memref<1x80x125xi32, #tpu.memory_space<hbm>>
        %dma_wait3A_334 = tpu.memref_squeeze %dma_wait3A_333 : memref<1x80x125xi32, #tpu.memory_space<hbm>> -> memref<80x125xi32, #tpu.memory_space<hbm>>
        %dma_wait3A_335 = arith.constant 0 : i32
        %dma_wait3A_336 = tpu.memref_slice %dma_wait3A_334[%add3A_323, %dma_wait3A_335] : memref<80x125xi32, #tpu.memory_space<hbm>> -> memref<1x125xi32, #tpu.memory_space<hbm>>
        %dma_wait3A_337 = tpu.memref_squeeze %dma_wait3A_336 : memref<1x125xi32, #tpu.memory_space<hbm>> -> memref<125xi32, #tpu.memory_space<hbm>>
        tpu.wait_dma2 semaphore(%arg17 : memref<!tpu.dma_semaphore, #tpu.memory_space<semaphore_mem>>) src(%dma_wait3A_337 : memref<125xi32, #tpu.memory_space<hbm>>) dst(%arg7 : memref<125xi32, #tpu.memory_space<vmem>>)
        %dma_start3A_338 = arith.constant 0 : i32
        %dma_start3A_339 = arith.constant 0 : i32
        %dma_start3A_340 = tpu.memref_slice %arg2[%dma_start3A_338, %dma_start3A_339] : memref<10000x128xf32, #tpu.memory_space<hbm>> -> memref<10000x128xf32, #tpu.memory_space<hbm>>
        tpu.enqueue_indirect_dma source(%dma_start3A_340 : memref<10000x128xf32, #tpu.memory_space<hbm>>) target(%arg13 : memref<125x128xf32, #tpu.memory_space<vmem>>) offsets(%arg7 : memref<125xi32, #tpu.memory_space<vmem>>) semaphore(%arg23 : memref<!tpu.dma_semaphore, #tpu.memory_space<semaphore_mem>>)
      } else {
      }
      %add3A_273 = arith.constant 2 : i32
      %add3A_274 = arith.addi %add3A_206, %add3A_273 : i32
      %dma_wait3A_275 = arith.constant 0 : i32
      %dma_wait3A_276 = arith.constant 0 : i32
      %dma_wait3A_277 = tpu.memref_slice %arg2[%dma_wait3A_275, %dma_wait3A_276] : memref<10000x128xf32, #tpu.memory_space<hbm>> -> memref<10000x128xf32, #tpu.memory_space<hbm>>
      tpu.wait_indirect_dma semaphore(%arg24 : memref<!tpu.dma_semaphore, #tpu.memory_space<semaphore_mem>>) src(%dma_wait3A_277 : memref<10000x128xf32, #tpu.memory_space<hbm>>) dst(%arg14 : memref<125x128xf32, #tpu.memory_space<vmem>>)
      %add3A_278 = arith.constant 3 : i32
      %add3A_279 = arith.addi %add3A_274, %add3A_278 : i32
      %lt3A_280 = arith.constant 80 : i32
      %lt3A_281 = arith.cmpi slt, %add3A_279, %lt3A_280 : i32
      %convert_element_type3A_282 = arith.extui %lt3A_281 : i1 to i32
      %cond3A_283 = arith.constant 0 : i32
      %cond3A_284 = arith.cmpi ne, %convert_element_type3A_282, %cond3A_283 : i32
      scf.if %cond3A_284 {
        %add3A_306 = arith.constant 3 : i32
        %add3A_307 = arith.addi %add3A_274, %add3A_306 : i32
        %dma_start3A_308 = arith.constant 0 : i32
        %dma_start3A_309 = arith.constant 0 : i32
        %dma_start3A_310 = tpu.memref_slice %arg3[%add3A, %dma_start3A_308, %dma_start3A_309] : memref<32x80x125xi32, #tpu.memory_space<hbm>> -> memref<1x80x125xi32, #tpu.memory_space<hbm>>
        %dma_start3A_311 = tpu.memref_squeeze %dma_start3A_310 : memref<1x80x125xi32, #tpu.memory_space<hbm>> -> memref<80x125xi32, #tpu.memory_space<hbm>>
        %dma_start3A_312 = arith.constant 0 : i32
        %dma_start3A_313 = tpu.memref_slice %dma_start3A_311[%add3A_307, %dma_start3A_312] : memref<80x125xi32, #tpu.memory_space<hbm>> -> memref<1x125xi32, #tpu.memory_space<hbm>>
        %dma_start3A_314 = tpu.memref_squeeze %dma_start3A_313 : memref<1x125xi32, #tpu.memory_space<hbm>> -> memref<125xi32, #tpu.memory_space<hbm>>
        %dma_start3A_315 = arith.constant 0 : i32
        %dma_start3A_316 = arith.constant 0 : i32
        %dma_start3A_317 = tpu.memref_slice %arg3[%add3A, %dma_start3A_315, %dma_start3A_316] : memref<32x80x125xi32, #tpu.memory_space<hbm>> -> memref<1x80x125xi32, #tpu.memory_space<hbm>>
        %dma_start3A_318 = tpu.memref_squeeze %dma_start3A_317 : memref<1x80x125xi32, #tpu.memory_space<hbm>> -> memref<80x125xi32, #tpu.memory_space<hbm>>
        %dma_start3A_319 = arith.constant 0 : i32
        %dma_start3A_320 = tpu.memref_slice %dma_start3A_318[%add3A_307, %dma_start3A_319] : memref<80x125xi32, #tpu.memory_space<hbm>> -> memref<1x125xi32, #tpu.memory_space<hbm>>
        %dma_start3A_321 = tpu.memref_squeeze %dma_start3A_320 : memref<1x125xi32, #tpu.memory_space<hbm>> -> memref<125xi32, #tpu.memory_space<hbm>>
        tpu.enqueue_dma source(%dma_start3A_321 : memref<125xi32, #tpu.memory_space<hbm>>) target(%arg8 : memref<125xi32, #tpu.memory_space<vmem>>) target_semaphore(%arg18 : memref<!tpu.dma_semaphore, #tpu.memory_space<semaphore_mem>>)
      } else {
      }
      %dma_wait3A_285 = arith.constant 0 : i32
      %dma_wait3A_286 = arith.constant 0 : i32
      %dma_wait3A_287 = tpu.memref_slice %arg4[%add3A, %dma_wait3A_285, %dma_wait3A_286] : memref<32x80x125xi32, #tpu.memory_space<hbm>> -> memref<1x80x125xi32, #tpu.memory_space<hbm>>
      %dma_wait3A_288 = tpu.memref_squeeze %dma_wait3A_287 : memref<1x80x125xi32, #tpu.memory_space<hbm>> -> memref<80x125xi32, #tpu.memory_space<hbm>>
      %dma_wait3A_289 = arith.constant 0 : i32
      %dma_wait3A_290 = tpu.memref_slice %dma_wait3A_288[%add3A_274, %dma_wait3A_289] : memref<80x125xi32, #tpu.memory_space<hbm>> -> memref<1x125xi32, #tpu.memory_space<hbm>>
      %dma_wait3A_291 = tpu.memref_squeeze %dma_wait3A_290 : memref<1x125xi32, #tpu.memory_space<hbm>> -> memref<125xi32, #tpu.memory_space<hbm>>
      %dma_wait3A_292 = arith.constant 0 : i32
      %dma_wait3A_293 = arith.constant 0 : i32
      %dma_wait3A_294 = tpu.memref_slice %arg4[%add3A, %dma_wait3A_292, %dma_wait3A_293] : memref<32x80x125xi32, #tpu.memory_space<hbm>> -> memref<1x80x125xi32, #tpu.memory_space<hbm>>
      %dma_wait3A_295 = tpu.memref_squeeze %dma_wait3A_294 : memref<1x80x125xi32, #tpu.memory_space<hbm>> -> memref<80x125xi32, #tpu.memory_space<hbm>>
      %dma_wait3A_296 = arith.constant 0 : i32
      %dma_wait3A_297 = tpu.memref_slice %dma_wait3A_295[%add3A_274, %dma_wait3A_296] : memref<80x125xi32, #tpu.memory_space<hbm>> -> memref<1x125xi32, #tpu.memory_space<hbm>>
      %dma_wait3A_298 = tpu.memref_squeeze %dma_wait3A_297 : memref<1x125xi32, #tpu.memory_space<hbm>> -> memref<125xi32, #tpu.memory_space<hbm>>
      tpu.wait_dma2 semaphore(%arg21 : memref<!tpu.dma_semaphore, #tpu.memory_space<semaphore_mem>>) src(%dma_wait3A_298 : memref<125xi32, #tpu.memory_space<hbm>>) dst(%arg11 : memref<125xi32, #tpu.memory_space<vmem>>)
      "tpu.region"() ({
        %run_scoped3A = tpu.sem_alloc : memref<!tpu.dma_semaphore, #tpu.memory_space<semaphore_mem>>
        %dma_start3A_306 = arith.constant 0 : i32
        %dma_start3A_307 = arith.constant 0 : i32
        %dma_start3A_308 = tpu.memref_slice %arg15[%dma_start3A_306, %dma_start3A_307] : memref<10000x128xf32, #tpu.memory_space<vmem_shared>> -> memref<10000x128xf32, #tpu.memory_space<vmem_shared>>
        tpu.enqueue_indirect_dma source(%arg14 : memref<125x128xf32, #tpu.memory_space<vmem>>) target(%dma_start3A_308 : memref<10000x128xf32, #tpu.memory_space<vmem_shared>>) offsets(%arg11 : memref<125xi32, #tpu.memory_space<vmem>>) semaphore(%run_scoped3A : memref<!tpu.dma_semaphore, #tpu.memory_space<semaphore_mem>>) {add = true}
        %dma_wait3A_309 = arith.constant 0 : i32
        %dma_wait3A_310 = arith.constant 0 : i32
        %dma_wait3A_311 = tpu.memref_slice %arg15[%dma_wait3A_309, %dma_wait3A_310] : memref<10000x128xf32, #tpu.memory_space<vmem_shared>> -> memref<10000x128xf32, #tpu.memory_space<vmem_shared>>
        tpu.wait_indirect_dma semaphore(%run_scoped3A : memref<!tpu.dma_semaphore, #tpu.memory_space<semaphore_mem>>) src(%arg14 : memref<125x128xf32, #tpu.memory_space<vmem>>) dst(%dma_wait3A_311 : memref<10000x128xf32, #tpu.memory_space<vmem_shared>>)
        tpu.yield
      }) : () -> ()
      %add3A_299 = arith.constant 3 : i32
      %add3A_300 = arith.addi %add3A_274, %add3A_299 : i32
      %lt3A_301 = arith.constant 80 : i32
      %lt3A_302 = arith.cmpi slt, %add3A_300, %lt3A_301 : i32
      %convert_element_type3A_303 = arith.extui %lt3A_302 : i1 to i32
      %cond3A_304 = arith.constant 0 : i32
      %cond3A_305 = arith.cmpi ne, %convert_element_type3A_303, %cond3A_304 : i32
      scf.if %cond3A_305 {
        %add3A_306 = arith.constant 3 : i32
        %add3A_307 = arith.addi %add3A_274, %add3A_306 : i32
        %dma_start3A_308 = arith.constant 0 : i32
        %dma_start3A_309 = arith.constant 0 : i32
        %dma_start3A_310 = tpu.memref_slice %arg4[%add3A, %dma_start3A_308, %dma_start3A_309] : memref<32x80x125xi32, #tpu.memory_space<hbm>> -> memref<1x80x125xi32, #tpu.memory_space<hbm>>
        %dma_start3A_311 = tpu.memref_squeeze %dma_start3A_310 : memref<1x80x125xi32, #tpu.memory_space<hbm>> -> memref<80x125xi32, #tpu.memory_space<hbm>>
        %dma_start3A_312 = arith.constant 0 : i32
        %dma_start3A_313 = tpu.memref_slice %dma_start3A_311[%add3A_307, %dma_start3A_312] : memref<80x125xi32, #tpu.memory_space<hbm>> -> memref<1x125xi32, #tpu.memory_space<hbm>>
        %dma_start3A_314 = tpu.memref_squeeze %dma_start3A_313 : memref<1x125xi32, #tpu.memory_space<hbm>> -> memref<125xi32, #tpu.memory_space<hbm>>
        %dma_start3A_315 = arith.constant 0 : i32
        %dma_start3A_316 = arith.constant 0 : i32
        %dma_start3A_317 = tpu.memref_slice %arg4[%add3A, %dma_start3A_315, %dma_start3A_316] : memref<32x80x125xi32, #tpu.memory_space<hbm>> -> memref<1x80x125xi32, #tpu.memory_space<hbm>>
        %dma_start3A_318 = tpu.memref_squeeze %dma_start3A_317 : memref<1x80x125xi32, #tpu.memory_space<hbm>> -> memref<80x125xi32, #tpu.memory_space<hbm>>
        %dma_start3A_319 = arith.constant 0 : i32
        %dma_start3A_320 = tpu.memref_slice %dma_start3A_318[%add3A_307, %dma_start3A_319] : memref<80x125xi32, #tpu.memory_space<hbm>> -> memref<1x125xi32, #tpu.memory_space<hbm>>
        %dma_start3A_321 = tpu.memref_squeeze %dma_start3A_320 : memref<1x125xi32, #tpu.memory_space<hbm>> -> memref<125xi32, #tpu.memory_space<hbm>>
        tpu.enqueue_dma source(%dma_start3A_321 : memref<125xi32, #tpu.memory_space<hbm>>) target(%arg11 : memref<125xi32, #tpu.memory_space<vmem>>) target_semaphore(%arg21 : memref<!tpu.dma_semaphore, #tpu.memory_space<semaphore_mem>>)
        %add3A_322 = arith.constant 3 : i32
        %add3A_323 = arith.addi %add3A_274, %add3A_322 : i32
        %dma_wait3A_324 = arith.constant 0 : i32
        %dma_wait3A_325 = arith.constant 0 : i32
        %dma_wait3A_326 = tpu.memref_slice %arg3[%add3A, %dma_wait3A_324, %dma_wait3A_325] : memref<32x80x125xi32, #tpu.memory_space<hbm>> -> memref<1x80x125xi32, #tpu.memory_space<hbm>>
        %dma_wait3A_327 = tpu.memref_squeeze %dma_wait3A_326 : memref<1x80x125xi32, #tpu.memory_space<hbm>> -> memref<80x125xi32, #tpu.memory_space<hbm>>
        %dma_wait3A_328 = arith.constant 0 : i32
        %dma_wait3A_329 = tpu.memref_slice %dma_wait3A_327[%add3A_323, %dma_wait3A_328] : memref<80x125xi32, #tpu.memory_space<hbm>> -> memref<1x125xi32, #tpu.memory_space<hbm>>
        %dma_wait3A_330 = tpu.memref_squeeze %dma_wait3A_329 : memref<1x125xi32, #tpu.memory_space<hbm>> -> memref<125xi32, #tpu.memory_space<hbm>>
        %dma_wait3A_331 = arith.constant 0 : i32
        %dma_wait3A_332 = arith.constant 0 : i32
        %dma_wait3A_333 = tpu.memref_slice %arg3[%add3A, %dma_wait3A_331, %dma_wait3A_332] : memref<32x80x125xi32, #tpu.memory_space<hbm>> -> memref<1x80x125xi32, #tpu.memory_space<hbm>>
        %dma_wait3A_334 = tpu.memref_squeeze %dma_wait3A_333 : memref<1x80x125xi32, #tpu.memory_space<hbm>> -> memref<80x125xi32, #tpu.memory_space<hbm>>
        %dma_wait3A_335 = arith.constant 0 : i32
        %dma_wait3A_336 = tpu.memref_slice %dma_wait3A_334[%add3A_323, %dma_wait3A_335] : memref<80x125xi32, #tpu.memory_space<hbm>> -> memref<1x125xi32, #tpu.memory_space<hbm>>
        %dma_wait3A_337 = tpu.memref_squeeze %dma_wait3A_336 : memref<1x125xi32, #tpu.memory_space<hbm>> -> memref<125xi32, #tpu.memory_space<hbm>>
        tpu.wait_dma2 semaphore(%arg18 : memref<!tpu.dma_semaphore, #tpu.memory_space<semaphore_mem>>) src(%dma_wait3A_337 : memref<125xi32, #tpu.memory_space<hbm>>) dst(%arg8 : memref<125xi32, #tpu.memory_space<vmem>>)
        %dma_start3A_338 = arith.constant 0 : i32
        %dma_start3A_339 = arith.constant 0 : i32
        %dma_start3A_340 = tpu.memref_slice %arg2[%dma_start3A_338, %dma_start3A_339] : memref<10000x128xf32, #tpu.memory_space<hbm>> -> memref<10000x128xf32, #tpu.memory_space<hbm>>
        tpu.enqueue_indirect_dma source(%dma_start3A_340 : memref<10000x128xf32, #tpu.memory_space<hbm>>) target(%arg14 : memref<125x128xf32, #tpu.memory_space<vmem>>) offsets(%arg8 : memref<125xi32, #tpu.memory_space<vmem>>) semaphore(%arg24 : memref<!tpu.dma_semaphore, #tpu.memory_space<semaphore_mem>>)
      } else {
      }
    }
    %scan3A_154 = arith.constant 26 : i32
    %dma_wait3A_155 = arith.constant 0 : i32
    %dma_wait3A_156 = arith.constant 0 : i32
    %dma_wait3A_157 = tpu.memref_slice %arg2[%dma_wait3A_155, %dma_wait3A_156] : memref<10000x128xf32, #tpu.memory_space<hbm>> -> memref<10000x128xf32, #tpu.memory_space<hbm>>
    tpu.wait_indirect_dma semaphore(%arg22 : memref<!tpu.dma_semaphore, #tpu.memory_space<semaphore_mem>>) src(%dma_wait3A_157 : memref<10000x128xf32, #tpu.memory_space<hbm>>) dst(%arg12 : memref<125x128xf32, #tpu.memory_space<vmem>>)
    %dma_wait3A_158 = arith.constant 78 : i32
    %dma_wait3A_159 = arith.constant 0 : i32
    %dma_wait3A_160 = arith.constant 0 : i32
    %dma_wait3A_161 = tpu.memref_slice %arg4[%add3A, %dma_wait3A_159, %dma_wait3A_160] : memref<32x80x125xi32, #tpu.memory_space<hbm>> -> memref<1x80x125xi32, #tpu.memory_space<hbm>>
    %dma_wait3A_162 = tpu.memref_squeeze %dma_wait3A_161 : memref<1x80x125xi32, #tpu.memory_space<hbm>> -> memref<80x125xi32, #tpu.memory_space<hbm>>
    %dma_wait3A_163 = arith.constant 0 : i32
    %dma_wait3A_164 = tpu.memref_slice %dma_wait3A_162[%dma_wait3A_158, %dma_wait3A_163] : memref<80x125xi32, #tpu.memory_space<hbm>> -> memref<1x125xi32, #tpu.memory_space<hbm>>
    %dma_wait3A_165 = tpu.memref_squeeze %dma_wait3A_164 : memref<1x125xi32, #tpu.memory_space<hbm>> -> memref<125xi32, #tpu.memory_space<hbm>>
    %dma_wait3A_166 = arith.constant 0 : i32
    %dma_wait3A_167 = arith.constant 0 : i32
    %dma_wait3A_168 = tpu.memref_slice %arg4[%add3A, %dma_wait3A_166, %dma_wait3A_167] : memref<32x80x125xi32, #tpu.memory_space<hbm>> -> memref<1x80x125xi32, #tpu.memory_space<hbm>>
    %dma_wait3A_169 = tpu.memref_squeeze %dma_wait3A_168 : memref<1x80x125xi32, #tpu.memory_space<hbm>> -> memref<80x125xi32, #tpu.memory_space<hbm>>
    %dma_wait3A_170 = arith.constant 0 : i32
    %dma_wait3A_171 = tpu.memref_slice %dma_wait3A_169[%dma_wait3A_158, %dma_wait3A_170] : memref<80x125xi32, #tpu.memory_space<hbm>> -> memref<1x125xi32, #tpu.memory_space<hbm>>
    %dma_wait3A_172 = tpu.memref_squeeze %dma_wait3A_171 : memref<1x125xi32, #tpu.memory_space<hbm>> -> memref<125xi32, #tpu.memory_space<hbm>>
    tpu.wait_dma2 semaphore(%arg19 : memref<!tpu.dma_semaphore, #tpu.memory_space<semaphore_mem>>) src(%dma_wait3A_172 : memref<125xi32, #tpu.memory_space<hbm>>) dst(%arg9 : memref<125xi32, #tpu.memory_space<vmem>>)
    "tpu.region"() ({
      %run_scoped3A = tpu.sem_alloc : memref<!tpu.dma_semaphore, #tpu.memory_space<semaphore_mem>>
      %dma_start3A_202 = arith.constant 0 : i32
      %dma_start3A_203 = arith.constant 0 : i32
      %dma_start3A_204 = tpu.memref_slice %arg15[%dma_start3A_202, %dma_start3A_203] : memref<10000x128xf32, #tpu.memory_space<vmem_shared>> -> memref<10000x128xf32, #tpu.memory_space<vmem_shared>>
      tpu.enqueue_indirect_dma source(%arg12 : memref<125x128xf32, #tpu.memory_space<vmem>>) target(%dma_start3A_204 : memref<10000x128xf32, #tpu.memory_space<vmem_shared>>) offsets(%arg9 : memref<125xi32, #tpu.memory_space<vmem>>) semaphore(%run_scoped3A : memref<!tpu.dma_semaphore, #tpu.memory_space<semaphore_mem>>) {add = true}
      %dma_wait3A_205 = arith.constant 0 : i32
      %dma_wait3A_206 = arith.constant 0 : i32
      %dma_wait3A_207 = tpu.memref_slice %arg15[%dma_wait3A_205, %dma_wait3A_206] : memref<10000x128xf32, #tpu.memory_space<vmem_shared>> -> memref<10000x128xf32, #tpu.memory_space<vmem_shared>>
      tpu.wait_indirect_dma semaphore(%run_scoped3A : memref<!tpu.dma_semaphore, #tpu.memory_space<semaphore_mem>>) src(%arg12 : memref<125x128xf32, #tpu.memory_space<vmem>>) dst(%dma_wait3A_207 : memref<10000x128xf32, #tpu.memory_space<vmem_shared>>)
      tpu.yield
    }) : () -> ()
    %dma_wait3A_173 = arith.constant 0 : i32
    %dma_wait3A_174 = arith.constant 0 : i32
    %dma_wait3A_175 = tpu.memref_slice %arg2[%dma_wait3A_173, %dma_wait3A_174] : memref<10000x128xf32, #tpu.memory_space<hbm>> -> memref<10000x128xf32, #tpu.memory_space<hbm>>
    tpu.wait_indirect_dma semaphore(%arg23 : memref<!tpu.dma_semaphore, #tpu.memory_space<semaphore_mem>>) src(%dma_wait3A_175 : memref<10000x128xf32, #tpu.memory_space<hbm>>) dst(%arg13 : memref<125x128xf32, #tpu.memory_space<vmem>>)
    %dma_wait3A_176 = arith.constant 79 : i32
    %dma_wait3A_177 = arith.constant 0 : i32
    %dma_wait3A_178 = arith.constant 0 : i32
    %dma_wait3A_179 = tpu.memref_slice %arg4[%add3A, %dma_wait3A_177, %dma_wait3A_178] : memref<32x80x125xi32, #tpu.memory_space<hbm>> -> memref<1x80x125xi32, #tpu.memory_space<hbm>>
    %dma_wait3A_180 = tpu.memref_squeeze %dma_wait3A_179 : memref<1x80x125xi32, #tpu.memory_space<hbm>> -> memref<80x125xi32, #tpu.memory_space<hbm>>
    %dma_wait3A_181 = arith.constant 0 : i32
    %dma_wait3A_182 = tpu.memref_slice %dma_wait3A_180[%dma_wait3A_176, %dma_wait3A_181] : memref<80x125xi32, #tpu.memory_space<hbm>> -> memref<1x125xi32, #tpu.memory_space<hbm>>
    %dma_wait3A_183 = tpu.memref_squeeze %dma_wait3A_182 : memref<1x125xi32, #tpu.memory_space<hbm>> -> memref<125xi32, #tpu.memory_space<hbm>>
    %dma_wait3A_184 = arith.constant 0 : i32
    %dma_wait3A_185 = arith.constant 0 : i32
    %dma_wait3A_186 = tpu.memref_slice %arg4[%add3A, %dma_wait3A_184, %dma_wait3A_185] : memref<32x80x125xi32, #tpu.memory_space<hbm>> -> memref<1x80x125xi32, #tpu.memory_space<hbm>>
    %dma_wait3A_187 = tpu.memref_squeeze %dma_wait3A_186 : memref<1x80x125xi32, #tpu.memory_space<hbm>> -> memref<80x125xi32, #tpu.memory_space<hbm>>
    %dma_wait3A_188 = arith.constant 0 : i32
    %dma_wait3A_189 = tpu.memref_slice %dma_wait3A_187[%dma_wait3A_176, %dma_wait3A_188] : memref<80x125xi32, #tpu.memory_space<hbm>> -> memref<1x125xi32, #tpu.memory_space<hbm>>
    %dma_wait3A_190 = tpu.memref_squeeze %dma_wait3A_189 : memref<1x125xi32, #tpu.memory_space<hbm>> -> memref<125xi32, #tpu.memory_space<hbm>>
    tpu.wait_dma2 semaphore(%arg20 : memref<!tpu.dma_semaphore, #tpu.memory_space<semaphore_mem>>) src(%dma_wait3A_190 : memref<125xi32, #tpu.memory_space<hbm>>) dst(%arg10 : memref<125xi32, #tpu.memory_space<vmem>>)
    "tpu.region"() ({
      %run_scoped3A = tpu.sem_alloc : memref<!tpu.dma_semaphore, #tpu.memory_space<semaphore_mem>>
      %dma_start3A_202 = arith.constant 0 : i32
      %dma_start3A_203 = arith.constant 0 : i32
      %dma_start3A_204 = tpu.memref_slice %arg15[%dma_start3A_202, %dma_start3A_203] : memref<10000x128xf32, #tpu.memory_space<vmem_shared>> -> memref<10000x128xf32, #tpu.memory_space<vmem_shared>>
      tpu.enqueue_indirect_dma source(%arg13 : memref<125x128xf32, #tpu.memory_space<vmem>>) target(%dma_start3A_204 : memref<10000x128xf32, #tpu.memory_space<vmem_shared>>) offsets(%arg10 : memref<125xi32, #tpu.memory_space<vmem>>) semaphore(%run_scoped3A : memref<!tpu.dma_semaphore, #tpu.memory_space<semaphore_mem>>) {add = true}
      %dma_wait3A_205 = arith.constant 0 : i32
      %dma_wait3A_206 = arith.constant 0 : i32
      %dma_wait3A_207 = tpu.memref_slice %arg15[%dma_wait3A_205, %dma_wait3A_206] : memref<10000x128xf32, #tpu.memory_space<vmem_shared>> -> memref<10000x128xf32, #tpu.memory_space<vmem_shared>>
      tpu.wait_indirect_dma semaphore(%run_scoped3A : memref<!tpu.dma_semaphore, #tpu.memory_space<semaphore_mem>>) src(%arg13 : memref<125x128xf32, #tpu.memory_space<vmem>>) dst(%dma_wait3A_207 : memref<10000x128xf32, #tpu.memory_space<vmem_shared>>)
      tpu.yield
    }) : () -> ()
    %barrier3A_191 = arith.constant 0 : index
    tpu.barrier barrier_id(%barrier3A_191)
    %lt3A_192 = arith.constant 15 : i32
    %lt3A_193 = arith.cmpi slt, %arg1, %lt3A_192 : i32
    %convert_element_type3A_194 = arith.extui %lt3A_193 : i1 to i32
    %cond3A_195 = arith.constant 0 : i32
    %cond3A_196 = arith.cmpi ne, %convert_element_type3A_194, %cond3A_195 : i32
    scf.if %cond3A_196 {
      "tpu.region"() ({
        %run_scoped3A = tpu.sem_alloc : memref<!tpu.dma_semaphore, #tpu.memory_space<semaphore_mem>>
        %dma_start3A_202 = arith.constant 0 : i32
        %dma_start3A_203 = arith.constant 0 : i32
        %dma_start3A_204 = tpu.memref_slice %arg5[%arg0, %dma_start3A_202, %dma_start3A_203] : memref<2x10000x128xf32, #tpu.memory_space<hbm>> -> memref<1x10000x128xf32, #tpu.memory_space<hbm>>
        %dma_start3A_205 = tpu.memref_squeeze %dma_start3A_204 : memref<1x10000x128xf32, #tpu.memory_space<hbm>> -> memref<10000x128xf32, #tpu.memory_space<hbm>>
        %dma_start3A_206 = arith.constant 0 : i32
        %dma_start3A_207 = tpu.memref_slice %dma_start3A_205[%mul3A_0, %dma_start3A_206] : memref<10000x128xf32, #tpu.memory_space<hbm>> -> memref<624x128xf32, #tpu.memory_space<hbm>>
        %dma_start3A_208 = arith.constant 0 : i32
        %dma_start3A_209 = tpu.memref_slice %arg15[%mul3A_0, %dma_start3A_208] : memref<10000x128xf32, #tpu.memory_space<vmem_shared>> -> memref<624x128xf32, #tpu.memory_space<vmem_shared>>
        tpu.enqueue_dma source(%dma_start3A_209 : memref<624x128xf32, #tpu.memory_space<vmem_shared>>) target(%dma_start3A_207 : memref<624x128xf32, #tpu.memory_space<hbm>>) target_semaphore(%run_scoped3A : memref<!tpu.dma_semaphore, #tpu.memory_space<semaphore_mem>>)
        %dma_wait3A_210 = arith.constant 0 : i32
        %dma_wait3A_211 = arith.constant 0 : i32
        %dma_wait3A_212 = tpu.memref_slice %arg5[%arg0, %dma_wait3A_210, %dma_wait3A_211] : memref<2x10000x128xf32, #tpu.memory_space<hbm>> -> memref<1x10000x128xf32, #tpu.memory_space<hbm>>
        %dma_wait3A_213 = tpu.memref_squeeze %dma_wait3A_212 : memref<1x10000x128xf32, #tpu.memory_space<hbm>> -> memref<10000x128xf32, #tpu.memory_space<hbm>>
        %dma_wait3A_214 = arith.constant 0 : i32
        %dma_wait3A_215 = tpu.memref_slice %dma_wait3A_213[%mul3A_0, %dma_wait3A_214] : memref<10000x128xf32, #tpu.memory_space<hbm>> -> memref<624x128xf32, #tpu.memory_space<hbm>>
        %dma_wait3A_216 = arith.constant 0 : i32
        %dma_wait3A_217 = tpu.memref_slice %arg15[%mul3A_0, %dma_wait3A_216] : memref<10000x128xf32, #tpu.memory_space<vmem_shared>> -> memref<624x128xf32, #tpu.memory_space<vmem_shared>>
        tpu.wait_dma2 semaphore(%run_scoped3A : memref<!tpu.dma_semaphore, #tpu.memory_space<semaphore_mem>>) src(%dma_wait3A_217 : memref<624x128xf32, #tpu.memory_space<vmem_shared>>) dst(%dma_wait3A_215 : memref<624x128xf32, #tpu.memory_space<hbm>>)
        tpu.yield
      }) : () -> ()
    } else {
    }
    %eq3A_197 = arith.constant 15 : i32
    %eq3A_198 = arith.cmpi eq, %arg1, %eq3A_197 : i32
    %convert_element_type3A_199 = arith.extui %eq3A_198 : i1 to i32
    %cond3A_200 = arith.constant 0 : i32
    %cond3A_201 = arith.cmpi ne, %convert_element_type3A_199, %cond3A_200 : i32
    scf.if %cond3A_201 {
      "tpu.region"() ({
        %run_scoped3A = tpu.sem_alloc : memref<!tpu.dma_semaphore, #tpu.memory_space<semaphore_mem>>
        %dma_start3A_202 = arith.constant 0 : i32
        %dma_start3A_203 = arith.constant 0 : i32
        %dma_start3A_204 = tpu.memref_slice %arg5[%arg0, %dma_start3A_202, %dma_start3A_203] : memref<2x10000x128xf32, #tpu.memory_space<hbm>> -> memref<1x10000x128xf32, #tpu.memory_space<hbm>>
        %dma_start3A_205 = tpu.memref_squeeze %dma_start3A_204 : memref<1x10000x128xf32, #tpu.memory_space<hbm>> -> memref<10000x128xf32, #tpu.memory_space<hbm>>
        %dma_start3A_206 = arith.constant 9360 : i32
        %dma_start3A_207 = arith.constant 0 : i32
        %dma_start3A_208 = tpu.memref_slice %dma_start3A_205[%dma_start3A_206, %dma_start3A_207] : memref<10000x128xf32, #tpu.memory_space<hbm>> -> memref<640x128xf32, #tpu.memory_space<hbm>>
        %dma_start3A_209 = arith.constant 9360 : i32
        %dma_start3A_210 = arith.constant 0 : i32
        %dma_start3A_211 = tpu.memref_slice %arg15[%dma_start3A_209, %dma_start3A_210] : memref<10000x128xf32, #tpu.memory_space<vmem_shared>> -> memref<640x128xf32, #tpu.memory_space<vmem_shared>>
        tpu.enqueue_dma source(%dma_start3A_211 : memref<640x128xf32, #tpu.memory_space<vmem_shared>>) target(%dma_start3A_208 : memref<640x128xf32, #tpu.memory_space<hbm>>) target_semaphore(%run_scoped3A : memref<!tpu.dma_semaphore, #tpu.memory_space<semaphore_mem>>)
        %dma_wait3A_212 = arith.constant 0 : i32
        %dma_wait3A_213 = arith.constant 0 : i32
        %dma_wait3A_214 = tpu.memref_slice %arg5[%arg0, %dma_wait3A_212, %dma_wait3A_213] : memref<2x10000x128xf32, #tpu.memory_space<hbm>> -> memref<1x10000x128xf32, #tpu.memory_space<hbm>>
        %dma_wait3A_215 = tpu.memref_squeeze %dma_wait3A_214 : memref<1x10000x128xf32, #tpu.memory_space<hbm>> -> memref<10000x128xf32, #tpu.memory_space<hbm>>
        %dma_wait3A_216 = arith.constant 9360 : i32
        %dma_wait3A_217 = arith.constant 0 : i32
        %dma_wait3A_218 = tpu.memref_slice %dma_wait3A_215[%dma_wait3A_216, %dma_wait3A_217] : memref<10000x128xf32, #tpu.memory_space<hbm>> -> memref<640x128xf32, #tpu.memory_space<hbm>>
        %dma_wait3A_219 = arith.constant 9360 : i32
        %dma_wait3A_220 = arith.constant 0 : i32
        %dma_wait3A_221 = tpu.memref_slice %arg15[%dma_wait3A_219, %dma_wait3A_220] : memref<10000x128xf32, #tpu.memory_space<vmem_shared>> -> memref<640x128xf32, #tpu.memory_space<vmem_shared>>
        tpu.wait_dma2 semaphore(%run_scoped3A : memref<!tpu.dma_semaphore, #tpu.memory_space<semaphore_mem>>) src(%dma_wait3A_221 : memref<640x128xf32, #tpu.memory_space<vmem_shared>>) dst(%dma_wait3A_218 : memref<640x128xf32, #tpu.memory_space<hbm>>)
        tpu.yield
      }) : () -> ()
    } else {
    }
    return
  }
}

#map = affine_map<(d0, d1) -> (0, 0)>
#map1 = affine_map<(d0, d1) -> (0, 0, 0)>
module attributes {stable_mosaic.version = 14 : i64} {
  func.func @sc_kernel(%arg0: i32, %arg1: i32, %arg2: memref<10000x128xf32, #tpu.memory_space<hbm>>, %arg3: memref<32x80x125xi32, #tpu.memory_space<hbm>>, %arg4: memref<32x80x125xi32, #tpu.memory_space<hbm>>, %arg5: memref<2x10000x128xf32, #tpu.memory_space<hbm>>, %arg6: memref<125xi32, #tpu.memory_space<vmem>>, %arg7: memref<125xi32, #tpu.memory_space<vmem>>, %arg8: memref<125xi32, #tpu.memory_space<vmem>>, %arg9: memref<125xi32, #tpu.memory_space<vmem>>, %arg10: memref<125xi32, #tpu.memory_space<vmem>>, %arg11: memref<125xi32, #tpu.memory_space<vmem>>, %arg12: memref<125x128xf32, #tpu.memory_space<vmem>>, %arg13: memref<125x128xf32, #tpu.memory_space<vmem>>, %arg14: memref<125x128xf32, #tpu.memory_space<vmem>>, %arg15: memref<10000x128xf32, #tpu.memory_space<vmem_shared>>, %arg16: memref<!tpu.dma_semaphore, #tpu.memory_space<semaphore_mem>>, %arg17: memref<!tpu.dma_semaphore, #tpu.memory_space<semaphore_mem>>, %arg18: memref<!tpu.dma_semaphore, #tpu.memory_space<semaphore_mem>>, %arg19: memref<!tpu.dma_semaphore, #tpu.memory_space<semaphore_mem>>, %arg20: memref<!tpu.dma_semaphore, #tpu.memory_space<semaphore_mem>>, %arg21: memref<!tpu.dma_semaphore, #tpu.memory_space<semaphore_mem>>, %arg22: memref<!tpu.dma_semaphore, #tpu.memory_space<semaphore_mem>>, %arg23: memref<!tpu.dma_semaphore, #tpu.memory_space<semaphore_mem>>, %arg24: memref<!tpu.dma_semaphore, #tpu.memory_space<semaphore_mem>>) attributes {dimension_semantics = [#tpu.dimension_semantics<core_parallel>, #tpu.dimension_semantics<subcore_parallel>], iteration_bounds = array<i64: 2, 16>, scalar_prefetch = 0 : i64, scratch_operands = 19 : i64, tpu.core_type = #tpu.core_type<sc_vector_subcore>, window_params = [{transform_indices = #map}, {transform_indices = #map1}, {transform_indices = #map1}, {transform_indices = #map1}]} {
    %mul3A = arith.constant 624 : i32
    %mul3A_0 = arith.muli %arg1, %mul3A : i32
    %mul3A_1 = arith.constant 16 : i32
    %mul3A_2 = arith.muli %arg0, %mul3A_1 : i32
    %add3A = arith.addi %mul3A_2, %arg1 : i32
    %lt3A = arith.constant 15 : i32
    %lt3A_3 = arith.cmpi slt, %arg1, %lt3A : i32
    %convert_element_type3A = arith.extui %lt3A_3 : i1 to i32
    %cond3A = arith.constant 0 : i32
    %cond3A_4 = arith.cmpi ne, %convert_element_type3A, %cond3A : i32
    scf.if %cond3A_4 {
      "tpu.region"() ({
        %run_scoped3A = tpu.sem_alloc : memref<!tpu.dma_semaphore, #tpu.memory_space<semaphore_mem>>
        %dma_start3A_202 = arith.constant 0 : i32
        %dma_start3A_203 = tpu.memref_slice %arg15[%mul3A_0, %dma_start3A_202] : memref<10000x128xf32, #tpu.memory_space<vmem_shared>> -> memref<624x128xf32, #tpu.memory_space<vmem_shared>>
        %dma_start3A_204 = arith.constant 0 : i32
        %dma_start3A_205 = tpu.memref_slice %arg2[%mul3A_0, %dma_start3A_204] : memref<10000x128xf32, #tpu.memory_space<hbm>> -> memref<624x128xf32, #tpu.memory_space<hbm>>
        tpu.enqueue_dma source(%dma_start3A_205 : memref<624x128xf32, #tpu.memory_space<hbm>>) target(%dma_start3A_203 : memref<624x128xf32, #tpu.memory_space<vmem_shared>>) target_semaphore(%run_scoped3A : memref<!tpu.dma_semaphore, #tpu.memory_space<semaphore_mem>>)
        %dma_wait3A_206 = arith.constant 0 : i32
        %dma_wait3A_207 = tpu.memref_slice %arg15[%mul3A_0, %dma_wait3A_206] : memref<10000x128xf32, #tpu.memory_space<vmem_shared>> -> memref<624x128xf32, #tpu.memory_space<vmem_shared>>
        %dma_wait3A_208 = arith.constant 0 : i32
        %dma_wait3A_209 = tpu.memref_slice %arg2[%mul3A_0, %dma_wait3A_208] : memref<10000x128xf32, #tpu.memory_space<hbm>> -> memref<624x128xf32, #tpu.memory_space<hbm>>
        tpu.wait_dma2 semaphore(%run_scoped3A : memref<!tpu.dma_semaphore, #tpu.memory_space<semaphore_mem>>) src(%dma_wait3A_209 : memref<624x128xf32, #tpu.memory_space<hbm>>) dst(%dma_wait3A_207 : memref<624x128xf32, #tpu.memory_space<vmem_shared>>)
        tpu.yield
      }) : () -> ()
    } else {
    }
    %eq3A = arith.constant 15 : i32
    %eq3A_5 = arith.cmpi eq, %arg1, %eq3A : i32
    %convert_element_type3A_6 = arith.extui %eq3A_5 : i1 to i32
    %cond3A_7 = arith.constant 0 : i32
    %cond3A_8 = arith.cmpi ne, %convert_element_type3A_6, %cond3A_7 : i32
    scf.if %cond3A_8 {
      "tpu.region"() ({
        %run_scoped3A = tpu.sem_alloc : memref<!tpu.dma_semaphore, #tpu.memory_space<semaphore_mem>>
        %dma_start3A_202 = arith.constant 9360 : i32
        %dma_start3A_203 = arith.constant 0 : i32
        %dma_start3A_204 = tpu.memref_slice %arg15[%dma_start3A_202, %dma_start3A_203] : memref<10000x128xf32, #tpu.memory_space<vmem_shared>> -> memref<640x128xf32, #tpu.memory_space<vmem_shared>>
        %dma_start3A_205 = arith.constant 9360 : i32
        %dma_start3A_206 = arith.constant 0 : i32
        %dma_start3A_207 = tpu.memref_slice %arg2[%dma_start3A_205, %dma_start3A_206] : memref<10000x128xf32, #tpu.memory_space<hbm>> -> memref<640x128xf32, #tpu.memory_space<hbm>>
        tpu.enqueue_dma source(%dma_start3A_207 : memref<640x128xf32, #tpu.memory_space<hbm>>) target(%dma_start3A_204 : memref<640x128xf32, #tpu.memory_space<vmem_shared>>) target_semaphore(%run_scoped3A : memref<!tpu.dma_semaphore, #tpu.memory_space<semaphore_mem>>)
        %dma_wait3A_208 = arith.constant 9360 : i32
        %dma_wait3A_209 = arith.constant 0 : i32
        %dma_wait3A_210 = tpu.memref_slice %arg15[%dma_wait3A_208, %dma_wait3A_209] : memref<10000x128xf32, #tpu.memory_space<vmem_shared>> -> memref<640x128xf32, #tpu.memory_space<vmem_shared>>
        %dma_wait3A_211 = arith.constant 9360 : i32
        %dma_wait3A_212 = arith.constant 0 : i32
        %dma_wait3A_213 = tpu.memref_slice %arg2[%dma_wait3A_211, %dma_wait3A_212] : memref<10000x128xf32, #tpu.memory_space<hbm>> -> memref<640x128xf32, #tpu.memory_space<hbm>>
        tpu.wait_dma2 semaphore(%run_scoped3A : memref<!tpu.dma_semaphore, #tpu.memory_space<semaphore_mem>>) src(%dma_wait3A_213 : memref<640x128xf32, #tpu.memory_space<hbm>>) dst(%dma_wait3A_210 : memref<640x128xf32, #tpu.memory_space<vmem_shared>>)
        tpu.yield
      }) : () -> ()
    } else {
    }
    %barrier3A = arith.constant 0 : index
    tpu.barrier barrier_id(%barrier3A)
    %dma_start3A = arith.constant 0 : i32
    %dma_start3A_9 = arith.constant 0 : i32
    %dma_start3A_10 = arith.constant 0 : i32
    %dma_start3A_11 = tpu.memref_slice %arg3[%add3A, %dma_start3A_9, %dma_start3A_10] : memref<32x80x125xi32, #tpu.memory_space<hbm>> -> memref<1x80x125xi32, #tpu.memory_space<hbm>>
    %dma_start3A_12 = tpu.memref_squeeze %dma_start3A_11 : memref<1x80x125xi32, #tpu.memory_space<hbm>> -> memref<80x125xi32, #tpu.memory_space<hbm>>
    %dma_start3A_13 = arith.constant 0 : i32
    %dma_start3A_14 = tpu.memref_slice %dma_start3A_12[%dma_start3A, %dma_start3A_13] : memref<80x125xi32, #tpu.memory_space<hbm>> -> memref<1x125xi32, #tpu.memory_space<hbm>>
    %dma_start3A_15 = tpu.memref_squeeze %dma_start3A_14 : memref<1x125xi32, #tpu.memory_space<hbm>> -> memref<125xi32, #tpu.memory_space<hbm>>
    %dma_start3A_16 = arith.constant 0 : i32
    %dma_start3A_17 = arith.constant 0 : i32
    %dma_start3A_18 = tpu.memref_slice %arg3[%add3A, %dma_start3A_16, %dma_start3A_17] : memref<32x80x125xi32, #tpu.memory_space<hbm>> -> memref<1x80x125xi32, #tpu.memory_space<hbm>>
    %dma_start3A_19 = tpu.memref_squeeze %dma_start3A_18 : memref<1x80x125xi32, #tpu.memory_space<hbm>> -> memref<80x125xi32, #tpu.memory_space<hbm>>
    %dma_start3A_20 = arith.constant 0 : i32
    %dma_start3A_21 = tpu.memref_slice %dma_start3A_19[%dma_start3A, %dma_start3A_20] : memref<80x125xi32, #tpu.memory_space<hbm>> -> memref<1x125xi32, #tpu.memory_space<hbm>>
    %dma_start3A_22 = tpu.memref_squeeze %dma_start3A_21 : memref<1x125xi32, #tpu.memory_space<hbm>> -> memref<125xi32, #tpu.memory_space<hbm>>
    tpu.enqueue_dma source(%dma_start3A_22 : memref<125xi32, #tpu.memory_space<hbm>>) target(%arg6 : memref<125xi32, #tpu.memory_space<vmem>>) target_semaphore(%arg16 : memref<!tpu.dma_semaphore, #tpu.memory_space<semaphore_mem>>)
    %dma_start3A_23 = arith.constant 0 : i32
    %dma_start3A_24 = arith.constant 0 : i32
    %dma_start3A_25 = arith.constant 0 : i32
    %dma_start3A_26 = tpu.memref_slice %arg4[%add3A, %dma_start3A_24, %dma_start3A_25] : memref<32x80x125xi32, #tpu.memory_space<hbm>> -> memref<1x80x125xi32, #tpu.memory_space<hbm>>
    %dma_start3A_27 = tpu.memref_squeeze %dma_start3A_26 : memref<1x80x125xi32, #tpu.memory_space<hbm>> -> memref<80x125xi32, #tpu.memory_space<hbm>>
    %dma_start3A_28 = arith.constant 0 : i32
    %dma_start3A_29 = tpu.memref_slice %dma_start3A_27[%dma_start3A_23, %dma_start3A_28] : memref<80x125xi32, #tpu.memory_space<hbm>> -> memref<1x125xi32, #tpu.memory_space<hbm>>
    %dma_start3A_30 = tpu.memref_squeeze %dma_start3A_29 : memref<1x125xi32, #tpu.memory_space<hbm>> -> memref<125xi32, #tpu.memory_space<hbm>>
    %dma_start3A_31 = arith.constant 0 : i32
    %dma_start3A_32 = arith.constant 0 : i32
    %dma_start3A_33 = tpu.memref_slice %arg4[%add3A, %dma_start3A_31, %dma_start3A_32] : memref<32x80x125xi32, #tpu.memory_space<hbm>> -> memref<1x80x125xi32, #tpu.memory_space<hbm>>
    %dma_start3A_34 = tpu.memref_squeeze %dma_start3A_33 : memref<1x80x125xi32, #tpu.memory_space<hbm>> -> memref<80x125xi32, #tpu.memory_space<hbm>>
    %dma_start3A_35 = arith.constant 0 : i32
    %dma_start3A_36 = tpu.memref_slice %dma_start3A_34[%dma_start3A_23, %dma_start3A_35] : memref<80x125xi32, #tpu.memory_space<hbm>> -> memref<1x125xi32, #tpu.memory_space<hbm>>
    %dma_start3A_37 = tpu.memref_squeeze %dma_start3A_36 : memref<1x125xi32, #tpu.memory_space<hbm>> -> memref<125xi32, #tpu.memory_space<hbm>>
    tpu.enqueue_dma source(%dma_start3A_37 : memref<125xi32, #tpu.memory_space<hbm>>) target(%arg9 : memref<125xi32, #tpu.memory_space<vmem>>) target_semaphore(%arg19 : memref<!tpu.dma_semaphore, #tpu.memory_space<semaphore_mem>>)
    %dma_start3A_38 = arith.constant 1 : i32
    %dma_start3A_39 = arith.constant 0 : i32
    %dma_start3A_40 = arith.constant 0 : i32
    %dma_start3A_41 = tpu.memref_slice %arg3[%add3A, %dma_start3A_39, %dma_start3A_40] : memref<32x80x125xi32, #tpu.memory_space<hbm>> -> memref<1x80x125xi32, #tpu.memory_space<hbm>>
    %dma_start3A_42 = tpu.memref_squeeze %dma_start3A_41 : memref<1x80x125xi32, #tpu.memory_space<hbm>> -> memref<80x125xi32, #tpu.memory_space<hbm>>
    %dma_start3A_43 = arith.constant 0 : i32
    %dma_start3A_44 = tpu.memref_slice %dma_start3A_42[%dma_start3A_38, %dma_start3A_43] : memref<80x125xi32, #tpu.memory_space<hbm>> -> memref<1x125xi32, #tpu.memory_space<hbm>>
    %dma_start3A_45 = tpu.memref_squeeze %dma_start3A_44 : memref<1x125xi32, #tpu.memory_space<hbm>> -> memref<125xi32, #tpu.memory_space<hbm>>
    %dma_start3A_46 = arith.constant 0 : i32
    %dma_start3A_47 = arith.constant 0 : i32
    %dma_start3A_48 = tpu.memref_slice %arg3[%add3A, %dma_start3A_46, %dma_start3A_47] : memref<32x80x125xi32, #tpu.memory_space<hbm>> -> memref<1x80x125xi32, #tpu.memory_space<hbm>>
    %dma_start3A_49 = tpu.memref_squeeze %dma_start3A_48 : memref<1x80x125xi32, #tpu.memory_space<hbm>> -> memref<80x125xi32, #tpu.memory_space<hbm>>
    %dma_start3A_50 = arith.constant 0 : i32
    %dma_start3A_51 = tpu.memref_slice %dma_start3A_49[%dma_start3A_38, %dma_start3A_50] : memref<80x125xi32, #tpu.memory_space<hbm>> -> memref<1x125xi32, #tpu.memory_space<hbm>>
    %dma_start3A_52 = tpu.memref_squeeze %dma_start3A_51 : memref<1x125xi32, #tpu.memory_space<hbm>> -> memref<125xi32, #tpu.memory_space<hbm>>
    tpu.enqueue_dma source(%dma_start3A_52 : memref<125xi32, #tpu.memory_space<hbm>>) target(%arg7 : memref<125xi32, #tpu.memory_space<vmem>>) target_semaphore(%arg17 : memref<!tpu.dma_semaphore, #tpu.memory_space<semaphore_mem>>)
    %dma_start3A_53 = arith.constant 1 : i32
    %dma_start3A_54 = arith.constant 0 : i32
    %dma_start3A_55 = arith.constant 0 : i32
    %dma_start3A_56 = tpu.memref_slice %arg4[%add3A, %dma_start3A_54, %dma_start3A_55] : memref<32x80x125xi32, #tpu.memory_space<hbm>> -> memref<1x80x125xi32, #tpu.memory_space<hbm>>
    %dma_start3A_57 = tpu.memref_squeeze %dma_start3A_56 : memref<1x80x125xi32, #tpu.memory_space<hbm>> -> memref<80x125xi32, #tpu.memory_space<hbm>>
    %dma_start3A_58 = arith.constant 0 : i32
    %dma_start3A_59 = tpu.memref_slice %dma_start3A_57[%dma_start3A_53, %dma_start3A_58] : memref<80x125xi32, #tpu.memory_space<hbm>> -> memref<1x125xi32, #tpu.memory_space<hbm>>
    %dma_start3A_60 = tpu.memref_squeeze %dma_start3A_59 : memref<1x125xi32, #tpu.memory_space<hbm>> -> memref<125xi32, #tpu.memory_space<hbm>>
    %dma_start3A_61 = arith.constant 0 : i32
    %dma_start3A_62 = arith.constant 0 : i32
    %dma_start3A_63 = tpu.memref_slice %arg4[%add3A, %dma_start3A_61, %dma_start3A_62] : memref<32x80x125xi32, #tpu.memory_space<hbm>> -> memref<1x80x125xi32, #tpu.memory_space<hbm>>
    %dma_start3A_64 = tpu.memref_squeeze %dma_start3A_63 : memref<1x80x125xi32, #tpu.memory_space<hbm>> -> memref<80x125xi32, #tpu.memory_space<hbm>>
    %dma_start3A_65 = arith.constant 0 : i32
    %dma_start3A_66 = tpu.memref_slice %dma_start3A_64[%dma_start3A_53, %dma_start3A_65] : memref<80x125xi32, #tpu.memory_space<hbm>> -> memref<1x125xi32, #tpu.memory_space<hbm>>
    %dma_start3A_67 = tpu.memref_squeeze %dma_start3A_66 : memref<1x125xi32, #tpu.memory_space<hbm>> -> memref<125xi32, #tpu.memory_space<hbm>>
    tpu.enqueue_dma source(%dma_start3A_67 : memref<125xi32, #tpu.memory_space<hbm>>) target(%arg10 : memref<125xi32, #tpu.memory_space<vmem>>) target_semaphore(%arg20 : memref<!tpu.dma_semaphore, #tpu.memory_space<semaphore_mem>>)
    %dma_start3A_68 = arith.constant 2 : i32
    %dma_start3A_69 = arith.constant 0 : i32
    %dma_start3A_70 = arith.constant 0 : i32
    %dma_start3A_71 = tpu.memref_slice %arg3[%add3A, %dma_start3A_69, %dma_start3A_70] : memref<32x80x125xi32, #tpu.memory_space<hbm>> -> memref<1x80x125xi32, #tpu.memory_space<hbm>>
    %dma_start3A_72 = tpu.memref_squeeze %dma_start3A_71 : memref<1x80x125xi32, #tpu.memory_space<hbm>> -> memref<80x125xi32, #tpu.memory_space<hbm>>
    %dma_start3A_73 = arith.constant 0 : i32
    %dma_start3A_74 = tpu.memref_slice %dma_start3A_72[%dma_start3A_68, %dma_start3A_73] : memref<80x125xi32, #tpu.memory_space<hbm>> -> memref<1x125xi32, #tpu.memory_space<hbm>>
    %dma_start3A_75 = tpu.memref_squeeze %dma_start3A_74 : memref<1x125xi32, #tpu.memory_space<hbm>> -> memref<125xi32, #tpu.memory_space<hbm>>
    %dma_start3A_76 = arith.constant 0 : i32
    %dma_start3A_77 = arith.constant 0 : i32
    %dma_start3A_78 = tpu.memref_slice %arg3[%add3A, %dma_start3A_76, %dma_start3A_77] : memref<32x80x125xi32, #tpu.memory_space<hbm>> -> memref<1x80x125xi32, #tpu.memory_space<hbm>>
    %dma_start3A_79 = tpu.memref_squeeze %dma_start3A_78 : memref<1x80x125xi32, #tpu.memory_space<hbm>> -> memref<80x125xi32, #tpu.memory_space<hbm>>
    %dma_start3A_80 = arith.constant 0 : i32
    %dma_start3A_81 = tpu.memref_slice %dma_start3A_79[%dma_start3A_68, %dma_start3A_80] : memref<80x125xi32, #tpu.memory_space<hbm>> -> memref<1x125xi32, #tpu.memory_space<hbm>>
    %dma_start3A_82 = tpu.memref_squeeze %dma_start3A_81 : memref<1x125xi32, #tpu.memory_space<hbm>> -> memref<125xi32, #tpu.memory_space<hbm>>
    tpu.enqueue_dma source(%dma_start3A_82 : memref<125xi32, #tpu.memory_space<hbm>>) target(%arg8 : memref<125xi32, #tpu.memory_space<vmem>>) target_semaphore(%arg18 : memref<!tpu.dma_semaphore, #tpu.memory_space<semaphore_mem>>)
    %dma_start3A_83 = arith.constant 2 : i32
    %dma_start3A_84 = arith.constant 0 : i32
    %dma_start3A_85 = arith.constant 0 : i32
    %dma_start3A_86 = tpu.memref_slice %arg4[%add3A, %dma_start3A_84, %dma_start3A_85] : memref<32x80x125xi32, #tpu.memory_space<hbm>> -> memref<1x80x125xi32, #tpu.memory_space<hbm>>
    %dma_start3A_87 = tpu.memref_squeeze %dma_start3A_86 : memref<1x80x125xi32, #tpu.memory_space<hbm>> -> memref<80x125xi32, #tpu.memory_space<hbm>>
    %dma_start3A_88 = arith.constant 0 : i32
    %dma_start3A_89 = tpu.memref_slice %dma_start3A_87[%dma_start3A_83, %dma_start3A_88] : memref<80x125xi32, #tpu.memory_space<hbm>> -> memref<1x125xi32, #tpu.memory_space<hbm>>
    %dma_start3A_90 = tpu.memref_squeeze %dma_start3A_89 : memref<1x125xi32, #tpu.memory_space<hbm>> -> memref<125xi32, #tpu.memory_space<hbm>>
    %dma_start3A_91 = arith.constant 0 : i32
    %dma_start3A_92 = arith.constant 0 : i32
    %dma_start3A_93 = tpu.memref_slice %arg4[%add3A, %dma_start3A_91, %dma_start3A_92] : memref<32x80x125xi32, #tpu.memory_space<hbm>> -> memref<1x80x125xi32, #tpu.memory_space<hbm>>
    %dma_start3A_94 = tpu.memref_squeeze %dma_start3A_93 : memref<1x80x125xi32, #tpu.memory_space<hbm>> -> memref<80x125xi32, #tpu.memory_space<hbm>>
    %dma_start3A_95 = arith.constant 0 : i32
    %dma_start3A_96 = tpu.memref_slice %dma_start3A_94[%dma_start3A_83, %dma_start3A_95] : memref<80x125xi32, #tpu.memory_space<hbm>> -> memref<1x125xi32, #tpu.memory_space<hbm>>
    %dma_start3A_97 = tpu.memref_squeeze %dma_start3A_96 : memref<1x125xi32, #tpu.memory_space<hbm>> -> memref<125xi32, #tpu.memory_space<hbm>>
    tpu.enqueue_dma source(%dma_start3A_97 : memref<125xi32, #tpu.memory_space<hbm>>) target(%arg11 : memref<125xi32, #tpu.memory_space<vmem>>) target_semaphore(%arg21 : memref<!tpu.dma_semaphore, #tpu.memory_space<semaphore_mem>>)
    %dma_wait3A = arith.constant 0 : i32
    %dma_wait3A_98 = arith.constant 0 : i32
    %dma_wait3A_99 = arith.constant 0 : i32
    %dma_wait3A_100 = tpu.memref_slice %arg3[%add3A, %dma_wait3A_98, %dma_wait3A_99] : memref<32x80x125xi32, #tpu.memory_space<hbm>> -> memref<1x80x125xi32, #tpu.memory_space<hbm>>
    %dma_wait3A_101 = tpu.memref_squeeze %dma_wait3A_100 : memref<1x80x125xi32, #tpu.memory_space<hbm>> -> memref<80x125xi32, #tpu.memory_space<hbm>>
    %dma_wait3A_102 = arith.constant 0 : i32
    %dma_wait3A_103 = tpu.memref_slice %dma_wait3A_101[%dma_wait3A, %dma_wait3A_102] : memref<80x125xi32, #tpu.memory_space<hbm>> -> memref<1x125xi32, #tpu.memory_space<hbm>>
    %dma_wait3A_104 = tpu.memref_squeeze %dma_wait3A_103 : memref<1x125xi32, #tpu.memory_space<hbm>> -> memref<125xi32, #tpu.memory_space<hbm>>
    %dma_wait3A_105 = arith.constant 0 : i32
    %dma_wait3A_106 = arith.constant 0 : i32
    %dma_wait3A_107 = tpu.memref_slice %arg3[%add3A, %dma_wait3A_105, %dma_wait3A_106] : memref<32x80x125xi32, #tpu.memory_space<hbm>> -> memref<1x80x125xi32, #tpu.memory_space<hbm>>
    %dma_wait3A_108 = tpu.memref_squeeze %dma_wait3A_107 : memref<1x80x125xi32, #tpu.memory_space<hbm>> -> memref<80x125xi32, #tpu.memory_space<hbm>>
    %dma_wait3A_109 = arith.constant 0 : i32
    %dma_wait3A_110 = tpu.memref_slice %dma_wait3A_108[%dma_wait3A, %dma_wait3A_109] : memref<80x125xi32, #tpu.memory_space<hbm>> -> memref<1x125xi32, #tpu.memory_space<hbm>>
    %dma_wait3A_111 = tpu.memref_squeeze %dma_wait3A_110 : memref<1x125xi32, #tpu.memory_space<hbm>> -> memref<125xi32, #tpu.memory_space<hbm>>
    tpu.wait_dma2 semaphore(%arg16 : memref<!tpu.dma_semaphore, #tpu.memory_space<semaphore_mem>>) src(%dma_wait3A_111 : memref<125xi32, #tpu.memory_space<hbm>>) dst(%arg6 : memref<125xi32, #tpu.memory_space<vmem>>)
    %dma_start3A_112 = arith.constant 0 : i32
    %dma_start3A_113 = arith.constant 0 : i32
    %dma_start3A_114 = tpu.memref_slice %arg2[%dma_start3A_112, %dma_start3A_113] : memref<10000x128xf32, #tpu.memory_space<hbm>> -> memref<10000x128xf32, #tpu.memory_space<hbm>>
    tpu.enqueue_indirect_dma source(%dma_start3A_114 : memref<10000x128xf32, #tpu.memory_space<hbm>>) target(%arg12 : memref<125x128xf32, #tpu.memory_space<vmem>>) offsets(%arg6 : memref<125xi32, #tpu.memory_space<vmem>>) semaphore(%arg22 : memref<!tpu.dma_semaphore, #tpu.memory_space<semaphore_mem>>)
    %dma_wait3A_115 = arith.constant 1 : i32
    %dma_wait3A_116 = arith.constant 0 : i32
    %dma_wait3A_117 = arith.constant 0 : i32
    %dma_wait3A_118 = tpu.memref_slice %arg3[%add3A, %dma_wait3A_116, %dma_wait3A_117] : memref<32x80x125xi32, #tpu.memory_space<hbm>> -> memref<1x80x125xi32, #tpu.memory_space<hbm>>
    %dma_wait3A_119 = tpu.memref_squeeze %dma_wait3A_118 : memref<1x80x125xi32, #tpu.memory_space<hbm>> -> memref<80x125xi32, #tpu.memory_space<hbm>>
    %dma_wait3A_120 = arith.constant 0 : i32
    %dma_wait3A_121 = tpu.memref_slice %dma_wait3A_119[%dma_wait3A_115, %dma_wait3A_120] : memref<80x125xi32, #tpu.memory_space<hbm>> -> memref<1x125xi32, #tpu.memory_space<hbm>>
    %dma_wait3A_122 = tpu.memref_squeeze %dma_wait3A_121 : memref<1x125xi32, #tpu.memory_space<hbm>> -> memref<125xi32, #tpu.memory_space<hbm>>
    %dma_wait3A_123 = arith.constant 0 : i32
    %dma_wait3A_124 = arith.constant 0 : i32
    %dma_wait3A_125 = tpu.memref_slice %arg3[%add3A, %dma_wait3A_123, %dma_wait3A_124] : memref<32x80x125xi32, #tpu.memory_space<hbm>> -> memref<1x80x125xi32, #tpu.memory_space<hbm>>
    %dma_wait3A_126 = tpu.memref_squeeze %dma_wait3A_125 : memref<1x80x125xi32, #tpu.memory_space<hbm>> -> memref<80x125xi32, #tpu.memory_space<hbm>>
    %dma_wait3A_127 = arith.constant 0 : i32
    %dma_wait3A_128 = tpu.memref_slice %dma_wait3A_126[%dma_wait3A_115, %dma_wait3A_127] : memref<80x125xi32, #tpu.memory_space<hbm>> -> memref<1x125xi32, #tpu.memory_space<hbm>>
    %dma_wait3A_129 = tpu.memref_squeeze %dma_wait3A_128 : memref<1x125xi32, #tpu.memory_space<hbm>> -> memref<125xi32, #tpu.memory_space<hbm>>
    tpu.wait_dma2 semaphore(%arg17 : memref<!tpu.dma_semaphore, #tpu.memory_space<semaphore_mem>>) src(%dma_wait3A_129 : memref<125xi32, #tpu.memory_space<hbm>>) dst(%arg7 : memref<125xi32, #tpu.memory_space<vmem>>)
    %dma_start3A_130 = arith.constant 0 : i32
    %dma_start3A_131 = arith.constant 0 : i32
    %dma_start3A_132 = tpu.memref_slice %arg2[%dma_start3A_130, %dma_start3A_131] : memref<10000x128xf32, #tpu.memory_space<hbm>> -> memref<10000x128xf32, #tpu.memory_space<hbm>>
    tpu.enqueue_indirect_dma source(%dma_start3A_132 : memref<10000x128xf32, #tpu.memory_space<hbm>>) target(%arg13 : memref<125x128xf32, #tpu.memory_space<vmem>>) offsets(%arg7 : memref<125xi32, #tpu.memory_space<vmem>>) semaphore(%arg23 : memref<!tpu.dma_semaphore, #tpu.memory_space<semaphore_mem>>)
    %dma_wait3A_133 = arith.constant 2 : i32
    %dma_wait3A_134 = arith.constant 0 : i32
    %dma_wait3A_135 = arith.constant 0 : i32
    %dma_wait3A_136 = tpu.memref_slice %arg3[%add3A, %dma_wait3A_134, %dma_wait3A_135] : memref<32x80x125xi32, #tpu.memory_space<hbm>> -> memref<1x80x125xi32, #tpu.memory_space<hbm>>
    %dma_wait3A_137 = tpu.memref_squeeze %dma_wait3A_136 : memref<1x80x125xi32, #tpu.memory_space<hbm>> -> memref<80x125xi32, #tpu.memory_space<hbm>>
    %dma_wait3A_138 = arith.constant 0 : i32
    %dma_wait3A_139 = tpu.memref_slice %dma_wait3A_137[%dma_wait3A_133, %dma_wait3A_138] : memref<80x125xi32, #tpu.memory_space<hbm>> -> memref<1x125xi32, #tpu.memory_space<hbm>>
    %dma_wait3A_140 = tpu.memref_squeeze %dma_wait3A_139 : memref<1x125xi32, #tpu.memory_space<hbm>> -> memref<125xi32, #tpu.memory_space<hbm>>
    %dma_wait3A_141 = arith.constant 0 : i32
    %dma_wait3A_142 = arith.constant 0 : i32
    %dma_wait3A_143 = tpu.memref_slice %arg3[%add3A, %dma_wait3A_141, %dma_wait3A_142] : memref<32x80x125xi32, #tpu.memory_space<hbm>> -> memref<1x80x125xi32, #tpu.memory_space<hbm>>
    %dma_wait3A_144 = tpu.memref_squeeze %dma_wait3A_143 : memref<1x80x125xi32, #tpu.memory_space<hbm>> -> memref<80x125xi32, #tpu.memory_space<hbm>>
    %dma_wait3A_145 = arith.constant 0 : i32
    %dma_wait3A_146 = tpu.memref_slice %dma_wait3A_144[%dma_wait3A_133, %dma_wait3A_145] : memref<80x125xi32, #tpu.memory_space<hbm>> -> memref<1x125xi32, #tpu.memory_space<hbm>>
    %dma_wait3A_147 = tpu.memref_squeeze %dma_wait3A_146 : memref<1x125xi32, #tpu.memory_space<hbm>> -> memref<125xi32, #tpu.memory_space<hbm>>
    tpu.wait_dma2 semaphore(%arg18 : memref<!tpu.dma_semaphore, #tpu.memory_space<semaphore_mem>>) src(%dma_wait3A_147 : memref<125xi32, #tpu.memory_space<hbm>>) dst(%arg8 : memref<125xi32, #tpu.memory_space<vmem>>)
    %dma_start3A_148 = arith.constant 0 : i32
    %dma_start3A_149 = arith.constant 0 : i32
    %dma_start3A_150 = tpu.memref_slice %arg2[%dma_start3A_148, %dma_start3A_149] : memref<10000x128xf32, #tpu.memory_space<hbm>> -> memref<10000x128xf32, #tpu.memory_space<hbm>>
    tpu.enqueue_indirect_dma source(%dma_start3A_150 : memref<10000x128xf32, #tpu.memory_space<hbm>>) target(%arg14 : memref<125x128xf32, #tpu.memory_space<vmem>>) offsets(%arg8 : memref<125xi32, #tpu.memory_space<vmem>>) semaphore(%arg24 : memref<!tpu.dma_semaphore, #tpu.memory_space<semaphore_mem>>)
    %scan3A = arith.constant 0 : i32
    %scan3A_151 = arith.constant 26 : i32
    %scan3A_152 = arith.addi %scan3A, %scan3A_151 : i32
    %scan3A_153 = arith.constant 1 : i32
    scf.for %scan3A_202 = %scan3A to %scan3A_152 step %scan3A_153  : i32 {
      %mul3A_203 = arith.constant 3 : i32
      %mul3A_204 = arith.muli %scan3A_202, %mul3A_203 : i32
      %add3A_205 = arith.constant 0 : i32
      %add3A_206 = arith.addi %add3A_205, %mul3A_204 : i32
      %add3A_207 = arith.constant 0 : i32
      %add3A_208 = arith.addi %add3A_206, %add3A_207 : i32
      %dma_wait3A_209 = arith.constant 0 : i32
      %dma_wait3A_210 = arith.constant 0 : i32
      %dma_wait3A_211 = tpu.memref_slice %arg2[%dma_wait3A_209, %dma_wait3A_210] : memref<10000x128xf32, #tpu.memory_space<hbm>> -> memref<10000x128xf32, #tpu.memory_space<hbm>>
      tpu.wait_indirect_dma semaphore(%arg22 : memref<!tpu.dma_semaphore, #tpu.memory_space<semaphore_mem>>) src(%dma_wait3A_211 : memref<10000x128xf32, #tpu.memory_space<hbm>>) dst(%arg12 : memref<125x128xf32, #tpu.memory_space<vmem>>)
      %add3A_212 = arith.constant 3 : i32
      %add3A_213 = arith.addi %add3A_208, %add3A_212 : i32
      %lt3A_214 = arith.constant 80 : i32
      %lt3A_215 = arith.cmpi slt, %add3A_213, %lt3A_214 : i32
      %convert_element_type3A_216 = arith.extui %lt3A_215 : i1 to i32
      %cond3A_217 = arith.constant 0 : i32
      %cond3A_218 = arith.cmpi ne, %convert_element_type3A_216, %cond3A_217 : i32
      scf.if %cond3A_218 {
        %add3A_306 = arith.constant 3 : i32
        %add3A_307 = arith.addi %add3A_208, %add3A_306 : i32
        %dma_start3A_308 = arith.constant 0 : i32
        %dma_start3A_309 = arith.constant 0 : i32
        %dma_start3A_310 = tpu.memref_slice %arg3[%add3A, %dma_start3A_308, %dma_start3A_309] : memref<32x80x125xi32, #tpu.memory_space<hbm>> -> memref<1x80x125xi32, #tpu.memory_space<hbm>>
        %dma_start3A_311 = tpu.memref_squeeze %dma_start3A_310 : memref<1x80x125xi32, #tpu.memory_space<hbm>> -> memref<80x125xi32, #tpu.memory_space<hbm>>
        %dma_start3A_312 = arith.constant 0 : i32
        %dma_start3A_313 = tpu.memref_slice %dma_start3A_311[%add3A_307, %dma_start3A_312] : memref<80x125xi32, #tpu.memory_space<hbm>> -> memref<1x125xi32, #tpu.memory_space<hbm>>
        %dma_start3A_314 = tpu.memref_squeeze %dma_start3A_313 : memref<1x125xi32, #tpu.memory_space<hbm>> -> memref<125xi32, #tpu.memory_space<hbm>>
        %dma_start3A_315 = arith.constant 0 : i32
        %dma_start3A_316 = arith.constant 0 : i32
        %dma_start3A_317 = tpu.memref_slice %arg3[%add3A, %dma_start3A_315, %dma_start3A_316] : memref<32x80x125xi32, #tpu.memory_space<hbm>> -> memref<1x80x125xi32, #tpu.memory_space<hbm>>
        %dma_start3A_318 = tpu.memref_squeeze %dma_start3A_317 : memref<1x80x125xi32, #tpu.memory_space<hbm>> -> memref<80x125xi32, #tpu.memory_space<hbm>>
        %dma_start3A_319 = arith.constant 0 : i32
        %dma_start3A_320 = tpu.memref_slice %dma_start3A_318[%add3A_307, %dma_start3A_319] : memref<80x125xi32, #tpu.memory_space<hbm>> -> memref<1x125xi32, #tpu.memory_space<hbm>>
        %dma_start3A_321 = tpu.memref_squeeze %dma_start3A_320 : memref<1x125xi32, #tpu.memory_space<hbm>> -> memref<125xi32, #tpu.memory_space<hbm>>
        tpu.enqueue_dma source(%dma_start3A_321 : memref<125xi32, #tpu.memory_space<hbm>>) target(%arg6 : memref<125xi32, #tpu.memory_space<vmem>>) target_semaphore(%arg16 : memref<!tpu.dma_semaphore, #tpu.memory_space<semaphore_mem>>)
      } else {
      }
      %dma_wait3A_219 = arith.constant 0 : i32
      %dma_wait3A_220 = arith.constant 0 : i32
      %dma_wait3A_221 = tpu.memref_slice %arg4[%add3A, %dma_wait3A_219, %dma_wait3A_220] : memref<32x80x125xi32, #tpu.memory_space<hbm>> -> memref<1x80x125xi32, #tpu.memory_space<hbm>>
      %dma_wait3A_222 = tpu.memref_squeeze %dma_wait3A_221 : memref<1x80x125xi32, #tpu.memory_space<hbm>> -> memref<80x125xi32, #tpu.memory_space<hbm>>
      %dma_wait3A_223 = arith.constant 0 : i32
      %dma_wait3A_224 = tpu.memref_slice %dma_wait3A_222[%add3A_208, %dma_wait3A_223] : memref<80x125xi32, #tpu.memory_space<hbm>> -> memref<1x125xi32, #tpu.memory_space<hbm>>
      %dma_wait3A_225 = tpu.memref_squeeze %dma_wait3A_224 : memref<1x125xi32, #tpu.memory_space<hbm>> -> memref<125xi32, #tpu.memory_space<hbm>>
      %dma_wait3A_226 = arith.constant 0 : i32
      %dma_wait3A_227 = arith.constant 0 : i32
      %dma_wait3A_228 = tpu.memref_slice %arg4[%add3A, %dma_wait3A_226, %dma_wait3A_227] : memref<32x80x125xi32, #tpu.memory_space<hbm>> -> memref<1x80x125xi32, #tpu.memory_space<hbm>>
      %dma_wait3A_229 = tpu.memref_squeeze %dma_wait3A_228 : memref<1x80x125xi32, #tpu.memory_space<hbm>> -> memref<80x125xi32, #tpu.memory_space<hbm>>
      %dma_wait3A_230 = arith.constant 0 : i32
      %dma_wait3A_231 = tpu.memref_slice %dma_wait3A_229[%add3A_208, %dma_wait3A_230] : memref<80x125xi32, #tpu.memory_space<hbm>> -> memref<1x125xi32, #tpu.memory_space<hbm>>
      %dma_wait3A_232 = tpu.memref_squeeze %dma_wait3A_231 : memref<1x125xi32, #tpu.memory_space<hbm>> -> memref<125xi32, #tpu.memory_space<hbm>>
      tpu.wait_dma2 semaphore(%arg19 : memref<!tpu.dma_semaphore, #tpu.memory_space<semaphore_mem>>) src(%dma_wait3A_232 : memref<125xi32, #tpu.memory_space<hbm>>) dst(%arg9 : memref<125xi32, #tpu.memory_space<vmem>>)
      "tpu.region"() ({
        %run_scoped3A = tpu.sem_alloc : memref<!tpu.dma_semaphore, #tpu.memory_space<semaphore_mem>>
        %dma_start3A_306 = arith.constant 0 : i32
        %dma_start3A_307 = arith.constant 0 : i32
        %dma_start3A_308 = tpu.memref_slice %arg15[%dma_start3A_306, %dma_start3A_307] : memref<10000x128xf32, #tpu.memory_space<vmem_shared>> -> memref<10000x128xf32, #tpu.memory_space<vmem_shared>>
        tpu.enqueue_indirect_dma source(%arg12 : memref<125x128xf32, #tpu.memory_space<vmem>>) target(%dma_start3A_308 : memref<10000x128xf32, #tpu.memory_space<vmem_shared>>) offsets(%arg9 : memref<125xi32, #tpu.memory_space<vmem>>) semaphore(%run_scoped3A : memref<!tpu.dma_semaphore, #tpu.memory_space<semaphore_mem>>) {add = true}
        %dma_wait3A_309 = arith.constant 0 : i32
        %dma_wait3A_310 = arith.constant 0 : i32
        %dma_wait3A_311 = tpu.memref_slice %arg15[%dma_wait3A_309, %dma_wait3A_310] : memref<10000x128xf32, #tpu.memory_space<vmem_shared>> -> memref<10000x128xf32, #tpu.memory_space<vmem_shared>>
        tpu.wait_indirect_dma semaphore(%run_scoped3A : memref<!tpu.dma_semaphore, #tpu.memory_space<semaphore_mem>>) src(%arg12 : memref<125x128xf32, #tpu.memory_space<vmem>>) dst(%dma_wait3A_311 : memref<10000x128xf32, #tpu.memory_space<vmem_shared>>)
        tpu.yield
      }) : () -> ()
      %add3A_233 = arith.constant 3 : i32
      %add3A_234 = arith.addi %add3A_208, %add3A_233 : i32
      %lt3A_235 = arith.constant 80 : i32
      %lt3A_236 = arith.cmpi slt, %add3A_234, %lt3A_235 : i32
      %convert_element_type3A_237 = arith.extui %lt3A_236 : i1 to i32
      %cond3A_238 = arith.constant 0 : i32
      %cond3A_239 = arith.cmpi ne, %convert_element_type3A_237, %cond3A_238 : i32
      scf.if %cond3A_239 {
        %add3A_306 = arith.constant 3 : i32
        %add3A_307 = arith.addi %add3A_208, %add3A_306 : i32
        %dma_start3A_308 = arith.constant 0 : i32
        %dma_start3A_309 = arith.constant 0 : i32
        %dma_start3A_310 = tpu.memref_slice %arg4[%add3A, %dma_start3A_308, %dma_start3A_309] : memref<32x80x125xi32, #tpu.memory_space<hbm>> -> memref<1x80x125xi32, #tpu.memory_space<hbm>>
        %dma_start3A_311 = tpu.memref_squeeze %dma_start3A_310 : memref<1x80x125xi32, #tpu.memory_space<hbm>> -> memref<80x125xi32, #tpu.memory_space<hbm>>
        %dma_start3A_312 = arith.constant 0 : i32
        %dma_start3A_313 = tpu.memref_slice %dma_start3A_311[%add3A_307, %dma_start3A_312] : memref<80x125xi32, #tpu.memory_space<hbm>> -> memref<1x125xi32, #tpu.memory_space<hbm>>
        %dma_start3A_314 = tpu.memref_squeeze %dma_start3A_313 : memref<1x125xi32, #tpu.memory_space<hbm>> -> memref<125xi32, #tpu.memory_space<hbm>>
        %dma_start3A_315 = arith.constant 0 : i32
        %dma_start3A_316 = arith.constant 0 : i32
        %dma_start3A_317 = tpu.memref_slice %arg4[%add3A, %dma_start3A_315, %dma_start3A_316] : memref<32x80x125xi32, #tpu.memory_space<hbm>> -> memref<1x80x125xi32, #tpu.memory_space<hbm>>
        %dma_start3A_318 = tpu.memref_squeeze %dma_start3A_317 : memref<1x80x125xi32, #tpu.memory_space<hbm>> -> memref<80x125xi32, #tpu.memory_space<hbm>>
        %dma_start3A_319 = arith.constant 0 : i32
        %dma_start3A_320 = tpu.memref_slice %dma_start3A_318[%add3A_307, %dma_start3A_319] : memref<80x125xi32, #tpu.memory_space<hbm>> -> memref<1x125xi32, #tpu.memory_space<hbm>>
        %dma_start3A_321 = tpu.memref_squeeze %dma_start3A_320 : memref<1x125xi32, #tpu.memory_space<hbm>> -> memref<125xi32, #tpu.memory_space<hbm>>
        tpu.enqueue_dma source(%dma_start3A_321 : memref<125xi32, #tpu.memory_space<hbm>>) target(%arg9 : memref<125xi32, #tpu.memory_space<vmem>>) target_semaphore(%arg19 : memref<!tpu.dma_semaphore, #tpu.memory_space<semaphore_mem>>)
        %add3A_322 = arith.constant 3 : i32
        %add3A_323 = arith.addi %add3A_208, %add3A_322 : i32
        %dma_wait3A_324 = arith.constant 0 : i32
        %dma_wait3A_325 = arith.constant 0 : i32
        %dma_wait3A_326 = tpu.memref_slice %arg3[%add3A, %dma_wait3A_324, %dma_wait3A_325] : memref<32x80x125xi32, #tpu.memory_space<hbm>> -> memref<1x80x125xi32, #tpu.memory_space<hbm>>
        %dma_wait3A_327 = tpu.memref_squeeze %dma_wait3A_326 : memref<1x80x125xi32, #tpu.memory_space<hbm>> -> memref<80x125xi32, #tpu.memory_space<hbm>>
        %dma_wait3A_328 = arith.constant 0 : i32
        %dma_wait3A_329 = tpu.memref_slice %dma_wait3A_327[%add3A_323, %dma_wait3A_328] : memref<80x125xi32, #tpu.memory_space<hbm>> -> memref<1x125xi32, #tpu.memory_space<hbm>>
        %dma_wait3A_330 = tpu.memref_squeeze %dma_wait3A_329 : memref<1x125xi32, #tpu.memory_space<hbm>> -> memref<125xi32, #tpu.memory_space<hbm>>
        %dma_wait3A_331 = arith.constant 0 : i32
        %dma_wait3A_332 = arith.constant 0 : i32
        %dma_wait3A_333 = tpu.memref_slice %arg3[%add3A, %dma_wait3A_331, %dma_wait3A_332] : memref<32x80x125xi32, #tpu.memory_space<hbm>> -> memref<1x80x125xi32, #tpu.memory_space<hbm>>
        %dma_wait3A_334 = tpu.memref_squeeze %dma_wait3A_333 : memref<1x80x125xi32, #tpu.memory_space<hbm>> -> memref<80x125xi32, #tpu.memory_space<hbm>>
        %dma_wait3A_335 = arith.constant 0 : i32
        %dma_wait3A_336 = tpu.memref_slice %dma_wait3A_334[%add3A_323, %dma_wait3A_335] : memref<80x125xi32, #tpu.memory_space<hbm>> -> memref<1x125xi32, #tpu.memory_space<hbm>>
        %dma_wait3A_337 = tpu.memref_squeeze %dma_wait3A_336 : memref<1x125xi32, #tpu.memory_space<hbm>> -> memref<125xi32, #tpu.memory_space<hbm>>
        tpu.wait_dma2 semaphore(%arg16 : memref<!tpu.dma_semaphore, #tpu.memory_space<semaphore_mem>>) src(%dma_wait3A_337 : memref<125xi32, #tpu.memory_space<hbm>>) dst(%arg6 : memref<125xi32, #tpu.memory_space<vmem>>)
        %dma_start3A_338 = arith.constant 0 : i32
        %dma_start3A_339 = arith.constant 0 : i32
        %dma_start3A_340 = tpu.memref_slice %arg2[%dma_start3A_338, %dma_start3A_339] : memref<10000x128xf32, #tpu.memory_space<hbm>> -> memref<10000x128xf32, #tpu.memory_space<hbm>>
        tpu.enqueue_indirect_dma source(%dma_start3A_340 : memref<10000x128xf32, #tpu.memory_space<hbm>>) target(%arg12 : memref<125x128xf32, #tpu.memory_space<vmem>>) offsets(%arg6 : memref<125xi32, #tpu.memory_space<vmem>>) semaphore(%arg22 : memref<!tpu.dma_semaphore, #tpu.memory_space<semaphore_mem>>)
      } else {
      }
      %add3A_240 = arith.constant 1 : i32
      %add3A_241 = arith.addi %add3A_206, %add3A_240 : i32
      %dma_wait3A_242 = arith.constant 0 : i32
      %dma_wait3A_243 = arith.constant 0 : i32
      %dma_wait3A_244 = tpu.memref_slice %arg2[%dma_wait3A_242, %dma_wait3A_243] : memref<10000x128xf32, #tpu.memory_space<hbm>> -> memref<10000x128xf32, #tpu.memory_space<hbm>>
      tpu.wait_indirect_dma semaphore(%arg23 : memref<!tpu.dma_semaphore, #tpu.memory_space<semaphore_mem>>) src(%dma_wait3A_244 : memref<10000x128xf32, #tpu.memory_space<hbm>>) dst(%arg13 : memref<125x128xf32, #tpu.memory_space<vmem>>)
      %add3A_245 = arith.constant 3 : i32
      %add3A_246 = arith.addi %add3A_241, %add3A_245 : i32
      %lt3A_247 = arith.constant 80 : i32
      %lt3A_248 = arith.cmpi slt, %add3A_246, %lt3A_247 : i32
      %convert_element_type3A_249 = arith.extui %lt3A_248 : i1 to i32
      %cond3A_250 = arith.constant 0 : i32
      %cond3A_251 = arith.cmpi ne, %convert_element_type3A_249, %cond3A_250 : i32
      scf.if %cond3A_251 {
        %add3A_306 = arith.constant 3 : i32
        %add3A_307 = arith.addi %add3A_241, %add3A_306 : i32
        %dma_start3A_308 = arith.constant 0 : i32
        %dma_start3A_309 = arith.constant 0 : i32
        %dma_start3A_310 = tpu.memref_slice %arg3[%add3A, %dma_start3A_308, %dma_start3A_309] : memref<32x80x125xi32, #tpu.memory_space<hbm>> -> memref<1x80x125xi32, #tpu.memory_space<hbm>>
        %dma_start3A_311 = tpu.memref_squeeze %dma_start3A_310 : memref<1x80x125xi32, #tpu.memory_space<hbm>> -> memref<80x125xi32, #tpu.memory_space<hbm>>
        %dma_start3A_312 = arith.constant 0 : i32
        %dma_start3A_313 = tpu.memref_slice %dma_start3A_311[%add3A_307, %dma_start3A_312] : memref<80x125xi32, #tpu.memory_space<hbm>> -> memref<1x125xi32, #tpu.memory_space<hbm>>
        %dma_start3A_314 = tpu.memref_squeeze %dma_start3A_313 : memref<1x125xi32, #tpu.memory_space<hbm>> -> memref<125xi32, #tpu.memory_space<hbm>>
        %dma_start3A_315 = arith.constant 0 : i32
        %dma_start3A_316 = arith.constant 0 : i32
        %dma_start3A_317 = tpu.memref_slice %arg3[%add3A, %dma_start3A_315, %dma_start3A_316] : memref<32x80x125xi32, #tpu.memory_space<hbm>> -> memref<1x80x125xi32, #tpu.memory_space<hbm>>
        %dma_start3A_318 = tpu.memref_squeeze %dma_start3A_317 : memref<1x80x125xi32, #tpu.memory_space<hbm>> -> memref<80x125xi32, #tpu.memory_space<hbm>>
        %dma_start3A_319 = arith.constant 0 : i32
        %dma_start3A_320 = tpu.memref_slice %dma_start3A_318[%add3A_307, %dma_start3A_319] : memref<80x125xi32, #tpu.memory_space<hbm>> -> memref<1x125xi32, #tpu.memory_space<hbm>>
        %dma_start3A_321 = tpu.memref_squeeze %dma_start3A_320 : memref<1x125xi32, #tpu.memory_space<hbm>> -> memref<125xi32, #tpu.memory_space<hbm>>
        tpu.enqueue_dma source(%dma_start3A_321 : memref<125xi32, #tpu.memory_space<hbm>>) target(%arg7 : memref<125xi32, #tpu.memory_space<vmem>>) target_semaphore(%arg17 : memref<!tpu.dma_semaphore, #tpu.memory_space<semaphore_mem>>)
      } else {
      }
      %dma_wait3A_252 = arith.constant 0 : i32
      %dma_wait3A_253 = arith.constant 0 : i32
      %dma_wait3A_254 = tpu.memref_slice %arg4[%add3A, %dma_wait3A_252, %dma_wait3A_253] : memref<32x80x125xi32, #tpu.memory_space<hbm>> -> memref<1x80x125xi32, #tpu.memory_space<hbm>>
      %dma_wait3A_255 = tpu.memref_squeeze %dma_wait3A_254 : memref<1x80x125xi32, #tpu.memory_space<hbm>> -> memref<80x125xi32, #tpu.memory_space<hbm>>
      %dma_wait3A_256 = arith.constant 0 : i32
      %dma_wait3A_257 = tpu.memref_slice %dma_wait3A_255[%add3A_241, %dma_wait3A_256] : memref<80x125xi32, #tpu.memory_space<hbm>> -> memref<1x125xi32, #tpu.memory_space<hbm>>
      %dma_wait3A_258 = tpu.memref_squeeze %dma_wait3A_257 : memref<1x125xi32, #tpu.memory_space<hbm>> -> memref<125xi32, #tpu.memory_space<hbm>>
      %dma_wait3A_259 = arith.constant 0 : i32
      %dma_wait3A_260 = arith.constant 0 : i32
      %dma_wait3A_261 = tpu.memref_slice %arg4[%add3A, %dma_wait3A_259, %dma_wait3A_260] : memref<32x80x125xi32, #tpu.memory_space<hbm>> -> memref<1x80x125xi32, #tpu.memory_space<hbm>>
      %dma_wait3A_262 = tpu.memref_squeeze %dma_wait3A_261 : memref<1x80x125xi32, #tpu.memory_space<hbm>> -> memref<80x125xi32, #tpu.memory_space<hbm>>
      %dma_wait3A_263 = arith.constant 0 : i32
      %dma_wait3A_264 = tpu.memref_slice %dma_wait3A_262[%add3A_241, %dma_wait3A_263] : memref<80x125xi32, #tpu.memory_space<hbm>> -> memref<1x125xi32, #tpu.memory_space<hbm>>
      %dma_wait3A_265 = tpu.memref_squeeze %dma_wait3A_264 : memref<1x125xi32, #tpu.memory_space<hbm>> -> memref<125xi32, #tpu.memory_space<hbm>>
      tpu.wait_dma2 semaphore(%arg20 : memref<!tpu.dma_semaphore, #tpu.memory_space<semaphore_mem>>) src(%dma_wait3A_265 : memref<125xi32, #tpu.memory_space<hbm>>) dst(%arg10 : memref<125xi32, #tpu.memory_space<vmem>>)
      "tpu.region"() ({
        %run_scoped3A = tpu.sem_alloc : memref<!tpu.dma_semaphore, #tpu.memory_space<semaphore_mem>>
        %dma_start3A_306 = arith.constant 0 : i32
        %dma_start3A_307 = arith.constant 0 : i32
        %dma_start3A_308 = tpu.memref_slice %arg15[%dma_start3A_306, %dma_start3A_307] : memref<10000x128xf32, #tpu.memory_space<vmem_shared>> -> memref<10000x128xf32, #tpu.memory_space<vmem_shared>>
        tpu.enqueue_indirect_dma source(%arg13 : memref<125x128xf32, #tpu.memory_space<vmem>>) target(%dma_start3A_308 : memref<10000x128xf32, #tpu.memory_space<vmem_shared>>) offsets(%arg10 : memref<125xi32, #tpu.memory_space<vmem>>) semaphore(%run_scoped3A : memref<!tpu.dma_semaphore, #tpu.memory_space<semaphore_mem>>) {add = true}
        %dma_wait3A_309 = arith.constant 0 : i32
        %dma_wait3A_310 = arith.constant 0 : i32
        %dma_wait3A_311 = tpu.memref_slice %arg15[%dma_wait3A_309, %dma_wait3A_310] : memref<10000x128xf32, #tpu.memory_space<vmem_shared>> -> memref<10000x128xf32, #tpu.memory_space<vmem_shared>>
        tpu.wait_indirect_dma semaphore(%run_scoped3A : memref<!tpu.dma_semaphore, #tpu.memory_space<semaphore_mem>>) src(%arg13 : memref<125x128xf32, #tpu.memory_space<vmem>>) dst(%dma_wait3A_311 : memref<10000x128xf32, #tpu.memory_space<vmem_shared>>)
        tpu.yield
      }) : () -> ()
      %add3A_266 = arith.constant 3 : i32
      %add3A_267 = arith.addi %add3A_241, %add3A_266 : i32
      %lt3A_268 = arith.constant 80 : i32
      %lt3A_269 = arith.cmpi slt, %add3A_267, %lt3A_268 : i32
      %convert_element_type3A_270 = arith.extui %lt3A_269 : i1 to i32
      %cond3A_271 = arith.constant 0 : i32
      %cond3A_272 = arith.cmpi ne, %convert_element_type3A_270, %cond3A_271 : i32
      scf.if %cond3A_272 {
        %add3A_306 = arith.constant 3 : i32
        %add3A_307 = arith.addi %add3A_241, %add3A_306 : i32
        %dma_start3A_308 = arith.constant 0 : i32
        %dma_start3A_309 = arith.constant 0 : i32
        %dma_start3A_310 = tpu.memref_slice %arg4[%add3A, %dma_start3A_308, %dma_start3A_309] : memref<32x80x125xi32, #tpu.memory_space<hbm>> -> memref<1x80x125xi32, #tpu.memory_space<hbm>>
        %dma_start3A_311 = tpu.memref_squeeze %dma_start3A_310 : memref<1x80x125xi32, #tpu.memory_space<hbm>> -> memref<80x125xi32, #tpu.memory_space<hbm>>
        %dma_start3A_312 = arith.constant 0 : i32
        %dma_start3A_313 = tpu.memref_slice %dma_start3A_311[%add3A_307, %dma_start3A_312] : memref<80x125xi32, #tpu.memory_space<hbm>> -> memref<1x125xi32, #tpu.memory_space<hbm>>
        %dma_start3A_314 = tpu.memref_squeeze %dma_start3A_313 : memref<1x125xi32, #tpu.memory_space<hbm>> -> memref<125xi32, #tpu.memory_space<hbm>>
        %dma_start3A_315 = arith.constant 0 : i32
        %dma_start3A_316 = arith.constant 0 : i32
        %dma_start3A_317 = tpu.memref_slice %arg4[%add3A, %dma_start3A_315, %dma_start3A_316] : memref<32x80x125xi32, #tpu.memory_space<hbm>> -> memref<1x80x125xi32, #tpu.memory_space<hbm>>
        %dma_start3A_318 = tpu.memref_squeeze %dma_start3A_317 : memref<1x80x125xi32, #tpu.memory_space<hbm>> -> memref<80x125xi32, #tpu.memory_space<hbm>>
        %dma_start3A_319 = arith.constant 0 : i32
        %dma_start3A_320 = tpu.memref_slice %dma_start3A_318[%add3A_307, %dma_start3A_319] : memref<80x125xi32, #tpu.memory_space<hbm>> -> memref<1x125xi32, #tpu.memory_space<hbm>>
        %dma_start3A_321 = tpu.memref_squeeze %dma_start3A_320 : memref<1x125xi32, #tpu.memory_space<hbm>> -> memref<125xi32, #tpu.memory_space<hbm>>
        tpu.enqueue_dma source(%dma_start3A_321 : memref<125xi32, #tpu.memory_space<hbm>>) target(%arg10 : memref<125xi32, #tpu.memory_space<vmem>>) target_semaphore(%arg20 : memref<!tpu.dma_semaphore, #tpu.memory_space<semaphore_mem>>)
        %add3A_322 = arith.constant 3 : i32
        %add3A_323 = arith.addi %add3A_241, %add3A_322 : i32
        %dma_wait3A_324 = arith.constant 0 : i32
        %dma_wait3A_325 = arith.constant 0 : i32
        %dma_wait3A_326 = tpu.memref_slice %arg3[%add3A, %dma_wait3A_324, %dma_wait3A_325] : memref<32x80x125xi32, #tpu.memory_space<hbm>> -> memref<1x80x125xi32, #tpu.memory_space<hbm>>
        %dma_wait3A_327 = tpu.memref_squeeze %dma_wait3A_326 : memref<1x80x125xi32, #tpu.memory_space<hbm>> -> memref<80x125xi32, #tpu.memory_space<hbm>>
        %dma_wait3A_328 = arith.constant 0 : i32
        %dma_wait3A_329 = tpu.memref_slice %dma_wait3A_327[%add3A_323, %dma_wait3A_328] : memref<80x125xi32, #tpu.memory_space<hbm>> -> memref<1x125xi32, #tpu.memory_space<hbm>>
        %dma_wait3A_330 = tpu.memref_squeeze %dma_wait3A_329 : memref<1x125xi32, #tpu.memory_space<hbm>> -> memref<125xi32, #tpu.memory_space<hbm>>
        %dma_wait3A_331 = arith.constant 0 : i32
        %dma_wait3A_332 = arith.constant 0 : i32
        %dma_wait3A_333 = tpu.memref_slice %arg3[%add3A, %dma_wait3A_331, %dma_wait3A_332] : memref<32x80x125xi32, #tpu.memory_space<hbm>> -> memref<1x80x125xi32, #tpu.memory_space<hbm>>
        %dma_wait3A_334 = tpu.memref_squeeze %dma_wait3A_333 : memref<1x80x125xi32, #tpu.memory_space<hbm>> -> memref<80x125xi32, #tpu.memory_space<hbm>>
        %dma_wait3A_335 = arith.constant 0 : i32
        %dma_wait3A_336 = tpu.memref_slice %dma_wait3A_334[%add3A_323, %dma_wait3A_335] : memref<80x125xi32, #tpu.memory_space<hbm>> -> memref<1x125xi32, #tpu.memory_space<hbm>>
        %dma_wait3A_337 = tpu.memref_squeeze %dma_wait3A_336 : memref<1x125xi32, #tpu.memory_space<hbm>> -> memref<125xi32, #tpu.memory_space<hbm>>
        tpu.wait_dma2 semaphore(%arg17 : memref<!tpu.dma_semaphore, #tpu.memory_space<semaphore_mem>>) src(%dma_wait3A_337 : memref<125xi32, #tpu.memory_space<hbm>>) dst(%arg7 : memref<125xi32, #tpu.memory_space<vmem>>)
        %dma_start3A_338 = arith.constant 0 : i32
        %dma_start3A_339 = arith.constant 0 : i32
        %dma_start3A_340 = tpu.memref_slice %arg2[%dma_start3A_338, %dma_start3A_339] : memref<10000x128xf32, #tpu.memory_space<hbm>> -> memref<10000x128xf32, #tpu.memory_space<hbm>>
        tpu.enqueue_indirect_dma source(%dma_start3A_340 : memref<10000x128xf32, #tpu.memory_space<hbm>>) target(%arg13 : memref<125x128xf32, #tpu.memory_space<vmem>>) offsets(%arg7 : memref<125xi32, #tpu.memory_space<vmem>>) semaphore(%arg23 : memref<!tpu.dma_semaphore, #tpu.memory_space<semaphore_mem>>)
      } else {
      }
      %add3A_273 = arith.constant 2 : i32
      %add3A_274 = arith.addi %add3A_206, %add3A_273 : i32
      %dma_wait3A_275 = arith.constant 0 : i32
      %dma_wait3A_276 = arith.constant 0 : i32
      %dma_wait3A_277 = tpu.memref_slice %arg2[%dma_wait3A_275, %dma_wait3A_276] : memref<10000x128xf32, #tpu.memory_space<hbm>> -> memref<10000x128xf32, #tpu.memory_space<hbm>>
      tpu.wait_indirect_dma semaphore(%arg24 : memref<!tpu.dma_semaphore, #tpu.memory_space<semaphore_mem>>) src(%dma_wait3A_277 : memref<10000x128xf32, #tpu.memory_space<hbm>>) dst(%arg14 : memref<125x128xf32, #tpu.memory_space<vmem>>)
      %add3A_278 = arith.constant 3 : i32
      %add3A_279 = arith.addi %add3A_274, %add3A_278 : i32
      %lt3A_280 = arith.constant 80 : i32
      %lt3A_281 = arith.cmpi slt, %add3A_279, %lt3A_280 : i32
      %convert_element_type3A_282 = arith.extui %lt3A_281 : i1 to i32
      %cond3A_283 = arith.constant 0 : i32
      %cond3A_284 = arith.cmpi ne, %convert_element_type3A_282, %cond3A_283 : i32
      scf.if %cond3A_284 {
        %add3A_306 = arith.constant 3 : i32
        %add3A_307 = arith.addi %add3A_274, %add3A_306 : i32
        %dma_start3A_308 = arith.constant 0 : i32
        %dma_start3A_309 = arith.constant 0 : i32
        %dma_start3A_310 = tpu.memref_slice %arg3[%add3A, %dma_start3A_308, %dma_start3A_309] : memref<32x80x125xi32, #tpu.memory_space<hbm>> -> memref<1x80x125xi32, #tpu.memory_space<hbm>>
        %dma_start3A_311 = tpu.memref_squeeze %dma_start3A_310 : memref<1x80x125xi32, #tpu.memory_space<hbm>> -> memref<80x125xi32, #tpu.memory_space<hbm>>
        %dma_start3A_312 = arith.constant 0 : i32
        %dma_start3A_313 = tpu.memref_slice %dma_start3A_311[%add3A_307, %dma_start3A_312] : memref<80x125xi32, #tpu.memory_space<hbm>> -> memref<1x125xi32, #tpu.memory_space<hbm>>
        %dma_start3A_314 = tpu.memref_squeeze %dma_start3A_313 : memref<1x125xi32, #tpu.memory_space<hbm>> -> memref<125xi32, #tpu.memory_space<hbm>>
        %dma_start3A_315 = arith.constant 0 : i32
        %dma_start3A_316 = arith.constant 0 : i32
        %dma_start3A_317 = tpu.memref_slice %arg3[%add3A, %dma_start3A_315, %dma_start3A_316] : memref<32x80x125xi32, #tpu.memory_space<hbm>> -> memref<1x80x125xi32, #tpu.memory_space<hbm>>
        %dma_start3A_318 = tpu.memref_squeeze %dma_start3A_317 : memref<1x80x125xi32, #tpu.memory_space<hbm>> -> memref<80x125xi32, #tpu.memory_space<hbm>>
        %dma_start3A_319 = arith.constant 0 : i32
        %dma_start3A_320 = tpu.memref_slice %dma_start3A_318[%add3A_307, %dma_start3A_319] : memref<80x125xi32, #tpu.memory_space<hbm>> -> memref<1x125xi32, #tpu.memory_space<hbm>>
        %dma_start3A_321 = tpu.memref_squeeze %dma_start3A_320 : memref<1x125xi32, #tpu.memory_space<hbm>> -> memref<125xi32, #tpu.memory_space<hbm>>
        tpu.enqueue_dma source(%dma_start3A_321 : memref<125xi32, #tpu.memory_space<hbm>>) target(%arg8 : memref<125xi32, #tpu.memory_space<vmem>>) target_semaphore(%arg18 : memref<!tpu.dma_semaphore, #tpu.memory_space<semaphore_mem>>)
      } else {
      }
      %dma_wait3A_285 = arith.constant 0 : i32
      %dma_wait3A_286 = arith.constant 0 : i32
      %dma_wait3A_287 = tpu.memref_slice %arg4[%add3A, %dma_wait3A_285, %dma_wait3A_286] : memref<32x80x125xi32, #tpu.memory_space<hbm>> -> memref<1x80x125xi32, #tpu.memory_space<hbm>>
      %dma_wait3A_288 = tpu.memref_squeeze %dma_wait3A_287 : memref<1x80x125xi32, #tpu.memory_space<hbm>> -> memref<80x125xi32, #tpu.memory_space<hbm>>
      %dma_wait3A_289 = arith.constant 0 : i32
      %dma_wait3A_290 = tpu.memref_slice %dma_wait3A_288[%add3A_274, %dma_wait3A_289] : memref<80x125xi32, #tpu.memory_space<hbm>> -> memref<1x125xi32, #tpu.memory_space<hbm>>
      %dma_wait3A_291 = tpu.memref_squeeze %dma_wait3A_290 : memref<1x125xi32, #tpu.memory_space<hbm>> -> memref<125xi32, #tpu.memory_space<hbm>>
      %dma_wait3A_292 = arith.constant 0 : i32
      %dma_wait3A_293 = arith.constant 0 : i32
      %dma_wait3A_294 = tpu.memref_slice %arg4[%add3A, %dma_wait3A_292, %dma_wait3A_293] : memref<32x80x125xi32, #tpu.memory_space<hbm>> -> memref<1x80x125xi32, #tpu.memory_space<hbm>>
      %dma_wait3A_295 = tpu.memref_squeeze %dma_wait3A_294 : memref<1x80x125xi32, #tpu.memory_space<hbm>> -> memref<80x125xi32, #tpu.memory_space<hbm>>
      %dma_wait3A_296 = arith.constant 0 : i32
      %dma_wait3A_297 = tpu.memref_slice %dma_wait3A_295[%add3A_274, %dma_wait3A_296] : memref<80x125xi32, #tpu.memory_space<hbm>> -> memref<1x125xi32, #tpu.memory_space<hbm>>
      %dma_wait3A_298 = tpu.memref_squeeze %dma_wait3A_297 : memref<1x125xi32, #tpu.memory_space<hbm>> -> memref<125xi32, #tpu.memory_space<hbm>>
      tpu.wait_dma2 semaphore(%arg21 : memref<!tpu.dma_semaphore, #tpu.memory_space<semaphore_mem>>) src(%dma_wait3A_298 : memref<125xi32, #tpu.memory_space<hbm>>) dst(%arg11 : memref<125xi32, #tpu.memory_space<vmem>>)
      "tpu.region"() ({
        %run_scoped3A = tpu.sem_alloc : memref<!tpu.dma_semaphore, #tpu.memory_space<semaphore_mem>>
        %dma_start3A_306 = arith.constant 0 : i32
        %dma_start3A_307 = arith.constant 0 : i32
        %dma_start3A_308 = tpu.memref_slice %arg15[%dma_start3A_306, %dma_start3A_307] : memref<10000x128xf32, #tpu.memory_space<vmem_shared>> -> memref<10000x128xf32, #tpu.memory_space<vmem_shared>>
        tpu.enqueue_indirect_dma source(%arg14 : memref<125x128xf32, #tpu.memory_space<vmem>>) target(%dma_start3A_308 : memref<10000x128xf32, #tpu.memory_space<vmem_shared>>) offsets(%arg11 : memref<125xi32, #tpu.memory_space<vmem>>) semaphore(%run_scoped3A : memref<!tpu.dma_semaphore, #tpu.memory_space<semaphore_mem>>) {add = true}
        %dma_wait3A_309 = arith.constant 0 : i32
        %dma_wait3A_310 = arith.constant 0 : i32
        %dma_wait3A_311 = tpu.memref_slice %arg15[%dma_wait3A_309, %dma_wait3A_310] : memref<10000x128xf32, #tpu.memory_space<vmem_shared>> -> memref<10000x128xf32, #tpu.memory_space<vmem_shared>>
        tpu.wait_indirect_dma semaphore(%run_scoped3A : memref<!tpu.dma_semaphore, #tpu.memory_space<semaphore_mem>>) src(%arg14 : memref<125x128xf32, #tpu.memory_space<vmem>>) dst(%dma_wait3A_311 : memref<10000x128xf32, #tpu.memory_space<vmem_shared>>)
        tpu.yield
      }) : () -> ()
      %add3A_299 = arith.constant 3 : i32
      %add3A_300 = arith.addi %add3A_274, %add3A_299 : i32
      %lt3A_301 = arith.constant 80 : i32
      %lt3A_302 = arith.cmpi slt, %add3A_300, %lt3A_301 : i32
      %convert_element_type3A_303 = arith.extui %lt3A_302 : i1 to i32
      %cond3A_304 = arith.constant 0 : i32
      %cond3A_305 = arith.cmpi ne, %convert_element_type3A_303, %cond3A_304 : i32
      scf.if %cond3A_305 {
        %add3A_306 = arith.constant 3 : i32
        %add3A_307 = arith.addi %add3A_274, %add3A_306 : i32
        %dma_start3A_308 = arith.constant 0 : i32
        %dma_start3A_309 = arith.constant 0 : i32
        %dma_start3A_310 = tpu.memref_slice %arg4[%add3A, %dma_start3A_308, %dma_start3A_309] : memref<32x80x125xi32, #tpu.memory_space<hbm>> -> memref<1x80x125xi32, #tpu.memory_space<hbm>>
        %dma_start3A_311 = tpu.memref_squeeze %dma_start3A_310 : memref<1x80x125xi32, #tpu.memory_space<hbm>> -> memref<80x125xi32, #tpu.memory_space<hbm>>
        %dma_start3A_312 = arith.constant 0 : i32
        %dma_start3A_313 = tpu.memref_slice %dma_start3A_311[%add3A_307, %dma_start3A_312] : memref<80x125xi32, #tpu.memory_space<hbm>> -> memref<1x125xi32, #tpu.memory_space<hbm>>
        %dma_start3A_314 = tpu.memref_squeeze %dma_start3A_313 : memref<1x125xi32, #tpu.memory_space<hbm>> -> memref<125xi32, #tpu.memory_space<hbm>>
        %dma_start3A_315 = arith.constant 0 : i32
        %dma_start3A_316 = arith.constant 0 : i32
        %dma_start3A_317 = tpu.memref_slice %arg4[%add3A, %dma_start3A_315, %dma_start3A_316] : memref<32x80x125xi32, #tpu.memory_space<hbm>> -> memref<1x80x125xi32, #tpu.memory_space<hbm>>
        %dma_start3A_318 = tpu.memref_squeeze %dma_start3A_317 : memref<1x80x125xi32, #tpu.memory_space<hbm>> -> memref<80x125xi32, #tpu.memory_space<hbm>>
        %dma_start3A_319 = arith.constant 0 : i32
        %dma_start3A_320 = tpu.memref_slice %dma_start3A_318[%add3A_307, %dma_start3A_319] : memref<80x125xi32, #tpu.memory_space<hbm>> -> memref<1x125xi32, #tpu.memory_space<hbm>>
        %dma_start3A_321 = tpu.memref_squeeze %dma_start3A_320 : memref<1x125xi32, #tpu.memory_space<hbm>> -> memref<125xi32, #tpu.memory_space<hbm>>
        tpu.enqueue_dma source(%dma_start3A_321 : memref<125xi32, #tpu.memory_space<hbm>>) target(%arg11 : memref<125xi32, #tpu.memory_space<vmem>>) target_semaphore(%arg21 : memref<!tpu.dma_semaphore, #tpu.memory_space<semaphore_mem>>)
        %add3A_322 = arith.constant 3 : i32
        %add3A_323 = arith.addi %add3A_274, %add3A_322 : i32
        %dma_wait3A_324 = arith.constant 0 : i32
        %dma_wait3A_325 = arith.constant 0 : i32
        %dma_wait3A_326 = tpu.memref_slice %arg3[%add3A, %dma_wait3A_324, %dma_wait3A_325] : memref<32x80x125xi32, #tpu.memory_space<hbm>> -> memref<1x80x125xi32, #tpu.memory_space<hbm>>
        %dma_wait3A_327 = tpu.memref_squeeze %dma_wait3A_326 : memref<1x80x125xi32, #tpu.memory_space<hbm>> -> memref<80x125xi32, #tpu.memory_space<hbm>>
        %dma_wait3A_328 = arith.constant 0 : i32
        %dma_wait3A_329 = tpu.memref_slice %dma_wait3A_327[%add3A_323, %dma_wait3A_328] : memref<80x125xi32, #tpu.memory_space<hbm>> -> memref<1x125xi32, #tpu.memory_space<hbm>>
        %dma_wait3A_330 = tpu.memref_squeeze %dma_wait3A_329 : memref<1x125xi32, #tpu.memory_space<hbm>> -> memref<125xi32, #tpu.memory_space<hbm>>
        %dma_wait3A_331 = arith.constant 0 : i32
        %dma_wait3A_332 = arith.constant 0 : i32
        %dma_wait3A_333 = tpu.memref_slice %arg3[%add3A, %dma_wait3A_331, %dma_wait3A_332] : memref<32x80x125xi32, #tpu.memory_space<hbm>> -> memref<1x80x125xi32, #tpu.memory_space<hbm>>
        %dma_wait3A_334 = tpu.memref_squeeze %dma_wait3A_333 : memref<1x80x125xi32, #tpu.memory_space<hbm>> -> memref<80x125xi32, #tpu.memory_space<hbm>>
        %dma_wait3A_335 = arith.constant 0 : i32
        %dma_wait3A_336 = tpu.memref_slice %dma_wait3A_334[%add3A_323, %dma_wait3A_335] : memref<80x125xi32, #tpu.memory_space<hbm>> -> memref<1x125xi32, #tpu.memory_space<hbm>>
        %dma_wait3A_337 = tpu.memref_squeeze %dma_wait3A_336 : memref<1x125xi32, #tpu.memory_space<hbm>> -> memref<125xi32, #tpu.memory_space<hbm>>
        tpu.wait_dma2 semaphore(%arg18 : memref<!tpu.dma_semaphore, #tpu.memory_space<semaphore_mem>>) src(%dma_wait3A_337 : memref<125xi32, #tpu.memory_space<hbm>>) dst(%arg8 : memref<125xi32, #tpu.memory_space<vmem>>)
        %dma_start3A_338 = arith.constant 0 : i32
        %dma_start3A_339 = arith.constant 0 : i32
        %dma_start3A_340 = tpu.memref_slice %arg2[%dma_start3A_338, %dma_start3A_339] : memref<10000x128xf32, #tpu.memory_space<hbm>> -> memref<10000x128xf32, #tpu.memory_space<hbm>>
        tpu.enqueue_indirect_dma source(%dma_start3A_340 : memref<10000x128xf32, #tpu.memory_space<hbm>>) target(%arg14 : memref<125x128xf32, #tpu.memory_space<vmem>>) offsets(%arg8 : memref<125xi32, #tpu.memory_space<vmem>>) semaphore(%arg24 : memref<!tpu.dma_semaphore, #tpu.memory_space<semaphore_mem>>)
      } else {
      }
    }
    %scan3A_154 = arith.constant 26 : i32
    %dma_wait3A_155 = arith.constant 0 : i32
    %dma_wait3A_156 = arith.constant 0 : i32
    %dma_wait3A_157 = tpu.memref_slice %arg2[%dma_wait3A_155, %dma_wait3A_156] : memref<10000x128xf32, #tpu.memory_space<hbm>> -> memref<10000x128xf32, #tpu.memory_space<hbm>>
    tpu.wait_indirect_dma semaphore(%arg22 : memref<!tpu.dma_semaphore, #tpu.memory_space<semaphore_mem>>) src(%dma_wait3A_157 : memref<10000x128xf32, #tpu.memory_space<hbm>>) dst(%arg12 : memref<125x128xf32, #tpu.memory_space<vmem>>)
    %dma_wait3A_158 = arith.constant 78 : i32
    %dma_wait3A_159 = arith.constant 0 : i32
    %dma_wait3A_160 = arith.constant 0 : i32
    %dma_wait3A_161 = tpu.memref_slice %arg4[%add3A, %dma_wait3A_159, %dma_wait3A_160] : memref<32x80x125xi32, #tpu.memory_space<hbm>> -> memref<1x80x125xi32, #tpu.memory_space<hbm>>
    %dma_wait3A_162 = tpu.memref_squeeze %dma_wait3A_161 : memref<1x80x125xi32, #tpu.memory_space<hbm>> -> memref<80x125xi32, #tpu.memory_space<hbm>>
    %dma_wait3A_163 = arith.constant 0 : i32
    %dma_wait3A_164 = tpu.memref_slice %dma_wait3A_162[%dma_wait3A_158, %dma_wait3A_163] : memref<80x125xi32, #tpu.memory_space<hbm>> -> memref<1x125xi32, #tpu.memory_space<hbm>>
    %dma_wait3A_165 = tpu.memref_squeeze %dma_wait3A_164 : memref<1x125xi32, #tpu.memory_space<hbm>> -> memref<125xi32, #tpu.memory_space<hbm>>
    %dma_wait3A_166 = arith.constant 0 : i32
    %dma_wait3A_167 = arith.constant 0 : i32
    %dma_wait3A_168 = tpu.memref_slice %arg4[%add3A, %dma_wait3A_166, %dma_wait3A_167] : memref<32x80x125xi32, #tpu.memory_space<hbm>> -> memref<1x80x125xi32, #tpu.memory_space<hbm>>
    %dma_wait3A_169 = tpu.memref_squeeze %dma_wait3A_168 : memref<1x80x125xi32, #tpu.memory_space<hbm>> -> memref<80x125xi32, #tpu.memory_space<hbm>>
    %dma_wait3A_170 = arith.constant 0 : i32
    %dma_wait3A_171 = tpu.memref_slice %dma_wait3A_169[%dma_wait3A_158, %dma_wait3A_170] : memref<80x125xi32, #tpu.memory_space<hbm>> -> memref<1x125xi32, #tpu.memory_space<hbm>>
    %dma_wait3A_172 = tpu.memref_squeeze %dma_wait3A_171 : memref<1x125xi32, #tpu.memory_space<hbm>> -> memref<125xi32, #tpu.memory_space<hbm>>
    tpu.wait_dma2 semaphore(%arg19 : memref<!tpu.dma_semaphore, #tpu.memory_space<semaphore_mem>>) src(%dma_wait3A_172 : memref<125xi32, #tpu.memory_space<hbm>>) dst(%arg9 : memref<125xi32, #tpu.memory_space<vmem>>)
    "tpu.region"() ({
      %run_scoped3A = tpu.sem_alloc : memref<!tpu.dma_semaphore, #tpu.memory_space<semaphore_mem>>
      %dma_start3A_202 = arith.constant 0 : i32
      %dma_start3A_203 = arith.constant 0 : i32
      %dma_start3A_204 = tpu.memref_slice %arg15[%dma_start3A_202, %dma_start3A_203] : memref<10000x128xf32, #tpu.memory_space<vmem_shared>> -> memref<10000x128xf32, #tpu.memory_space<vmem_shared>>
      tpu.enqueue_indirect_dma source(%arg12 : memref<125x128xf32, #tpu.memory_space<vmem>>) target(%dma_start3A_204 : memref<10000x128xf32, #tpu.memory_space<vmem_shared>>) offsets(%arg9 : memref<125xi32, #tpu.memory_space<vmem>>) semaphore(%run_scoped3A : memref<!tpu.dma_semaphore, #tpu.memory_space<semaphore_mem>>) {add = true}
      %dma_wait3A_205 = arith.constant 0 : i32
      %dma_wait3A_206 = arith.constant 0 : i32
      %dma_wait3A_207 = tpu.memref_slice %arg15[%dma_wait3A_205, %dma_wait3A_206] : memref<10000x128xf32, #tpu.memory_space<vmem_shared>> -> memref<10000x128xf32, #tpu.memory_space<vmem_shared>>
      tpu.wait_indirect_dma semaphore(%run_scoped3A : memref<!tpu.dma_semaphore, #tpu.memory_space<semaphore_mem>>) src(%arg12 : memref<125x128xf32, #tpu.memory_space<vmem>>) dst(%dma_wait3A_207 : memref<10000x128xf32, #tpu.memory_space<vmem_shared>>)
      tpu.yield
    }) : () -> ()
    %dma_wait3A_173 = arith.constant 0 : i32
    %dma_wait3A_174 = arith.constant 0 : i32
    %dma_wait3A_175 = tpu.memref_slice %arg2[%dma_wait3A_173, %dma_wait3A_174] : memref<10000x128xf32, #tpu.memory_space<hbm>> -> memref<10000x128xf32, #tpu.memory_space<hbm>>
    tpu.wait_indirect_dma semaphore(%arg23 : memref<!tpu.dma_semaphore, #tpu.memory_space<semaphore_mem>>) src(%dma_wait3A_175 : memref<10000x128xf32, #tpu.memory_space<hbm>>) dst(%arg13 : memref<125x128xf32, #tpu.memory_space<vmem>>)
    %dma_wait3A_176 = arith.constant 79 : i32
    %dma_wait3A_177 = arith.constant 0 : i32
    %dma_wait3A_178 = arith.constant 0 : i32
    %dma_wait3A_179 = tpu.memref_slice %arg4[%add3A, %dma_wait3A_177, %dma_wait3A_178] : memref<32x80x125xi32, #tpu.memory_space<hbm>> -> memref<1x80x125xi32, #tpu.memory_space<hbm>>
    %dma_wait3A_180 = tpu.memref_squeeze %dma_wait3A_179 : memref<1x80x125xi32, #tpu.memory_space<hbm>> -> memref<80x125xi32, #tpu.memory_space<hbm>>
    %dma_wait3A_181 = arith.constant 0 : i32
    %dma_wait3A_182 = tpu.memref_slice %dma_wait3A_180[%dma_wait3A_176, %dma_wait3A_181] : memref<80x125xi32, #tpu.memory_space<hbm>> -> memref<1x125xi32, #tpu.memory_space<hbm>>
    %dma_wait3A_183 = tpu.memref_squeeze %dma_wait3A_182 : memref<1x125xi32, #tpu.memory_space<hbm>> -> memref<125xi32, #tpu.memory_space<hbm>>
    %dma_wait3A_184 = arith.constant 0 : i32
    %dma_wait3A_185 = arith.constant 0 : i32
    %dma_wait3A_186 = tpu.memref_slice %arg4[%add3A, %dma_wait3A_184, %dma_wait3A_185] : memref<32x80x125xi32, #tpu.memory_space<hbm>> -> memref<1x80x125xi32, #tpu.memory_space<hbm>>
    %dma_wait3A_187 = tpu.memref_squeeze %dma_wait3A_186 : memref<1x80x125xi32, #tpu.memory_space<hbm>> -> memref<80x125xi32, #tpu.memory_space<hbm>>
    %dma_wait3A_188 = arith.constant 0 : i32
    %dma_wait3A_189 = tpu.memref_slice %dma_wait3A_187[%dma_wait3A_176, %dma_wait3A_188] : memref<80x125xi32, #tpu.memory_space<hbm>> -> memref<1x125xi32, #tpu.memory_space<hbm>>
    %dma_wait3A_190 = tpu.memref_squeeze %dma_wait3A_189 : memref<1x125xi32, #tpu.memory_space<hbm>> -> memref<125xi32, #tpu.memory_space<hbm>>
    tpu.wait_dma2 semaphore(%arg20 : memref<!tpu.dma_semaphore, #tpu.memory_space<semaphore_mem>>) src(%dma_wait3A_190 : memref<125xi32, #tpu.memory_space<hbm>>) dst(%arg10 : memref<125xi32, #tpu.memory_space<vmem>>)
    "tpu.region"() ({
      %run_scoped3A = tpu.sem_alloc : memref<!tpu.dma_semaphore, #tpu.memory_space<semaphore_mem>>
      %dma_start3A_202 = arith.constant 0 : i32
      %dma_start3A_203 = arith.constant 0 : i32
      %dma_start3A_204 = tpu.memref_slice %arg15[%dma_start3A_202, %dma_start3A_203] : memref<10000x128xf32, #tpu.memory_space<vmem_shared>> -> memref<10000x128xf32, #tpu.memory_space<vmem_shared>>
      tpu.enqueue_indirect_dma source(%arg13 : memref<125x128xf32, #tpu.memory_space<vmem>>) target(%dma_start3A_204 : memref<10000x128xf32, #tpu.memory_space<vmem_shared>>) offsets(%arg10 : memref<125xi32, #tpu.memory_space<vmem>>) semaphore(%run_scoped3A : memref<!tpu.dma_semaphore, #tpu.memory_space<semaphore_mem>>) {add = true}
      %dma_wait3A_205 = arith.constant 0 : i32
      %dma_wait3A_206 = arith.constant 0 : i32
      %dma_wait3A_207 = tpu.memref_slice %arg15[%dma_wait3A_205, %dma_wait3A_206] : memref<10000x128xf32, #tpu.memory_space<vmem_shared>> -> memref<10000x128xf32, #tpu.memory_space<vmem_shared>>
      tpu.wait_indirect_dma semaphore(%run_scoped3A : memref<!tpu.dma_semaphore, #tpu.memory_space<semaphore_mem>>) src(%arg13 : memref<125x128xf32, #tpu.memory_space<vmem>>) dst(%dma_wait3A_207 : memref<10000x128xf32, #tpu.memory_space<vmem_shared>>)
      tpu.yield
    }) : () -> ()
    %barrier3A_191 = arith.constant 0 : index
    tpu.barrier barrier_id(%barrier3A_191)
    %lt3A_192 = arith.constant 15 : i32
    %lt3A_193 = arith.cmpi slt, %arg1, %lt3A_192 : i32
    %convert_element_type3A_194 = arith.extui %lt3A_193 : i1 to i32
    %cond3A_195 = arith.constant 0 : i32
    %cond3A_196 = arith.cmpi ne, %convert_element_type3A_194, %cond3A_195 : i32
    scf.if %cond3A_196 {
      "tpu.region"() ({
        %run_scoped3A = tpu.sem_alloc : memref<!tpu.dma_semaphore, #tpu.memory_space<semaphore_mem>>
        %dma_start3A_202 = arith.constant 0 : i32
        %dma_start3A_203 = arith.constant 0 : i32
        %dma_start3A_204 = tpu.memref_slice %arg5[%arg0, %dma_start3A_202, %dma_start3A_203] : memref<2x10000x128xf32, #tpu.memory_space<hbm>> -> memref<1x10000x128xf32, #tpu.memory_space<hbm>>
        %dma_start3A_205 = tpu.memref_squeeze %dma_start3A_204 : memref<1x10000x128xf32, #tpu.memory_space<hbm>> -> memref<10000x128xf32, #tpu.memory_space<hbm>>
        %dma_start3A_206 = arith.constant 0 : i32
        %dma_start3A_207 = tpu.memref_slice %dma_start3A_205[%mul3A_0, %dma_start3A_206] : memref<10000x128xf32, #tpu.memory_space<hbm>> -> memref<624x128xf32, #tpu.memory_space<hbm>>
        %dma_start3A_208 = arith.constant 0 : i32
        %dma_start3A_209 = tpu.memref_slice %arg15[%mul3A_0, %dma_start3A_208] : memref<10000x128xf32, #tpu.memory_space<vmem_shared>> -> memref<624x128xf32, #tpu.memory_space<vmem_shared>>
        tpu.enqueue_dma source(%dma_start3A_209 : memref<624x128xf32, #tpu.memory_space<vmem_shared>>) target(%dma_start3A_207 : memref<624x128xf32, #tpu.memory_space<hbm>>) target_semaphore(%run_scoped3A : memref<!tpu.dma_semaphore, #tpu.memory_space<semaphore_mem>>)
        %dma_wait3A_210 = arith.constant 0 : i32
        %dma_wait3A_211 = arith.constant 0 : i32
        %dma_wait3A_212 = tpu.memref_slice %arg5[%arg0, %dma_wait3A_210, %dma_wait3A_211] : memref<2x10000x128xf32, #tpu.memory_space<hbm>> -> memref<1x10000x128xf32, #tpu.memory_space<hbm>>
        %dma_wait3A_213 = tpu.memref_squeeze %dma_wait3A_212 : memref<1x10000x128xf32, #tpu.memory_space<hbm>> -> memref<10000x128xf32, #tpu.memory_space<hbm>>
        %dma_wait3A_214 = arith.constant 0 : i32
        %dma_wait3A_215 = tpu.memref_slice %dma_wait3A_213[%mul3A_0, %dma_wait3A_214] : memref<10000x128xf32, #tpu.memory_space<hbm>> -> memref<624x128xf32, #tpu.memory_space<hbm>>
        %dma_wait3A_216 = arith.constant 0 : i32
        %dma_wait3A_217 = tpu.memref_slice %arg15[%mul3A_0, %dma_wait3A_216] : memref<10000x128xf32, #tpu.memory_space<vmem_shared>> -> memref<624x128xf32, #tpu.memory_space<vmem_shared>>
        tpu.wait_dma2 semaphore(%run_scoped3A : memref<!tpu.dma_semaphore, #tpu.memory_space<semaphore_mem>>) src(%dma_wait3A_217 : memref<624x128xf32, #tpu.memory_space<vmem_shared>>) dst(%dma_wait3A_215 : memref<624x128xf32, #tpu.memory_space<hbm>>)
        tpu.yield
      }) : () -> ()
    } else {
    }
    %eq3A_197 = arith.constant 15 : i32
    %eq3A_198 = arith.cmpi eq, %arg1, %eq3A_197 : i32
    %convert_element_type3A_199 = arith.extui %eq3A_198 : i1 to i32
    %cond3A_200 = arith.constant 0 : i32
    %cond3A_201 = arith.cmpi ne, %convert_element_type3A_199, %cond3A_200 : i32
    scf.if %cond3A_201 {
      "tpu.region"() ({
        %run_scoped3A = tpu.sem_alloc : memref<!tpu.dma_semaphore, #tpu.memory_space<semaphore_mem>>
        %dma_start3A_202 = arith.constant 0 : i32
        %dma_start3A_203 = arith.constant 0 : i32
        %dma_start3A_204 = tpu.memref_slice %arg5[%arg0, %dma_start3A_202, %dma_start3A_203] : memref<2x10000x128xf32, #tpu.memory_space<hbm>> -> memref<1x10000x128xf32, #tpu.memory_space<hbm>>
        %dma_start3A_205 = tpu.memref_squeeze %dma_start3A_204 : memref<1x10000x128xf32, #tpu.memory_space<hbm>> -> memref<10000x128xf32, #tpu.memory_space<hbm>>
        %dma_start3A_206 = arith.constant 9360 : i32
        %dma_start3A_207 = arith.constant 0 : i32
        %dma_start3A_208 = tpu.memref_slice %dma_start3A_205[%dma_start3A_206, %dma_start3A_207] : memref<10000x128xf32, #tpu.memory_space<hbm>> -> memref<640x128xf32, #tpu.memory_space<hbm>>
        %dma_start3A_209 = arith.constant 9360 : i32
        %dma_start3A_210 = arith.constant 0 : i32
        %dma_start3A_211 = tpu.memref_slice %arg15[%dma_start3A_209, %dma_start3A_210] : memref<10000x128xf32, #tpu.memory_space<vmem_shared>> -> memref<640x128xf32, #tpu.memory_space<vmem_shared>>
        tpu.enqueue_dma source(%dma_start3A_211 : memref<640x128xf32, #tpu.memory_space<vmem_shared>>) target(%dma_start3A_208 : memref<640x128xf32, #tpu.memory_space<hbm>>) target_semaphore(%run_scoped3A : memref<!tpu.dma_semaphore, #tpu.memory_space<semaphore_mem>>)
        %dma_wait3A_212 = arith.constant 0 : i32
        %dma_wait3A_213 = arith.constant 0 : i32
        %dma_wait3A_214 = tpu.memref_slice %arg5[%arg0, %dma_wait3A_212, %dma_wait3A_213] : memref<2x10000x128xf32, #tpu.memory_space<hbm>> -> memref<1x10000x128xf32, #tpu.memory_space<hbm>>
        %dma_wait3A_215 = tpu.memref_squeeze %dma_wait3A_214 : memref<1x10000x128xf32, #tpu.memory_space<hbm>> -> memref<10000x128xf32, #tpu.memory_space<hbm>>
        %dma_wait3A_216 = arith.constant 9360 : i32
        %dma_wait3A_217 = arith.constant 0 : i32
        %dma_wait3A_218 = tpu.memref_slice %dma_wait3A_215[%dma_wait3A_216, %dma_wait3A_217] : memref<10000x128xf32, #tpu.memory_space<hbm>> -> memref<640x128xf32, #tpu.memory_space<hbm>>
        %dma_wait3A_219 = arith.constant 9360 : i32
        %dma_wait3A_220 = arith.constant 0 : i32
        %dma_wait3A_221 = tpu.memref_slice %arg15[%dma_wait3A_219, %dma_wait3A_220] : memref<10000x128xf32, #tpu.memory_space<vmem_shared>> -> memref<640x128xf32, #tpu.memory_space<vmem_shared>>
        tpu.wait_dma2 semaphore(%run_scoped3A : memref<!tpu.dma_semaphore, #tpu.memory_space<semaphore_mem>>) src(%dma_wait3A_221 : memref<640x128xf32, #tpu.memory_space<vmem_shared>>) dst(%dma_wait3A_218 : memref<640x128xf32, #tpu.memory_space<hbm>>)
        tpu.yield
      }) : () -> ()
    } else {
    }
    return
  }
}

#map = affine_map<(d0, d1) -> (0, 0)>
#map1 = affine_map<(d0, d1) -> (0, 0, 0)>
module attributes {stable_mosaic.version = 14 : i64} {
  func.func @sc_kernel(%arg0: i32, %arg1: i32, %arg2: memref<10000x128xf32, #tpu.memory_space<hbm>>, %arg3: memref<32x80x125xi32, #tpu.memory_space<hbm>>, %arg4: memref<32x80x125xi32, #tpu.memory_space<hbm>>, %arg5: memref<2x10000x128xf32, #tpu.memory_space<hbm>>, %arg6: memref<125xi32, #tpu.memory_space<vmem>>, %arg7: memref<125xi32, #tpu.memory_space<vmem>>, %arg8: memref<125xi32, #tpu.memory_space<vmem>>, %arg9: memref<125xi32, #tpu.memory_space<vmem>>, %arg10: memref<125xi32, #tpu.memory_space<vmem>>, %arg11: memref<125xi32, #tpu.memory_space<vmem>>, %arg12: memref<125x128xf32, #tpu.memory_space<vmem>>, %arg13: memref<125x128xf32, #tpu.memory_space<vmem>>, %arg14: memref<125x128xf32, #tpu.memory_space<vmem>>, %arg15: memref<10000x128xf32, #tpu.memory_space<vmem_shared>>, %arg16: memref<!tpu.dma_semaphore, #tpu.memory_space<semaphore_mem>>, %arg17: memref<!tpu.dma_semaphore, #tpu.memory_space<semaphore_mem>>, %arg18: memref<!tpu.dma_semaphore, #tpu.memory_space<semaphore_mem>>, %arg19: memref<!tpu.dma_semaphore, #tpu.memory_space<semaphore_mem>>, %arg20: memref<!tpu.dma_semaphore, #tpu.memory_space<semaphore_mem>>, %arg21: memref<!tpu.dma_semaphore, #tpu.memory_space<semaphore_mem>>, %arg22: memref<!tpu.dma_semaphore, #tpu.memory_space<semaphore_mem>>, %arg23: memref<!tpu.dma_semaphore, #tpu.memory_space<semaphore_mem>>, %arg24: memref<!tpu.dma_semaphore, #tpu.memory_space<semaphore_mem>>) attributes {dimension_semantics = [#tpu.dimension_semantics<core_parallel>, #tpu.dimension_semantics<subcore_parallel>], iteration_bounds = array<i64: 2, 16>, scalar_prefetch = 0 : i64, scratch_operands = 19 : i64, tpu.core_type = #tpu.core_type<sc_vector_subcore>, window_params = [{transform_indices = #map}, {transform_indices = #map1}, {transform_indices = #map1}, {transform_indices = #map1}]} {
    %mul3A = arith.constant 624 : i32
    %mul3A_0 = arith.muli %arg1, %mul3A : i32
    %mul3A_1 = arith.constant 16 : i32
    %mul3A_2 = arith.muli %arg0, %mul3A_1 : i32
    %add3A = arith.addi %mul3A_2, %arg1 : i32
    %lt3A = arith.constant 15 : i32
    %lt3A_3 = arith.cmpi slt, %arg1, %lt3A : i32
    %convert_element_type3A = arith.extui %lt3A_3 : i1 to i32
    %cond3A = arith.constant 0 : i32
    %cond3A_4 = arith.cmpi ne, %convert_element_type3A, %cond3A : i32
    scf.if %cond3A_4 {
      "tpu.region"() ({
        %run_scoped3A = tpu.sem_alloc : memref<!tpu.dma_semaphore, #tpu.memory_space<semaphore_mem>>
        %dma_start3A_202 = arith.constant 0 : i32
        %dma_start3A_203 = tpu.memref_slice %arg15[%mul3A_0, %dma_start3A_202] : memref<10000x128xf32, #tpu.memory_space<vmem_shared>> -> memref<624x128xf32, #tpu.memory_space<vmem_shared>>
        %dma_start3A_204 = arith.constant 0 : i32
        %dma_start3A_205 = tpu.memref_slice %arg2[%mul3A_0, %dma_start3A_204] : memref<10000x128xf32, #tpu.memory_space<hbm>> -> memref<624x128xf32, #tpu.memory_space<hbm>>
        tpu.enqueue_dma source(%dma_start3A_205 : memref<624x128xf32, #tpu.memory_space<hbm>>) target(%dma_start3A_203 : memref<624x128xf32, #tpu.memory_space<vmem_shared>>) target_semaphore(%run_scoped3A : memref<!tpu.dma_semaphore, #tpu.memory_space<semaphore_mem>>)
        %dma_wait3A_206 = arith.constant 0 : i32
        %dma_wait3A_207 = tpu.memref_slice %arg15[%mul3A_0, %dma_wait3A_206] : memref<10000x128xf32, #tpu.memory_space<vmem_shared>> -> memref<624x128xf32, #tpu.memory_space<vmem_shared>>
        %dma_wait3A_208 = arith.constant 0 : i32
        %dma_wait3A_209 = tpu.memref_slice %arg2[%mul3A_0, %dma_wait3A_208] : memref<10000x128xf32, #tpu.memory_space<hbm>> -> memref<624x128xf32, #tpu.memory_space<hbm>>
        tpu.wait_dma2 semaphore(%run_scoped3A : memref<!tpu.dma_semaphore, #tpu.memory_space<semaphore_mem>>) src(%dma_wait3A_209 : memref<624x128xf32, #tpu.memory_space<hbm>>) dst(%dma_wait3A_207 : memref<624x128xf32, #tpu.memory_space<vmem_shared>>)
        tpu.yield
      }) : () -> ()
    } else {
    }
    %eq3A = arith.constant 15 : i32
    %eq3A_5 = arith.cmpi eq, %arg1, %eq3A : i32
    %convert_element_type3A_6 = arith.extui %eq3A_5 : i1 to i32
    %cond3A_7 = arith.constant 0 : i32
    %cond3A_8 = arith.cmpi ne, %convert_element_type3A_6, %cond3A_7 : i32
    scf.if %cond3A_8 {
      "tpu.region"() ({
        %run_scoped3A = tpu.sem_alloc : memref<!tpu.dma_semaphore, #tpu.memory_space<semaphore_mem>>
        %dma_start3A_202 = arith.constant 9360 : i32
        %dma_start3A_203 = arith.constant 0 : i32
        %dma_start3A_204 = tpu.memref_slice %arg15[%dma_start3A_202, %dma_start3A_203] : memref<10000x128xf32, #tpu.memory_space<vmem_shared>> -> memref<640x128xf32, #tpu.memory_space<vmem_shared>>
        %dma_start3A_205 = arith.constant 9360 : i32
        %dma_start3A_206 = arith.constant 0 : i32
        %dma_start3A_207 = tpu.memref_slice %arg2[%dma_start3A_205, %dma_start3A_206] : memref<10000x128xf32, #tpu.memory_space<hbm>> -> memref<640x128xf32, #tpu.memory_space<hbm>>
        tpu.enqueue_dma source(%dma_start3A_207 : memref<640x128xf32, #tpu.memory_space<hbm>>) target(%dma_start3A_204 : memref<640x128xf32, #tpu.memory_space<vmem_shared>>) target_semaphore(%run_scoped3A : memref<!tpu.dma_semaphore, #tpu.memory_space<semaphore_mem>>)
        %dma_wait3A_208 = arith.constant 9360 : i32
        %dma_wait3A_209 = arith.constant 0 : i32
        %dma_wait3A_210 = tpu.memref_slice %arg15[%dma_wait3A_208, %dma_wait3A_209] : memref<10000x128xf32, #tpu.memory_space<vmem_shared>> -> memref<640x128xf32, #tpu.memory_space<vmem_shared>>
        %dma_wait3A_211 = arith.constant 9360 : i32
        %dma_wait3A_212 = arith.constant 0 : i32
        %dma_wait3A_213 = tpu.memref_slice %arg2[%dma_wait3A_211, %dma_wait3A_212] : memref<10000x128xf32, #tpu.memory_space<hbm>> -> memref<640x128xf32, #tpu.memory_space<hbm>>
        tpu.wait_dma2 semaphore(%run_scoped3A : memref<!tpu.dma_semaphore, #tpu.memory_space<semaphore_mem>>) src(%dma_wait3A_213 : memref<640x128xf32, #tpu.memory_space<hbm>>) dst(%dma_wait3A_210 : memref<640x128xf32, #tpu.memory_space<vmem_shared>>)
        tpu.yield
      }) : () -> ()
    } else {
    }
    %barrier3A = arith.constant 0 : index
    tpu.barrier barrier_id(%barrier3A)
    %dma_start3A = arith.constant 0 : i32
    %dma_start3A_9 = arith.constant 0 : i32
    %dma_start3A_10 = arith.constant 0 : i32
    %dma_start3A_11 = tpu.memref_slice %arg3[%add3A, %dma_start3A_9, %dma_start3A_10] : memref<32x80x125xi32, #tpu.memory_space<hbm>> -> memref<1x80x125xi32, #tpu.memory_space<hbm>>
    %dma_start3A_12 = tpu.memref_squeeze %dma_start3A_11 : memref<1x80x125xi32, #tpu.memory_space<hbm>> -> memref<80x125xi32, #tpu.memory_space<hbm>>
    %dma_start3A_13 = arith.constant 0 : i32
    %dma_start3A_14 = tpu.memref_slice %dma_start3A_12[%dma_start3A, %dma_start3A_13] : memref<80x125xi32, #tpu.memory_space<hbm>> -> memref<1x125xi32, #tpu.memory_space<hbm>>
    %dma_start3A_15 = tpu.memref_squeeze %dma_start3A_14 : memref<1x125xi32, #tpu.memory_space<hbm>> -> memref<125xi32, #tpu.memory_space<hbm>>
    %dma_start3A_16 = arith.constant 0 : i32
    %dma_start3A_17 = arith.constant 0 : i32
    %dma_start3A_18 = tpu.memref_slice %arg3[%add3A, %dma_start3A_16, %dma_start3A_17] : memref<32x80x125xi32, #tpu.memory_space<hbm>> -> memref<1x80x125xi32, #tpu.memory_space<hbm>>
    %dma_start3A_19 = tpu.memref_squeeze %dma_start3A_18 : memref<1x80x125xi32, #tpu.memory_space<hbm>> -> memref<80x125xi32, #tpu.memory_space<hbm>>
    %dma_start3A_20 = arith.constant 0 : i32
    %dma_start3A_21 = tpu.memref_slice %dma_start3A_19[%dma_start3A, %dma_start3A_20] : memref<80x125xi32, #tpu.memory_space<hbm>> -> memref<1x125xi32, #tpu.memory_space<hbm>>
    %dma_start3A_22 = tpu.memref_squeeze %dma_start3A_21 : memref<1x125xi32, #tpu.memory_space<hbm>> -> memref<125xi32, #tpu.memory_space<hbm>>
    tpu.enqueue_dma source(%dma_start3A_22 : memref<125xi32, #tpu.memory_space<hbm>>) target(%arg6 : memref<125xi32, #tpu.memory_space<vmem>>) target_semaphore(%arg16 : memref<!tpu.dma_semaphore, #tpu.memory_space<semaphore_mem>>)
    %dma_start3A_23 = arith.constant 0 : i32
    %dma_start3A_24 = arith.constant 0 : i32
    %dma_start3A_25 = arith.constant 0 : i32
    %dma_start3A_26 = tpu.memref_slice %arg4[%add3A, %dma_start3A_24, %dma_start3A_25] : memref<32x80x125xi32, #tpu.memory_space<hbm>> -> memref<1x80x125xi32, #tpu.memory_space<hbm>>
    %dma_start3A_27 = tpu.memref_squeeze %dma_start3A_26 : memref<1x80x125xi32, #tpu.memory_space<hbm>> -> memref<80x125xi32, #tpu.memory_space<hbm>>
    %dma_start3A_28 = arith.constant 0 : i32
    %dma_start3A_29 = tpu.memref_slice %dma_start3A_27[%dma_start3A_23, %dma_start3A_28] : memref<80x125xi32, #tpu.memory_space<hbm>> -> memref<1x125xi32, #tpu.memory_space<hbm>>
    %dma_start3A_30 = tpu.memref_squeeze %dma_start3A_29 : memref<1x125xi32, #tpu.memory_space<hbm>> -> memref<125xi32, #tpu.memory_space<hbm>>
    %dma_start3A_31 = arith.constant 0 : i32
    %dma_start3A_32 = arith.constant 0 : i32
    %dma_start3A_33 = tpu.memref_slice %arg4[%add3A, %dma_start3A_31, %dma_start3A_32] : memref<32x80x125xi32, #tpu.memory_space<hbm>> -> memref<1x80x125xi32, #tpu.memory_space<hbm>>
    %dma_start3A_34 = tpu.memref_squeeze %dma_start3A_33 : memref<1x80x125xi32, #tpu.memory_space<hbm>> -> memref<80x125xi32, #tpu.memory_space<hbm>>
    %dma_start3A_35 = arith.constant 0 : i32
    %dma_start3A_36 = tpu.memref_slice %dma_start3A_34[%dma_start3A_23, %dma_start3A_35] : memref<80x125xi32, #tpu.memory_space<hbm>> -> memref<1x125xi32, #tpu.memory_space<hbm>>
    %dma_start3A_37 = tpu.memref_squeeze %dma_start3A_36 : memref<1x125xi32, #tpu.memory_space<hbm>> -> memref<125xi32, #tpu.memory_space<hbm>>
    tpu.enqueue_dma source(%dma_start3A_37 : memref<125xi32, #tpu.memory_space<hbm>>) target(%arg9 : memref<125xi32, #tpu.memory_space<vmem>>) target_semaphore(%arg19 : memref<!tpu.dma_semaphore, #tpu.memory_space<semaphore_mem>>)
    %dma_start3A_38 = arith.constant 1 : i32
    %dma_start3A_39 = arith.constant 0 : i32
    %dma_start3A_40 = arith.constant 0 : i32
    %dma_start3A_41 = tpu.memref_slice %arg3[%add3A, %dma_start3A_39, %dma_start3A_40] : memref<32x80x125xi32, #tpu.memory_space<hbm>> -> memref<1x80x125xi32, #tpu.memory_space<hbm>>
    %dma_start3A_42 = tpu.memref_squeeze %dma_start3A_41 : memref<1x80x125xi32, #tpu.memory_space<hbm>> -> memref<80x125xi32, #tpu.memory_space<hbm>>
    %dma_start3A_43 = arith.constant 0 : i32
    %dma_start3A_44 = tpu.memref_slice %dma_start3A_42[%dma_start3A_38, %dma_start3A_43] : memref<80x125xi32, #tpu.memory_space<hbm>> -> memref<1x125xi32, #tpu.memory_space<hbm>>
    %dma_start3A_45 = tpu.memref_squeeze %dma_start3A_44 : memref<1x125xi32, #tpu.memory_space<hbm>> -> memref<125xi32, #tpu.memory_space<hbm>>
    %dma_start3A_46 = arith.constant 0 : i32
    %dma_start3A_47 = arith.constant 0 : i32
    %dma_start3A_48 = tpu.memref_slice %arg3[%add3A, %dma_start3A_46, %dma_start3A_47] : memref<32x80x125xi32, #tpu.memory_space<hbm>> -> memref<1x80x125xi32, #tpu.memory_space<hbm>>
    %dma_start3A_49 = tpu.memref_squeeze %dma_start3A_48 : memref<1x80x125xi32, #tpu.memory_space<hbm>> -> memref<80x125xi32, #tpu.memory_space<hbm>>
    %dma_start3A_50 = arith.constant 0 : i32
    %dma_start3A_51 = tpu.memref_slice %dma_start3A_49[%dma_start3A_38, %dma_start3A_50] : memref<80x125xi32, #tpu.memory_space<hbm>> -> memref<1x125xi32, #tpu.memory_space<hbm>>
    %dma_start3A_52 = tpu.memref_squeeze %dma_start3A_51 : memref<1x125xi32, #tpu.memory_space<hbm>> -> memref<125xi32, #tpu.memory_space<hbm>>
    tpu.enqueue_dma source(%dma_start3A_52 : memref<125xi32, #tpu.memory_space<hbm>>) target(%arg7 : memref<125xi32, #tpu.memory_space<vmem>>) target_semaphore(%arg17 : memref<!tpu.dma_semaphore, #tpu.memory_space<semaphore_mem>>)
    %dma_start3A_53 = arith.constant 1 : i32
    %dma_start3A_54 = arith.constant 0 : i32
    %dma_start3A_55 = arith.constant 0 : i32
    %dma_start3A_56 = tpu.memref_slice %arg4[%add3A, %dma_start3A_54, %dma_start3A_55] : memref<32x80x125xi32, #tpu.memory_space<hbm>> -> memref<1x80x125xi32, #tpu.memory_space<hbm>>
    %dma_start3A_57 = tpu.memref_squeeze %dma_start3A_56 : memref<1x80x125xi32, #tpu.memory_space<hbm>> -> memref<80x125xi32, #tpu.memory_space<hbm>>
    %dma_start3A_58 = arith.constant 0 : i32
    %dma_start3A_59 = tpu.memref_slice %dma_start3A_57[%dma_start3A_53, %dma_start3A_58] : memref<80x125xi32, #tpu.memory_space<hbm>> -> memref<1x125xi32, #tpu.memory_space<hbm>>
    %dma_start3A_60 = tpu.memref_squeeze %dma_start3A_59 : memref<1x125xi32, #tpu.memory_space<hbm>> -> memref<125xi32, #tpu.memory_space<hbm>>
    %dma_start3A_61 = arith.constant 0 : i32
    %dma_start3A_62 = arith.constant 0 : i32
    %dma_start3A_63 = tpu.memref_slice %arg4[%add3A, %dma_start3A_61, %dma_start3A_62] : memref<32x80x125xi32, #tpu.memory_space<hbm>> -> memref<1x80x125xi32, #tpu.memory_space<hbm>>
    %dma_start3A_64 = tpu.memref_squeeze %dma_start3A_63 : memref<1x80x125xi32, #tpu.memory_space<hbm>> -> memref<80x125xi32, #tpu.memory_space<hbm>>
    %dma_start3A_65 = arith.constant 0 : i32
    %dma_start3A_66 = tpu.memref_slice %dma_start3A_64[%dma_start3A_53, %dma_start3A_65] : memref<80x125xi32, #tpu.memory_space<hbm>> -> memref<1x125xi32, #tpu.memory_space<hbm>>
    %dma_start3A_67 = tpu.memref_squeeze %dma_start3A_66 : memref<1x125xi32, #tpu.memory_space<hbm>> -> memref<125xi32, #tpu.memory_space<hbm>>
    tpu.enqueue_dma source(%dma_start3A_67 : memref<125xi32, #tpu.memory_space<hbm>>) target(%arg10 : memref<125xi32, #tpu.memory_space<vmem>>) target_semaphore(%arg20 : memref<!tpu.dma_semaphore, #tpu.memory_space<semaphore_mem>>)
    %dma_start3A_68 = arith.constant 2 : i32
    %dma_start3A_69 = arith.constant 0 : i32
    %dma_start3A_70 = arith.constant 0 : i32
    %dma_start3A_71 = tpu.memref_slice %arg3[%add3A, %dma_start3A_69, %dma_start3A_70] : memref<32x80x125xi32, #tpu.memory_space<hbm>> -> memref<1x80x125xi32, #tpu.memory_space<hbm>>
    %dma_start3A_72 = tpu.memref_squeeze %dma_start3A_71 : memref<1x80x125xi32, #tpu.memory_space<hbm>> -> memref<80x125xi32, #tpu.memory_space<hbm>>
    %dma_start3A_73 = arith.constant 0 : i32
    %dma_start3A_74 = tpu.memref_slice %dma_start3A_72[%dma_start3A_68, %dma_start3A_73] : memref<80x125xi32, #tpu.memory_space<hbm>> -> memref<1x125xi32, #tpu.memory_space<hbm>>
    %dma_start3A_75 = tpu.memref_squeeze %dma_start3A_74 : memref<1x125xi32, #tpu.memory_space<hbm>> -> memref<125xi32, #tpu.memory_space<hbm>>
    %dma_start3A_76 = arith.constant 0 : i32
    %dma_start3A_77 = arith.constant 0 : i32
    %dma_start3A_78 = tpu.memref_slice %arg3[%add3A, %dma_start3A_76, %dma_start3A_77] : memref<32x80x125xi32, #tpu.memory_space<hbm>> -> memref<1x80x125xi32, #tpu.memory_space<hbm>>
    %dma_start3A_79 = tpu.memref_squeeze %dma_start3A_78 : memref<1x80x125xi32, #tpu.memory_space<hbm>> -> memref<80x125xi32, #tpu.memory_space<hbm>>
    %dma_start3A_80 = arith.constant 0 : i32
    %dma_start3A_81 = tpu.memref_slice %dma_start3A_79[%dma_start3A_68, %dma_start3A_80] : memref<80x125xi32, #tpu.memory_space<hbm>> -> memref<1x125xi32, #tpu.memory_space<hbm>>
    %dma_start3A_82 = tpu.memref_squeeze %dma_start3A_81 : memref<1x125xi32, #tpu.memory_space<hbm>> -> memref<125xi32, #tpu.memory_space<hbm>>
    tpu.enqueue_dma source(%dma_start3A_82 : memref<125xi32, #tpu.memory_space<hbm>>) target(%arg8 : memref<125xi32, #tpu.memory_space<vmem>>) target_semaphore(%arg18 : memref<!tpu.dma_semaphore, #tpu.memory_space<semaphore_mem>>)
    %dma_start3A_83 = arith.constant 2 : i32
    %dma_start3A_84 = arith.constant 0 : i32
    %dma_start3A_85 = arith.constant 0 : i32
    %dma_start3A_86 = tpu.memref_slice %arg4[%add3A, %dma_start3A_84, %dma_start3A_85] : memref<32x80x125xi32, #tpu.memory_space<hbm>> -> memref<1x80x125xi32, #tpu.memory_space<hbm>>
    %dma_start3A_87 = tpu.memref_squeeze %dma_start3A_86 : memref<1x80x125xi32, #tpu.memory_space<hbm>> -> memref<80x125xi32, #tpu.memory_space<hbm>>
    %dma_start3A_88 = arith.constant 0 : i32
    %dma_start3A_89 = tpu.memref_slice %dma_start3A_87[%dma_start3A_83, %dma_start3A_88] : memref<80x125xi32, #tpu.memory_space<hbm>> -> memref<1x125xi32, #tpu.memory_space<hbm>>
    %dma_start3A_90 = tpu.memref_squeeze %dma_start3A_89 : memref<1x125xi32, #tpu.memory_space<hbm>> -> memref<125xi32, #tpu.memory_space<hbm>>
    %dma_start3A_91 = arith.constant 0 : i32
    %dma_start3A_92 = arith.constant 0 : i32
    %dma_start3A_93 = tpu.memref_slice %arg4[%add3A, %dma_start3A_91, %dma_start3A_92] : memref<32x80x125xi32, #tpu.memory_space<hbm>> -> memref<1x80x125xi32, #tpu.memory_space<hbm>>
    %dma_start3A_94 = tpu.memref_squeeze %dma_start3A_93 : memref<1x80x125xi32, #tpu.memory_space<hbm>> -> memref<80x125xi32, #tpu.memory_space<hbm>>
    %dma_start3A_95 = arith.constant 0 : i32
    %dma_start3A_96 = tpu.memref_slice %dma_start3A_94[%dma_start3A_83, %dma_start3A_95] : memref<80x125xi32, #tpu.memory_space<hbm>> -> memref<1x125xi32, #tpu.memory_space<hbm>>
    %dma_start3A_97 = tpu.memref_squeeze %dma_start3A_96 : memref<1x125xi32, #tpu.memory_space<hbm>> -> memref<125xi32, #tpu.memory_space<hbm>>
    tpu.enqueue_dma source(%dma_start3A_97 : memref<125xi32, #tpu.memory_space<hbm>>) target(%arg11 : memref<125xi32, #tpu.memory_space<vmem>>) target_semaphore(%arg21 : memref<!tpu.dma_semaphore, #tpu.memory_space<semaphore_mem>>)
    %dma_wait3A = arith.constant 0 : i32
    %dma_wait3A_98 = arith.constant 0 : i32
    %dma_wait3A_99 = arith.constant 0 : i32
    %dma_wait3A_100 = tpu.memref_slice %arg3[%add3A, %dma_wait3A_98, %dma_wait3A_99] : memref<32x80x125xi32, #tpu.memory_space<hbm>> -> memref<1x80x125xi32, #tpu.memory_space<hbm>>
    %dma_wait3A_101 = tpu.memref_squeeze %dma_wait3A_100 : memref<1x80x125xi32, #tpu.memory_space<hbm>> -> memref<80x125xi32, #tpu.memory_space<hbm>>
    %dma_wait3A_102 = arith.constant 0 : i32
    %dma_wait3A_103 = tpu.memref_slice %dma_wait3A_101[%dma_wait3A, %dma_wait3A_102] : memref<80x125xi32, #tpu.memory_space<hbm>> -> memref<1x125xi32, #tpu.memory_space<hbm>>
    %dma_wait3A_104 = tpu.memref_squeeze %dma_wait3A_103 : memref<1x125xi32, #tpu.memory_space<hbm>> -> memref<125xi32, #tpu.memory_space<hbm>>
    %dma_wait3A_105 = arith.constant 0 : i32
    %dma_wait3A_106 = arith.constant 0 : i32
    %dma_wait3A_107 = tpu.memref_slice %arg3[%add3A, %dma_wait3A_105, %dma_wait3A_106] : memref<32x80x125xi32, #tpu.memory_space<hbm>> -> memref<1x80x125xi32, #tpu.memory_space<hbm>>
    %dma_wait3A_108 = tpu.memref_squeeze %dma_wait3A_107 : memref<1x80x125xi32, #tpu.memory_space<hbm>> -> memref<80x125xi32, #tpu.memory_space<hbm>>
    %dma_wait3A_109 = arith.constant 0 : i32
    %dma_wait3A_110 = tpu.memref_slice %dma_wait3A_108[%dma_wait3A, %dma_wait3A_109] : memref<80x125xi32, #tpu.memory_space<hbm>> -> memref<1x125xi32, #tpu.memory_space<hbm>>
    %dma_wait3A_111 = tpu.memref_squeeze %dma_wait3A_110 : memref<1x125xi32, #tpu.memory_space<hbm>> -> memref<125xi32, #tpu.memory_space<hbm>>
    tpu.wait_dma2 semaphore(%arg16 : memref<!tpu.dma_semaphore, #tpu.memory_space<semaphore_mem>>) src(%dma_wait3A_111 : memref<125xi32, #tpu.memory_space<hbm>>) dst(%arg6 : memref<125xi32, #tpu.memory_space<vmem>>)
    %dma_start3A_112 = arith.constant 0 : i32
    %dma_start3A_113 = arith.constant 0 : i32
    %dma_start3A_114 = tpu.memref_slice %arg2[%dma_start3A_112, %dma_start3A_113] : memref<10000x128xf32, #tpu.memory_space<hbm>> -> memref<10000x128xf32, #tpu.memory_space<hbm>>
    tpu.enqueue_indirect_dma source(%dma_start3A_114 : memref<10000x128xf32, #tpu.memory_space<hbm>>) target(%arg12 : memref<125x128xf32, #tpu.memory_space<vmem>>) offsets(%arg6 : memref<125xi32, #tpu.memory_space<vmem>>) semaphore(%arg22 : memref<!tpu.dma_semaphore, #tpu.memory_space<semaphore_mem>>)
    %dma_wait3A_115 = arith.constant 1 : i32
    %dma_wait3A_116 = arith.constant 0 : i32
    %dma_wait3A_117 = arith.constant 0 : i32
    %dma_wait3A_118 = tpu.memref_slice %arg3[%add3A, %dma_wait3A_116, %dma_wait3A_117] : memref<32x80x125xi32, #tpu.memory_space<hbm>> -> memref<1x80x125xi32, #tpu.memory_space<hbm>>
    %dma_wait3A_119 = tpu.memref_squeeze %dma_wait3A_118 : memref<1x80x125xi32, #tpu.memory_space<hbm>> -> memref<80x125xi32, #tpu.memory_space<hbm>>
    %dma_wait3A_120 = arith.constant 0 : i32
    %dma_wait3A_121 = tpu.memref_slice %dma_wait3A_119[%dma_wait3A_115, %dma_wait3A_120] : memref<80x125xi32, #tpu.memory_space<hbm>> -> memref<1x125xi32, #tpu.memory_space<hbm>>
    %dma_wait3A_122 = tpu.memref_squeeze %dma_wait3A_121 : memref<1x125xi32, #tpu.memory_space<hbm>> -> memref<125xi32, #tpu.memory_space<hbm>>
    %dma_wait3A_123 = arith.constant 0 : i32
    %dma_wait3A_124 = arith.constant 0 : i32
    %dma_wait3A_125 = tpu.memref_slice %arg3[%add3A, %dma_wait3A_123, %dma_wait3A_124] : memref<32x80x125xi32, #tpu.memory_space<hbm>> -> memref<1x80x125xi32, #tpu.memory_space<hbm>>
    %dma_wait3A_126 = tpu.memref_squeeze %dma_wait3A_125 : memref<1x80x125xi32, #tpu.memory_space<hbm>> -> memref<80x125xi32, #tpu.memory_space<hbm>>
    %dma_wait3A_127 = arith.constant 0 : i32
    %dma_wait3A_128 = tpu.memref_slice %dma_wait3A_126[%dma_wait3A_115, %dma_wait3A_127] : memref<80x125xi32, #tpu.memory_space<hbm>> -> memref<1x125xi32, #tpu.memory_space<hbm>>
    %dma_wait3A_129 = tpu.memref_squeeze %dma_wait3A_128 : memref<1x125xi32, #tpu.memory_space<hbm>> -> memref<125xi32, #tpu.memory_space<hbm>>
    tpu.wait_dma2 semaphore(%arg17 : memref<!tpu.dma_semaphore, #tpu.memory_space<semaphore_mem>>) src(%dma_wait3A_129 : memref<125xi32, #tpu.memory_space<hbm>>) dst(%arg7 : memref<125xi32, #tpu.memory_space<vmem>>)
    %dma_start3A_130 = arith.constant 0 : i32
    %dma_start3A_131 = arith.constant 0 : i32
    %dma_start3A_132 = tpu.memref_slice %arg2[%dma_start3A_130, %dma_start3A_131] : memref<10000x128xf32, #tpu.memory_space<hbm>> -> memref<10000x128xf32, #tpu.memory_space<hbm>>
    tpu.enqueue_indirect_dma source(%dma_start3A_132 : memref<10000x128xf32, #tpu.memory_space<hbm>>) target(%arg13 : memref<125x128xf32, #tpu.memory_space<vmem>>) offsets(%arg7 : memref<125xi32, #tpu.memory_space<vmem>>) semaphore(%arg23 : memref<!tpu.dma_semaphore, #tpu.memory_space<semaphore_mem>>)
    %dma_wait3A_133 = arith.constant 2 : i32
    %dma_wait3A_134 = arith.constant 0 : i32
    %dma_wait3A_135 = arith.constant 0 : i32
    %dma_wait3A_136 = tpu.memref_slice %arg3[%add3A, %dma_wait3A_134, %dma_wait3A_135] : memref<32x80x125xi32, #tpu.memory_space<hbm>> -> memref<1x80x125xi32, #tpu.memory_space<hbm>>
    %dma_wait3A_137 = tpu.memref_squeeze %dma_wait3A_136 : memref<1x80x125xi32, #tpu.memory_space<hbm>> -> memref<80x125xi32, #tpu.memory_space<hbm>>
    %dma_wait3A_138 = arith.constant 0 : i32
    %dma_wait3A_139 = tpu.memref_slice %dma_wait3A_137[%dma_wait3A_133, %dma_wait3A_138] : memref<80x125xi32, #tpu.memory_space<hbm>> -> memref<1x125xi32, #tpu.memory_space<hbm>>
    %dma_wait3A_140 = tpu.memref_squeeze %dma_wait3A_139 : memref<1x125xi32, #tpu.memory_space<hbm>> -> memref<125xi32, #tpu.memory_space<hbm>>
    %dma_wait3A_141 = arith.constant 0 : i32
    %dma_wait3A_142 = arith.constant 0 : i32
    %dma_wait3A_143 = tpu.memref_slice %arg3[%add3A, %dma_wait3A_141, %dma_wait3A_142] : memref<32x80x125xi32, #tpu.memory_space<hbm>> -> memref<1x80x125xi32, #tpu.memory_space<hbm>>
    %dma_wait3A_144 = tpu.memref_squeeze %dma_wait3A_143 : memref<1x80x125xi32, #tpu.memory_space<hbm>> -> memref<80x125xi32, #tpu.memory_space<hbm>>
    %dma_wait3A_145 = arith.constant 0 : i32
    %dma_wait3A_146 = tpu.memref_slice %dma_wait3A_144[%dma_wait3A_133, %dma_wait3A_145] : memref<80x125xi32, #tpu.memory_space<hbm>> -> memref<1x125xi32, #tpu.memory_space<hbm>>
    %dma_wait3A_147 = tpu.memref_squeeze %dma_wait3A_146 : memref<1x125xi32, #tpu.memory_space<hbm>> -> memref<125xi32, #tpu.memory_space<hbm>>
    tpu.wait_dma2 semaphore(%arg18 : memref<!tpu.dma_semaphore, #tpu.memory_space<semaphore_mem>>) src(%dma_wait3A_147 : memref<125xi32, #tpu.memory_space<hbm>>) dst(%arg8 : memref<125xi32, #tpu.memory_space<vmem>>)
    %dma_start3A_148 = arith.constant 0 : i32
    %dma_start3A_149 = arith.constant 0 : i32
    %dma_start3A_150 = tpu.memref_slice %arg2[%dma_start3A_148, %dma_start3A_149] : memref<10000x128xf32, #tpu.memory_space<hbm>> -> memref<10000x128xf32, #tpu.memory_space<hbm>>
    tpu.enqueue_indirect_dma source(%dma_start3A_150 : memref<10000x128xf32, #tpu.memory_space<hbm>>) target(%arg14 : memref<125x128xf32, #tpu.memory_space<vmem>>) offsets(%arg8 : memref<125xi32, #tpu.memory_space<vmem>>) semaphore(%arg24 : memref<!tpu.dma_semaphore, #tpu.memory_space<semaphore_mem>>)
    %scan3A = arith.constant 0 : i32
    %scan3A_151 = arith.constant 26 : i32
    %scan3A_152 = arith.addi %scan3A, %scan3A_151 : i32
    %scan3A_153 = arith.constant 1 : i32
    scf.for %scan3A_202 = %scan3A to %scan3A_152 step %scan3A_153  : i32 {
      %mul3A_203 = arith.constant 3 : i32
      %mul3A_204 = arith.muli %scan3A_202, %mul3A_203 : i32
      %add3A_205 = arith.constant 0 : i32
      %add3A_206 = arith.addi %add3A_205, %mul3A_204 : i32
      %add3A_207 = arith.constant 0 : i32
      %add3A_208 = arith.addi %add3A_206, %add3A_207 : i32
      %dma_wait3A_209 = arith.constant 0 : i32
      %dma_wait3A_210 = arith.constant 0 : i32
      %dma_wait3A_211 = tpu.memref_slice %arg2[%dma_wait3A_209, %dma_wait3A_210] : memref<10000x128xf32, #tpu.memory_space<hbm>> -> memref<10000x128xf32, #tpu.memory_space<hbm>>
      tpu.wait_indirect_dma semaphore(%arg22 : memref<!tpu.dma_semaphore, #tpu.memory_space<semaphore_mem>>) src(%dma_wait3A_211 : memref<10000x128xf32, #tpu.memory_space<hbm>>) dst(%arg12 : memref<125x128xf32, #tpu.memory_space<vmem>>)
      %add3A_212 = arith.constant 3 : i32
      %add3A_213 = arith.addi %add3A_208, %add3A_212 : i32
      %lt3A_214 = arith.constant 80 : i32
      %lt3A_215 = arith.cmpi slt, %add3A_213, %lt3A_214 : i32
      %convert_element_type3A_216 = arith.extui %lt3A_215 : i1 to i32
      %cond3A_217 = arith.constant 0 : i32
      %cond3A_218 = arith.cmpi ne, %convert_element_type3A_216, %cond3A_217 : i32
      scf.if %cond3A_218 {
        %add3A_306 = arith.constant 3 : i32
        %add3A_307 = arith.addi %add3A_208, %add3A_306 : i32
        %dma_start3A_308 = arith.constant 0 : i32
        %dma_start3A_309 = arith.constant 0 : i32
        %dma_start3A_310 = tpu.memref_slice %arg3[%add3A, %dma_start3A_308, %dma_start3A_309] : memref<32x80x125xi32, #tpu.memory_space<hbm>> -> memref<1x80x125xi32, #tpu.memory_space<hbm>>
        %dma_start3A_311 = tpu.memref_squeeze %dma_start3A_310 : memref<1x80x125xi32, #tpu.memory_space<hbm>> -> memref<80x125xi32, #tpu.memory_space<hbm>>
        %dma_start3A_312 = arith.constant 0 : i32
        %dma_start3A_313 = tpu.memref_slice %dma_start3A_311[%add3A_307, %dma_start3A_312] : memref<80x125xi32, #tpu.memory_space<hbm>> -> memref<1x125xi32, #tpu.memory_space<hbm>>
        %dma_start3A_314 = tpu.memref_squeeze %dma_start3A_313 : memref<1x125xi32, #tpu.memory_space<hbm>> -> memref<125xi32, #tpu.memory_space<hbm>>
        %dma_start3A_315 = arith.constant 0 : i32
        %dma_start3A_316 = arith.constant 0 : i32
        %dma_start3A_317 = tpu.memref_slice %arg3[%add3A, %dma_start3A_315, %dma_start3A_316] : memref<32x80x125xi32, #tpu.memory_space<hbm>> -> memref<1x80x125xi32, #tpu.memory_space<hbm>>
        %dma_start3A_318 = tpu.memref_squeeze %dma_start3A_317 : memref<1x80x125xi32, #tpu.memory_space<hbm>> -> memref<80x125xi32, #tpu.memory_space<hbm>>
        %dma_start3A_319 = arith.constant 0 : i32
        %dma_start3A_320 = tpu.memref_slice %dma_start3A_318[%add3A_307, %dma_start3A_319] : memref<80x125xi32, #tpu.memory_space<hbm>> -> memref<1x125xi32, #tpu.memory_space<hbm>>
        %dma_start3A_321 = tpu.memref_squeeze %dma_start3A_320 : memref<1x125xi32, #tpu.memory_space<hbm>> -> memref<125xi32, #tpu.memory_space<hbm>>
        tpu.enqueue_dma source(%dma_start3A_321 : memref<125xi32, #tpu.memory_space<hbm>>) target(%arg6 : memref<125xi32, #tpu.memory_space<vmem>>) target_semaphore(%arg16 : memref<!tpu.dma_semaphore, #tpu.memory_space<semaphore_mem>>)
      } else {
      }
      %dma_wait3A_219 = arith.constant 0 : i32
      %dma_wait3A_220 = arith.constant 0 : i32
      %dma_wait3A_221 = tpu.memref_slice %arg4[%add3A, %dma_wait3A_219, %dma_wait3A_220] : memref<32x80x125xi32, #tpu.memory_space<hbm>> -> memref<1x80x125xi32, #tpu.memory_space<hbm>>
      %dma_wait3A_222 = tpu.memref_squeeze %dma_wait3A_221 : memref<1x80x125xi32, #tpu.memory_space<hbm>> -> memref<80x125xi32, #tpu.memory_space<hbm>>
      %dma_wait3A_223 = arith.constant 0 : i32
      %dma_wait3A_224 = tpu.memref_slice %dma_wait3A_222[%add3A_208, %dma_wait3A_223] : memref<80x125xi32, #tpu.memory_space<hbm>> -> memref<1x125xi32, #tpu.memory_space<hbm>>
      %dma_wait3A_225 = tpu.memref_squeeze %dma_wait3A_224 : memref<1x125xi32, #tpu.memory_space<hbm>> -> memref<125xi32, #tpu.memory_space<hbm>>
      %dma_wait3A_226 = arith.constant 0 : i32
      %dma_wait3A_227 = arith.constant 0 : i32
      %dma_wait3A_228 = tpu.memref_slice %arg4[%add3A, %dma_wait3A_226, %dma_wait3A_227] : memref<32x80x125xi32, #tpu.memory_space<hbm>> -> memref<1x80x125xi32, #tpu.memory_space<hbm>>
      %dma_wait3A_229 = tpu.memref_squeeze %dma_wait3A_228 : memref<1x80x125xi32, #tpu.memory_space<hbm>> -> memref<80x125xi32, #tpu.memory_space<hbm>>
      %dma_wait3A_230 = arith.constant 0 : i32
      %dma_wait3A_231 = tpu.memref_slice %dma_wait3A_229[%add3A_208, %dma_wait3A_230] : memref<80x125xi32, #tpu.memory_space<hbm>> -> memref<1x125xi32, #tpu.memory_space<hbm>>
      %dma_wait3A_232 = tpu.memref_squeeze %dma_wait3A_231 : memref<1x125xi32, #tpu.memory_space<hbm>> -> memref<125xi32, #tpu.memory_space<hbm>>
      tpu.wait_dma2 semaphore(%arg19 : memref<!tpu.dma_semaphore, #tpu.memory_space<semaphore_mem>>) src(%dma_wait3A_232 : memref<125xi32, #tpu.memory_space<hbm>>) dst(%arg9 : memref<125xi32, #tpu.memory_space<vmem>>)
      "tpu.region"() ({
        %run_scoped3A = tpu.sem_alloc : memref<!tpu.dma_semaphore, #tpu.memory_space<semaphore_mem>>
        %dma_start3A_306 = arith.constant 0 : i32
        %dma_start3A_307 = arith.constant 0 : i32
        %dma_start3A_308 = tpu.memref_slice %arg15[%dma_start3A_306, %dma_start3A_307] : memref<10000x128xf32, #tpu.memory_space<vmem_shared>> -> memref<10000x128xf32, #tpu.memory_space<vmem_shared>>
        tpu.enqueue_indirect_dma source(%arg12 : memref<125x128xf32, #tpu.memory_space<vmem>>) target(%dma_start3A_308 : memref<10000x128xf32, #tpu.memory_space<vmem_shared>>) offsets(%arg9 : memref<125xi32, #tpu.memory_space<vmem>>) semaphore(%run_scoped3A : memref<!tpu.dma_semaphore, #tpu.memory_space<semaphore_mem>>) {add = true}
        %dma_wait3A_309 = arith.constant 0 : i32
        %dma_wait3A_310 = arith.constant 0 : i32
        %dma_wait3A_311 = tpu.memref_slice %arg15[%dma_wait3A_309, %dma_wait3A_310] : memref<10000x128xf32, #tpu.memory_space<vmem_shared>> -> memref<10000x128xf32, #tpu.memory_space<vmem_shared>>
        tpu.wait_indirect_dma semaphore(%run_scoped3A : memref<!tpu.dma_semaphore, #tpu.memory_space<semaphore_mem>>) src(%arg12 : memref<125x128xf32, #tpu.memory_space<vmem>>) dst(%dma_wait3A_311 : memref<10000x128xf32, #tpu.memory_space<vmem_shared>>)
        tpu.yield
      }) : () -> ()
      %add3A_233 = arith.constant 3 : i32
      %add3A_234 = arith.addi %add3A_208, %add3A_233 : i32
      %lt3A_235 = arith.constant 80 : i32
      %lt3A_236 = arith.cmpi slt, %add3A_234, %lt3A_235 : i32
      %convert_element_type3A_237 = arith.extui %lt3A_236 : i1 to i32
      %cond3A_238 = arith.constant 0 : i32
      %cond3A_239 = arith.cmpi ne, %convert_element_type3A_237, %cond3A_238 : i32
      scf.if %cond3A_239 {
        %add3A_306 = arith.constant 3 : i32
        %add3A_307 = arith.addi %add3A_208, %add3A_306 : i32
        %dma_start3A_308 = arith.constant 0 : i32
        %dma_start3A_309 = arith.constant 0 : i32
        %dma_start3A_310 = tpu.memref_slice %arg4[%add3A, %dma_start3A_308, %dma_start3A_309] : memref<32x80x125xi32, #tpu.memory_space<hbm>> -> memref<1x80x125xi32, #tpu.memory_space<hbm>>
        %dma_start3A_311 = tpu.memref_squeeze %dma_start3A_310 : memref<1x80x125xi32, #tpu.memory_space<hbm>> -> memref<80x125xi32, #tpu.memory_space<hbm>>
        %dma_start3A_312 = arith.constant 0 : i32
        %dma_start3A_313 = tpu.memref_slice %dma_start3A_311[%add3A_307, %dma_start3A_312] : memref<80x125xi32, #tpu.memory_space<hbm>> -> memref<1x125xi32, #tpu.memory_space<hbm>>
        %dma_start3A_314 = tpu.memref_squeeze %dma_start3A_313 : memref<1x125xi32, #tpu.memory_space<hbm>> -> memref<125xi32, #tpu.memory_space<hbm>>
        %dma_start3A_315 = arith.constant 0 : i32
        %dma_start3A_316 = arith.constant 0 : i32
        %dma_start3A_317 = tpu.memref_slice %arg4[%add3A, %dma_start3A_315, %dma_start3A_316] : memref<32x80x125xi32, #tpu.memory_space<hbm>> -> memref<1x80x125xi32, #tpu.memory_space<hbm>>
        %dma_start3A_318 = tpu.memref_squeeze %dma_start3A_317 : memref<1x80x125xi32, #tpu.memory_space<hbm>> -> memref<80x125xi32, #tpu.memory_space<hbm>>
        %dma_start3A_319 = arith.constant 0 : i32
        %dma_start3A_320 = tpu.memref_slice %dma_start3A_318[%add3A_307, %dma_start3A_319] : memref<80x125xi32, #tpu.memory_space<hbm>> -> memref<1x125xi32, #tpu.memory_space<hbm>>
        %dma_start3A_321 = tpu.memref_squeeze %dma_start3A_320 : memref<1x125xi32, #tpu.memory_space<hbm>> -> memref<125xi32, #tpu.memory_space<hbm>>
        tpu.enqueue_dma source(%dma_start3A_321 : memref<125xi32, #tpu.memory_space<hbm>>) target(%arg9 : memref<125xi32, #tpu.memory_space<vmem>>) target_semaphore(%arg19 : memref<!tpu.dma_semaphore, #tpu.memory_space<semaphore_mem>>)
        %add3A_322 = arith.constant 3 : i32
        %add3A_323 = arith.addi %add3A_208, %add3A_322 : i32
        %dma_wait3A_324 = arith.constant 0 : i32
        %dma_wait3A_325 = arith.constant 0 : i32
        %dma_wait3A_326 = tpu.memref_slice %arg3[%add3A, %dma_wait3A_324, %dma_wait3A_325] : memref<32x80x125xi32, #tpu.memory_space<hbm>> -> memref<1x80x125xi32, #tpu.memory_space<hbm>>
        %dma_wait3A_327 = tpu.memref_squeeze %dma_wait3A_326 : memref<1x80x125xi32, #tpu.memory_space<hbm>> -> memref<80x125xi32, #tpu.memory_space<hbm>>
        %dma_wait3A_328 = arith.constant 0 : i32
        %dma_wait3A_329 = tpu.memref_slice %dma_wait3A_327[%add3A_323, %dma_wait3A_328] : memref<80x125xi32, #tpu.memory_space<hbm>> -> memref<1x125xi32, #tpu.memory_space<hbm>>
        %dma_wait3A_330 = tpu.memref_squeeze %dma_wait3A_329 : memref<1x125xi32, #tpu.memory_space<hbm>> -> memref<125xi32, #tpu.memory_space<hbm>>
        %dma_wait3A_331 = arith.constant 0 : i32
        %dma_wait3A_332 = arith.constant 0 : i32
        %dma_wait3A_333 = tpu.memref_slice %arg3[%add3A, %dma_wait3A_331, %dma_wait3A_332] : memref<32x80x125xi32, #tpu.memory_space<hbm>> -> memref<1x80x125xi32, #tpu.memory_space<hbm>>
        %dma_wait3A_334 = tpu.memref_squeeze %dma_wait3A_333 : memref<1x80x125xi32, #tpu.memory_space<hbm>> -> memref<80x125xi32, #tpu.memory_space<hbm>>
        %dma_wait3A_335 = arith.constant 0 : i32
        %dma_wait3A_336 = tpu.memref_slice %dma_wait3A_334[%add3A_323, %dma_wait3A_335] : memref<80x125xi32, #tpu.memory_space<hbm>> -> memref<1x125xi32, #tpu.memory_space<hbm>>
        %dma_wait3A_337 = tpu.memref_squeeze %dma_wait3A_336 : memref<1x125xi32, #tpu.memory_space<hbm>> -> memref<125xi32, #tpu.memory_space<hbm>>
        tpu.wait_dma2 semaphore(%arg16 : memref<!tpu.dma_semaphore, #tpu.memory_space<semaphore_mem>>) src(%dma_wait3A_337 : memref<125xi32, #tpu.memory_space<hbm>>) dst(%arg6 : memref<125xi32, #tpu.memory_space<vmem>>)
        %dma_start3A_338 = arith.constant 0 : i32
        %dma_start3A_339 = arith.constant 0 : i32
        %dma_start3A_340 = tpu.memref_slice %arg2[%dma_start3A_338, %dma_start3A_339] : memref<10000x128xf32, #tpu.memory_space<hbm>> -> memref<10000x128xf32, #tpu.memory_space<hbm>>
        tpu.enqueue_indirect_dma source(%dma_start3A_340 : memref<10000x128xf32, #tpu.memory_space<hbm>>) target(%arg12 : memref<125x128xf32, #tpu.memory_space<vmem>>) offsets(%arg6 : memref<125xi32, #tpu.memory_space<vmem>>) semaphore(%arg22 : memref<!tpu.dma_semaphore, #tpu.memory_space<semaphore_mem>>)
      } else {
      }
      %add3A_240 = arith.constant 1 : i32
      %add3A_241 = arith.addi %add3A_206, %add3A_240 : i32
      %dma_wait3A_242 = arith.constant 0 : i32
      %dma_wait3A_243 = arith.constant 0 : i32
      %dma_wait3A_244 = tpu.memref_slice %arg2[%dma_wait3A_242, %dma_wait3A_243] : memref<10000x128xf32, #tpu.memory_space<hbm>> -> memref<10000x128xf32, #tpu.memory_space<hbm>>
      tpu.wait_indirect_dma semaphore(%arg23 : memref<!tpu.dma_semaphore, #tpu.memory_space<semaphore_mem>>) src(%dma_wait3A_244 : memref<10000x128xf32, #tpu.memory_space<hbm>>) dst(%arg13 : memref<125x128xf32, #tpu.memory_space<vmem>>)
      %add3A_245 = arith.constant 3 : i32
      %add3A_246 = arith.addi %add3A_241, %add3A_245 : i32
      %lt3A_247 = arith.constant 80 : i32
      %lt3A_248 = arith.cmpi slt, %add3A_246, %lt3A_247 : i32
      %convert_element_type3A_249 = arith.extui %lt3A_248 : i1 to i32
      %cond3A_250 = arith.constant 0 : i32
      %cond3A_251 = arith.cmpi ne, %convert_element_type3A_249, %cond3A_250 : i32
      scf.if %cond3A_251 {
        %add3A_306 = arith.constant 3 : i32
        %add3A_307 = arith.addi %add3A_241, %add3A_306 : i32
        %dma_start3A_308 = arith.constant 0 : i32
        %dma_start3A_309 = arith.constant 0 : i32
        %dma_start3A_310 = tpu.memref_slice %arg3[%add3A, %dma_start3A_308, %dma_start3A_309] : memref<32x80x125xi32, #tpu.memory_space<hbm>> -> memref<1x80x125xi32, #tpu.memory_space<hbm>>
        %dma_start3A_311 = tpu.memref_squeeze %dma_start3A_310 : memref<1x80x125xi32, #tpu.memory_space<hbm>> -> memref<80x125xi32, #tpu.memory_space<hbm>>
        %dma_start3A_312 = arith.constant 0 : i32
        %dma_start3A_313 = tpu.memref_slice %dma_start3A_311[%add3A_307, %dma_start3A_312] : memref<80x125xi32, #tpu.memory_space<hbm>> -> memref<1x125xi32, #tpu.memory_space<hbm>>
        %dma_start3A_314 = tpu.memref_squeeze %dma_start3A_313 : memref<1x125xi32, #tpu.memory_space<hbm>> -> memref<125xi32, #tpu.memory_space<hbm>>
        %dma_start3A_315 = arith.constant 0 : i32
        %dma_start3A_316 = arith.constant 0 : i32
        %dma_start3A_317 = tpu.memref_slice %arg3[%add3A, %dma_start3A_315, %dma_start3A_316] : memref<32x80x125xi32, #tpu.memory_space<hbm>> -> memref<1x80x125xi32, #tpu.memory_space<hbm>>
        %dma_start3A_318 = tpu.memref_squeeze %dma_start3A_317 : memref<1x80x125xi32, #tpu.memory_space<hbm>> -> memref<80x125xi32, #tpu.memory_space<hbm>>
        %dma_start3A_319 = arith.constant 0 : i32
        %dma_start3A_320 = tpu.memref_slice %dma_start3A_318[%add3A_307, %dma_start3A_319] : memref<80x125xi32, #tpu.memory_space<hbm>> -> memref<1x125xi32, #tpu.memory_space<hbm>>
        %dma_start3A_321 = tpu.memref_squeeze %dma_start3A_320 : memref<1x125xi32, #tpu.memory_space<hbm>> -> memref<125xi32, #tpu.memory_space<hbm>>
        tpu.enqueue_dma source(%dma_start3A_321 : memref<125xi32, #tpu.memory_space<hbm>>) target(%arg7 : memref<125xi32, #tpu.memory_space<vmem>>) target_semaphore(%arg17 : memref<!tpu.dma_semaphore, #tpu.memory_space<semaphore_mem>>)
      } else {
      }
      %dma_wait3A_252 = arith.constant 0 : i32
      %dma_wait3A_253 = arith.constant 0 : i32
      %dma_wait3A_254 = tpu.memref_slice %arg4[%add3A, %dma_wait3A_252, %dma_wait3A_253] : memref<32x80x125xi32, #tpu.memory_space<hbm>> -> memref<1x80x125xi32, #tpu.memory_space<hbm>>
      %dma_wait3A_255 = tpu.memref_squeeze %dma_wait3A_254 : memref<1x80x125xi32, #tpu.memory_space<hbm>> -> memref<80x125xi32, #tpu.memory_space<hbm>>
      %dma_wait3A_256 = arith.constant 0 : i32
      %dma_wait3A_257 = tpu.memref_slice %dma_wait3A_255[%add3A_241, %dma_wait3A_256] : memref<80x125xi32, #tpu.memory_space<hbm>> -> memref<1x125xi32, #tpu.memory_space<hbm>>
      %dma_wait3A_258 = tpu.memref_squeeze %dma_wait3A_257 : memref<1x125xi32, #tpu.memory_space<hbm>> -> memref<125xi32, #tpu.memory_space<hbm>>
      %dma_wait3A_259 = arith.constant 0 : i32
      %dma_wait3A_260 = arith.constant 0 : i32
      %dma_wait3A_261 = tpu.memref_slice %arg4[%add3A, %dma_wait3A_259, %dma_wait3A_260] : memref<32x80x125xi32, #tpu.memory_space<hbm>> -> memref<1x80x125xi32, #tpu.memory_space<hbm>>
      %dma_wait3A_262 = tpu.memref_squeeze %dma_wait3A_261 : memref<1x80x125xi32, #tpu.memory_space<hbm>> -> memref<80x125xi32, #tpu.memory_space<hbm>>
      %dma_wait3A_263 = arith.constant 0 : i32
      %dma_wait3A_264 = tpu.memref_slice %dma_wait3A_262[%add3A_241, %dma_wait3A_263] : memref<80x125xi32, #tpu.memory_space<hbm>> -> memref<1x125xi32, #tpu.memory_space<hbm>>
      %dma_wait3A_265 = tpu.memref_squeeze %dma_wait3A_264 : memref<1x125xi32, #tpu.memory_space<hbm>> -> memref<125xi32, #tpu.memory_space<hbm>>
      tpu.wait_dma2 semaphore(%arg20 : memref<!tpu.dma_semaphore, #tpu.memory_space<semaphore_mem>>) src(%dma_wait3A_265 : memref<125xi32, #tpu.memory_space<hbm>>) dst(%arg10 : memref<125xi32, #tpu.memory_space<vmem>>)
      "tpu.region"() ({
        %run_scoped3A = tpu.sem_alloc : memref<!tpu.dma_semaphore, #tpu.memory_space<semaphore_mem>>
        %dma_start3A_306 = arith.constant 0 : i32
        %dma_start3A_307 = arith.constant 0 : i32
        %dma_start3A_308 = tpu.memref_slice %arg15[%dma_start3A_306, %dma_start3A_307] : memref<10000x128xf32, #tpu.memory_space<vmem_shared>> -> memref<10000x128xf32, #tpu.memory_space<vmem_shared>>
        tpu.enqueue_indirect_dma source(%arg13 : memref<125x128xf32, #tpu.memory_space<vmem>>) target(%dma_start3A_308 : memref<10000x128xf32, #tpu.memory_space<vmem_shared>>) offsets(%arg10 : memref<125xi32, #tpu.memory_space<vmem>>) semaphore(%run_scoped3A : memref<!tpu.dma_semaphore, #tpu.memory_space<semaphore_mem>>) {add = true}
        %dma_wait3A_309 = arith.constant 0 : i32
        %dma_wait3A_310 = arith.constant 0 : i32
        %dma_wait3A_311 = tpu.memref_slice %arg15[%dma_wait3A_309, %dma_wait3A_310] : memref<10000x128xf32, #tpu.memory_space<vmem_shared>> -> memref<10000x128xf32, #tpu.memory_space<vmem_shared>>
        tpu.wait_indirect_dma semaphore(%run_scoped3A : memref<!tpu.dma_semaphore, #tpu.memory_space<semaphore_mem>>) src(%arg13 : memref<125x128xf32, #tpu.memory_space<vmem>>) dst(%dma_wait3A_311 : memref<10000x128xf32, #tpu.memory_space<vmem_shared>>)
        tpu.yield
      }) : () -> ()
      %add3A_266 = arith.constant 3 : i32
      %add3A_267 = arith.addi %add3A_241, %add3A_266 : i32
      %lt3A_268 = arith.constant 80 : i32
      %lt3A_269 = arith.cmpi slt, %add3A_267, %lt3A_268 : i32
      %convert_element_type3A_270 = arith.extui %lt3A_269 : i1 to i32
      %cond3A_271 = arith.constant 0 : i32
      %cond3A_272 = arith.cmpi ne, %convert_element_type3A_270, %cond3A_271 : i32
      scf.if %cond3A_272 {
        %add3A_306 = arith.constant 3 : i32
        %add3A_307 = arith.addi %add3A_241, %add3A_306 : i32
        %dma_start3A_308 = arith.constant 0 : i32
        %dma_start3A_309 = arith.constant 0 : i32
        %dma_start3A_310 = tpu.memref_slice %arg4[%add3A, %dma_start3A_308, %dma_start3A_309] : memref<32x80x125xi32, #tpu.memory_space<hbm>> -> memref<1x80x125xi32, #tpu.memory_space<hbm>>
        %dma_start3A_311 = tpu.memref_squeeze %dma_start3A_310 : memref<1x80x125xi32, #tpu.memory_space<hbm>> -> memref<80x125xi32, #tpu.memory_space<hbm>>
        %dma_start3A_312 = arith.constant 0 : i32
        %dma_start3A_313 = tpu.memref_slice %dma_start3A_311[%add3A_307, %dma_start3A_312] : memref<80x125xi32, #tpu.memory_space<hbm>> -> memref<1x125xi32, #tpu.memory_space<hbm>>
        %dma_start3A_314 = tpu.memref_squeeze %dma_start3A_313 : memref<1x125xi32, #tpu.memory_space<hbm>> -> memref<125xi32, #tpu.memory_space<hbm>>
        %dma_start3A_315 = arith.constant 0 : i32
        %dma_start3A_316 = arith.constant 0 : i32
        %dma_start3A_317 = tpu.memref_slice %arg4[%add3A, %dma_start3A_315, %dma_start3A_316] : memref<32x80x125xi32, #tpu.memory_space<hbm>> -> memref<1x80x125xi32, #tpu.memory_space<hbm>>
        %dma_start3A_318 = tpu.memref_squeeze %dma_start3A_317 : memref<1x80x125xi32, #tpu.memory_space<hbm>> -> memref<80x125xi32, #tpu.memory_space<hbm>>
        %dma_start3A_319 = arith.constant 0 : i32
        %dma_start3A_320 = tpu.memref_slice %dma_start3A_318[%add3A_307, %dma_start3A_319] : memref<80x125xi32, #tpu.memory_space<hbm>> -> memref<1x125xi32, #tpu.memory_space<hbm>>
        %dma_start3A_321 = tpu.memref_squeeze %dma_start3A_320 : memref<1x125xi32, #tpu.memory_space<hbm>> -> memref<125xi32, #tpu.memory_space<hbm>>
        tpu.enqueue_dma source(%dma_start3A_321 : memref<125xi32, #tpu.memory_space<hbm>>) target(%arg10 : memref<125xi32, #tpu.memory_space<vmem>>) target_semaphore(%arg20 : memref<!tpu.dma_semaphore, #tpu.memory_space<semaphore_mem>>)
        %add3A_322 = arith.constant 3 : i32
        %add3A_323 = arith.addi %add3A_241, %add3A_322 : i32
        %dma_wait3A_324 = arith.constant 0 : i32
        %dma_wait3A_325 = arith.constant 0 : i32
        %dma_wait3A_326 = tpu.memref_slice %arg3[%add3A, %dma_wait3A_324, %dma_wait3A_325] : memref<32x80x125xi32, #tpu.memory_space<hbm>> -> memref<1x80x125xi32, #tpu.memory_space<hbm>>
        %dma_wait3A_327 = tpu.memref_squeeze %dma_wait3A_326 : memref<1x80x125xi32, #tpu.memory_space<hbm>> -> memref<80x125xi32, #tpu.memory_space<hbm>>
        %dma_wait3A_328 = arith.constant 0 : i32
        %dma_wait3A_329 = tpu.memref_slice %dma_wait3A_327[%add3A_323, %dma_wait3A_328] : memref<80x125xi32, #tpu.memory_space<hbm>> -> memref<1x125xi32, #tpu.memory_space<hbm>>
        %dma_wait3A_330 = tpu.memref_squeeze %dma_wait3A_329 : memref<1x125xi32, #tpu.memory_space<hbm>> -> memref<125xi32, #tpu.memory_space<hbm>>
        %dma_wait3A_331 = arith.constant 0 : i32
        %dma_wait3A_332 = arith.constant 0 : i32
        %dma_wait3A_333 = tpu.memref_slice %arg3[%add3A, %dma_wait3A_331, %dma_wait3A_332] : memref<32x80x125xi32, #tpu.memory_space<hbm>> -> memref<1x80x125xi32, #tpu.memory_space<hbm>>
        %dma_wait3A_334 = tpu.memref_squeeze %dma_wait3A_333 : memref<1x80x125xi32, #tpu.memory_space<hbm>> -> memref<80x125xi32, #tpu.memory_space<hbm>>
        %dma_wait3A_335 = arith.constant 0 : i32
        %dma_wait3A_336 = tpu.memref_slice %dma_wait3A_334[%add3A_323, %dma_wait3A_335] : memref<80x125xi32, #tpu.memory_space<hbm>> -> memref<1x125xi32, #tpu.memory_space<hbm>>
        %dma_wait3A_337 = tpu.memref_squeeze %dma_wait3A_336 : memref<1x125xi32, #tpu.memory_space<hbm>> -> memref<125xi32, #tpu.memory_space<hbm>>
        tpu.wait_dma2 semaphore(%arg17 : memref<!tpu.dma_semaphore, #tpu.memory_space<semaphore_mem>>) src(%dma_wait3A_337 : memref<125xi32, #tpu.memory_space<hbm>>) dst(%arg7 : memref<125xi32, #tpu.memory_space<vmem>>)
        %dma_start3A_338 = arith.constant 0 : i32
        %dma_start3A_339 = arith.constant 0 : i32
        %dma_start3A_340 = tpu.memref_slice %arg2[%dma_start3A_338, %dma_start3A_339] : memref<10000x128xf32, #tpu.memory_space<hbm>> -> memref<10000x128xf32, #tpu.memory_space<hbm>>
        tpu.enqueue_indirect_dma source(%dma_start3A_340 : memref<10000x128xf32, #tpu.memory_space<hbm>>) target(%arg13 : memref<125x128xf32, #tpu.memory_space<vmem>>) offsets(%arg7 : memref<125xi32, #tpu.memory_space<vmem>>) semaphore(%arg23 : memref<!tpu.dma_semaphore, #tpu.memory_space<semaphore_mem>>)
      } else {
      }
      %add3A_273 = arith.constant 2 : i32
      %add3A_274 = arith.addi %add3A_206, %add3A_273 : i32
      %dma_wait3A_275 = arith.constant 0 : i32
      %dma_wait3A_276 = arith.constant 0 : i32
      %dma_wait3A_277 = tpu.memref_slice %arg2[%dma_wait3A_275, %dma_wait3A_276] : memref<10000x128xf32, #tpu.memory_space<hbm>> -> memref<10000x128xf32, #tpu.memory_space<hbm>>
      tpu.wait_indirect_dma semaphore(%arg24 : memref<!tpu.dma_semaphore, #tpu.memory_space<semaphore_mem>>) src(%dma_wait3A_277 : memref<10000x128xf32, #tpu.memory_space<hbm>>) dst(%arg14 : memref<125x128xf32, #tpu.memory_space<vmem>>)
      %add3A_278 = arith.constant 3 : i32
      %add3A_279 = arith.addi %add3A_274, %add3A_278 : i32
      %lt3A_280 = arith.constant 80 : i32
      %lt3A_281 = arith.cmpi slt, %add3A_279, %lt3A_280 : i32
      %convert_element_type3A_282 = arith.extui %lt3A_281 : i1 to i32
      %cond3A_283 = arith.constant 0 : i32
      %cond3A_284 = arith.cmpi ne, %convert_element_type3A_282, %cond3A_283 : i32
      scf.if %cond3A_284 {
        %add3A_306 = arith.constant 3 : i32
        %add3A_307 = arith.addi %add3A_274, %add3A_306 : i32
        %dma_start3A_308 = arith.constant 0 : i32
        %dma_start3A_309 = arith.constant 0 : i32
        %dma_start3A_310 = tpu.memref_slice %arg3[%add3A, %dma_start3A_308, %dma_start3A_309] : memref<32x80x125xi32, #tpu.memory_space<hbm>> -> memref<1x80x125xi32, #tpu.memory_space<hbm>>
        %dma_start3A_311 = tpu.memref_squeeze %dma_start3A_310 : memref<1x80x125xi32, #tpu.memory_space<hbm>> -> memref<80x125xi32, #tpu.memory_space<hbm>>
        %dma_start3A_312 = arith.constant 0 : i32
        %dma_start3A_313 = tpu.memref_slice %dma_start3A_311[%add3A_307, %dma_start3A_312] : memref<80x125xi32, #tpu.memory_space<hbm>> -> memref<1x125xi32, #tpu.memory_space<hbm>>
        %dma_start3A_314 = tpu.memref_squeeze %dma_start3A_313 : memref<1x125xi32, #tpu.memory_space<hbm>> -> memref<125xi32, #tpu.memory_space<hbm>>
        %dma_start3A_315 = arith.constant 0 : i32
        %dma_start3A_316 = arith.constant 0 : i32
        %dma_start3A_317 = tpu.memref_slice %arg3[%add3A, %dma_start3A_315, %dma_start3A_316] : memref<32x80x125xi32, #tpu.memory_space<hbm>> -> memref<1x80x125xi32, #tpu.memory_space<hbm>>
        %dma_start3A_318 = tpu.memref_squeeze %dma_start3A_317 : memref<1x80x125xi32, #tpu.memory_space<hbm>> -> memref<80x125xi32, #tpu.memory_space<hbm>>
        %dma_start3A_319 = arith.constant 0 : i32
        %dma_start3A_320 = tpu.memref_slice %dma_start3A_318[%add3A_307, %dma_start3A_319] : memref<80x125xi32, #tpu.memory_space<hbm>> -> memref<1x125xi32, #tpu.memory_space<hbm>>
        %dma_start3A_321 = tpu.memref_squeeze %dma_start3A_320 : memref<1x125xi32, #tpu.memory_space<hbm>> -> memref<125xi32, #tpu.memory_space<hbm>>
        tpu.enqueue_dma source(%dma_start3A_321 : memref<125xi32, #tpu.memory_space<hbm>>) target(%arg8 : memref<125xi32, #tpu.memory_space<vmem>>) target_semaphore(%arg18 : memref<!tpu.dma_semaphore, #tpu.memory_space<semaphore_mem>>)
      } else {
      }
      %dma_wait3A_285 = arith.constant 0 : i32
      %dma_wait3A_286 = arith.constant 0 : i32
      %dma_wait3A_287 = tpu.memref_slice %arg4[%add3A, %dma_wait3A_285, %dma_wait3A_286] : memref<32x80x125xi32, #tpu.memory_space<hbm>> -> memref<1x80x125xi32, #tpu.memory_space<hbm>>
      %dma_wait3A_288 = tpu.memref_squeeze %dma_wait3A_287 : memref<1x80x125xi32, #tpu.memory_space<hbm>> -> memref<80x125xi32, #tpu.memory_space<hbm>>
      %dma_wait3A_289 = arith.constant 0 : i32
      %dma_wait3A_290 = tpu.memref_slice %dma_wait3A_288[%add3A_274, %dma_wait3A_289] : memref<80x125xi32, #tpu.memory_space<hbm>> -> memref<1x125xi32, #tpu.memory_space<hbm>>
      %dma_wait3A_291 = tpu.memref_squeeze %dma_wait3A_290 : memref<1x125xi32, #tpu.memory_space<hbm>> -> memref<125xi32, #tpu.memory_space<hbm>>
      %dma_wait3A_292 = arith.constant 0 : i32
      %dma_wait3A_293 = arith.constant 0 : i32
      %dma_wait3A_294 = tpu.memref_slice %arg4[%add3A, %dma_wait3A_292, %dma_wait3A_293] : memref<32x80x125xi32, #tpu.memory_space<hbm>> -> memref<1x80x125xi32, #tpu.memory_space<hbm>>
      %dma_wait3A_295 = tpu.memref_squeeze %dma_wait3A_294 : memref<1x80x125xi32, #tpu.memory_space<hbm>> -> memref<80x125xi32, #tpu.memory_space<hbm>>
      %dma_wait3A_296 = arith.constant 0 : i32
      %dma_wait3A_297 = tpu.memref_slice %dma_wait3A_295[%add3A_274, %dma_wait3A_296] : memref<80x125xi32, #tpu.memory_space<hbm>> -> memref<1x125xi32, #tpu.memory_space<hbm>>
      %dma_wait3A_298 = tpu.memref_squeeze %dma_wait3A_297 : memref<1x125xi32, #tpu.memory_space<hbm>> -> memref<125xi32, #tpu.memory_space<hbm>>
      tpu.wait_dma2 semaphore(%arg21 : memref<!tpu.dma_semaphore, #tpu.memory_space<semaphore_mem>>) src(%dma_wait3A_298 : memref<125xi32, #tpu.memory_space<hbm>>) dst(%arg11 : memref<125xi32, #tpu.memory_space<vmem>>)
      "tpu.region"() ({
        %run_scoped3A = tpu.sem_alloc : memref<!tpu.dma_semaphore, #tpu.memory_space<semaphore_mem>>
        %dma_start3A_306 = arith.constant 0 : i32
        %dma_start3A_307 = arith.constant 0 : i32
        %dma_start3A_308 = tpu.memref_slice %arg15[%dma_start3A_306, %dma_start3A_307] : memref<10000x128xf32, #tpu.memory_space<vmem_shared>> -> memref<10000x128xf32, #tpu.memory_space<vmem_shared>>
        tpu.enqueue_indirect_dma source(%arg14 : memref<125x128xf32, #tpu.memory_space<vmem>>) target(%dma_start3A_308 : memref<10000x128xf32, #tpu.memory_space<vmem_shared>>) offsets(%arg11 : memref<125xi32, #tpu.memory_space<vmem>>) semaphore(%run_scoped3A : memref<!tpu.dma_semaphore, #tpu.memory_space<semaphore_mem>>) {add = true}
        %dma_wait3A_309 = arith.constant 0 : i32
        %dma_wait3A_310 = arith.constant 0 : i32
        %dma_wait3A_311 = tpu.memref_slice %arg15[%dma_wait3A_309, %dma_wait3A_310] : memref<10000x128xf32, #tpu.memory_space<vmem_shared>> -> memref<10000x128xf32, #tpu.memory_space<vmem_shared>>
        tpu.wait_indirect_dma semaphore(%run_scoped3A : memref<!tpu.dma_semaphore, #tpu.memory_space<semaphore_mem>>) src(%arg14 : memref<125x128xf32, #tpu.memory_space<vmem>>) dst(%dma_wait3A_311 : memref<10000x128xf32, #tpu.memory_space<vmem_shared>>)
        tpu.yield
      }) : () -> ()
      %add3A_299 = arith.constant 3 : i32
      %add3A_300 = arith.addi %add3A_274, %add3A_299 : i32
      %lt3A_301 = arith.constant 80 : i32
      %lt3A_302 = arith.cmpi slt, %add3A_300, %lt3A_301 : i32
      %convert_element_type3A_303 = arith.extui %lt3A_302 : i1 to i32
      %cond3A_304 = arith.constant 0 : i32
      %cond3A_305 = arith.cmpi ne, %convert_element_type3A_303, %cond3A_304 : i32
      scf.if %cond3A_305 {
        %add3A_306 = arith.constant 3 : i32
        %add3A_307 = arith.addi %add3A_274, %add3A_306 : i32
        %dma_start3A_308 = arith.constant 0 : i32
        %dma_start3A_309 = arith.constant 0 : i32
        %dma_start3A_310 = tpu.memref_slice %arg4[%add3A, %dma_start3A_308, %dma_start3A_309] : memref<32x80x125xi32, #tpu.memory_space<hbm>> -> memref<1x80x125xi32, #tpu.memory_space<hbm>>
        %dma_start3A_311 = tpu.memref_squeeze %dma_start3A_310 : memref<1x80x125xi32, #tpu.memory_space<hbm>> -> memref<80x125xi32, #tpu.memory_space<hbm>>
        %dma_start3A_312 = arith.constant 0 : i32
        %dma_start3A_313 = tpu.memref_slice %dma_start3A_311[%add3A_307, %dma_start3A_312] : memref<80x125xi32, #tpu.memory_space<hbm>> -> memref<1x125xi32, #tpu.memory_space<hbm>>
        %dma_start3A_314 = tpu.memref_squeeze %dma_start3A_313 : memref<1x125xi32, #tpu.memory_space<hbm>> -> memref<125xi32, #tpu.memory_space<hbm>>
        %dma_start3A_315 = arith.constant 0 : i32
        %dma_start3A_316 = arith.constant 0 : i32
        %dma_start3A_317 = tpu.memref_slice %arg4[%add3A, %dma_start3A_315, %dma_start3A_316] : memref<32x80x125xi32, #tpu.memory_space<hbm>> -> memref<1x80x125xi32, #tpu.memory_space<hbm>>
        %dma_start3A_318 = tpu.memref_squeeze %dma_start3A_317 : memref<1x80x125xi32, #tpu.memory_space<hbm>> -> memref<80x125xi32, #tpu.memory_space<hbm>>
        %dma_start3A_319 = arith.constant 0 : i32
        %dma_start3A_320 = tpu.memref_slice %dma_start3A_318[%add3A_307, %dma_start3A_319] : memref<80x125xi32, #tpu.memory_space<hbm>> -> memref<1x125xi32, #tpu.memory_space<hbm>>
        %dma_start3A_321 = tpu.memref_squeeze %dma_start3A_320 : memref<1x125xi32, #tpu.memory_space<hbm>> -> memref<125xi32, #tpu.memory_space<hbm>>
        tpu.enqueue_dma source(%dma_start3A_321 : memref<125xi32, #tpu.memory_space<hbm>>) target(%arg11 : memref<125xi32, #tpu.memory_space<vmem>>) target_semaphore(%arg21 : memref<!tpu.dma_semaphore, #tpu.memory_space<semaphore_mem>>)
        %add3A_322 = arith.constant 3 : i32
        %add3A_323 = arith.addi %add3A_274, %add3A_322 : i32
        %dma_wait3A_324 = arith.constant 0 : i32
        %dma_wait3A_325 = arith.constant 0 : i32
        %dma_wait3A_326 = tpu.memref_slice %arg3[%add3A, %dma_wait3A_324, %dma_wait3A_325] : memref<32x80x125xi32, #tpu.memory_space<hbm>> -> memref<1x80x125xi32, #tpu.memory_space<hbm>>
        %dma_wait3A_327 = tpu.memref_squeeze %dma_wait3A_326 : memref<1x80x125xi32, #tpu.memory_space<hbm>> -> memref<80x125xi32, #tpu.memory_space<hbm>>
        %dma_wait3A_328 = arith.constant 0 : i32
        %dma_wait3A_329 = tpu.memref_slice %dma_wait3A_327[%add3A_323, %dma_wait3A_328] : memref<80x125xi32, #tpu.memory_space<hbm>> -> memref<1x125xi32, #tpu.memory_space<hbm>>
        %dma_wait3A_330 = tpu.memref_squeeze %dma_wait3A_329 : memref<1x125xi32, #tpu.memory_space<hbm>> -> memref<125xi32, #tpu.memory_space<hbm>>
        %dma_wait3A_331 = arith.constant 0 : i32
        %dma_wait3A_332 = arith.constant 0 : i32
        %dma_wait3A_333 = tpu.memref_slice %arg3[%add3A, %dma_wait3A_331, %dma_wait3A_332] : memref<32x80x125xi32, #tpu.memory_space<hbm>> -> memref<1x80x125xi32, #tpu.memory_space<hbm>>
        %dma_wait3A_334 = tpu.memref_squeeze %dma_wait3A_333 : memref<1x80x125xi32, #tpu.memory_space<hbm>> -> memref<80x125xi32, #tpu.memory_space<hbm>>
        %dma_wait3A_335 = arith.constant 0 : i32
        %dma_wait3A_336 = tpu.memref_slice %dma_wait3A_334[%add3A_323, %dma_wait3A_335] : memref<80x125xi32, #tpu.memory_space<hbm>> -> memref<1x125xi32, #tpu.memory_space<hbm>>
        %dma_wait3A_337 = tpu.memref_squeeze %dma_wait3A_336 : memref<1x125xi32, #tpu.memory_space<hbm>> -> memref<125xi32, #tpu.memory_space<hbm>>
        tpu.wait_dma2 semaphore(%arg18 : memref<!tpu.dma_semaphore, #tpu.memory_space<semaphore_mem>>) src(%dma_wait3A_337 : memref<125xi32, #tpu.memory_space<hbm>>) dst(%arg8 : memref<125xi32, #tpu.memory_space<vmem>>)
        %dma_start3A_338 = arith.constant 0 : i32
        %dma_start3A_339 = arith.constant 0 : i32
        %dma_start3A_340 = tpu.memref_slice %arg2[%dma_start3A_338, %dma_start3A_339] : memref<10000x128xf32, #tpu.memory_space<hbm>> -> memref<10000x128xf32, #tpu.memory_space<hbm>>
        tpu.enqueue_indirect_dma source(%dma_start3A_340 : memref<10000x128xf32, #tpu.memory_space<hbm>>) target(%arg14 : memref<125x128xf32, #tpu.memory_space<vmem>>) offsets(%arg8 : memref<125xi32, #tpu.memory_space<vmem>>) semaphore(%arg24 : memref<!tpu.dma_semaphore, #tpu.memory_space<semaphore_mem>>)
      } else {
      }
    }
    %scan3A_154 = arith.constant 26 : i32
    %dma_wait3A_155 = arith.constant 0 : i32
    %dma_wait3A_156 = arith.constant 0 : i32
    %dma_wait3A_157 = tpu.memref_slice %arg2[%dma_wait3A_155, %dma_wait3A_156] : memref<10000x128xf32, #tpu.memory_space<hbm>> -> memref<10000x128xf32, #tpu.memory_space<hbm>>
    tpu.wait_indirect_dma semaphore(%arg22 : memref<!tpu.dma_semaphore, #tpu.memory_space<semaphore_mem>>) src(%dma_wait3A_157 : memref<10000x128xf32, #tpu.memory_space<hbm>>) dst(%arg12 : memref<125x128xf32, #tpu.memory_space<vmem>>)
    %dma_wait3A_158 = arith.constant 78 : i32
    %dma_wait3A_159 = arith.constant 0 : i32
    %dma_wait3A_160 = arith.constant 0 : i32
    %dma_wait3A_161 = tpu.memref_slice %arg4[%add3A, %dma_wait3A_159, %dma_wait3A_160] : memref<32x80x125xi32, #tpu.memory_space<hbm>> -> memref<1x80x125xi32, #tpu.memory_space<hbm>>
    %dma_wait3A_162 = tpu.memref_squeeze %dma_wait3A_161 : memref<1x80x125xi32, #tpu.memory_space<hbm>> -> memref<80x125xi32, #tpu.memory_space<hbm>>
    %dma_wait3A_163 = arith.constant 0 : i32
    %dma_wait3A_164 = tpu.memref_slice %dma_wait3A_162[%dma_wait3A_158, %dma_wait3A_163] : memref<80x125xi32, #tpu.memory_space<hbm>> -> memref<1x125xi32, #tpu.memory_space<hbm>>
    %dma_wait3A_165 = tpu.memref_squeeze %dma_wait3A_164 : memref<1x125xi32, #tpu.memory_space<hbm>> -> memref<125xi32, #tpu.memory_space<hbm>>
    %dma_wait3A_166 = arith.constant 0 : i32
    %dma_wait3A_167 = arith.constant 0 : i32
    %dma_wait3A_168 = tpu.memref_slice %arg4[%add3A, %dma_wait3A_166, %dma_wait3A_167] : memref<32x80x125xi32, #tpu.memory_space<hbm>> -> memref<1x80x125xi32, #tpu.memory_space<hbm>>
    %dma_wait3A_169 = tpu.memref_squeeze %dma_wait3A_168 : memref<1x80x125xi32, #tpu.memory_space<hbm>> -> memref<80x125xi32, #tpu.memory_space<hbm>>
    %dma_wait3A_170 = arith.constant 0 : i32
    %dma_wait3A_171 = tpu.memref_slice %dma_wait3A_169[%dma_wait3A_158, %dma_wait3A_170] : memref<80x125xi32, #tpu.memory_space<hbm>> -> memref<1x125xi32, #tpu.memory_space<hbm>>
    %dma_wait3A_172 = tpu.memref_squeeze %dma_wait3A_171 : memref<1x125xi32, #tpu.memory_space<hbm>> -> memref<125xi32, #tpu.memory_space<hbm>>
    tpu.wait_dma2 semaphore(%arg19 : memref<!tpu.dma_semaphore, #tpu.memory_space<semaphore_mem>>) src(%dma_wait3A_172 : memref<125xi32, #tpu.memory_space<hbm>>) dst(%arg9 : memref<125xi32, #tpu.memory_space<vmem>>)
    "tpu.region"() ({
      %run_scoped3A = tpu.sem_alloc : memref<!tpu.dma_semaphore, #tpu.memory_space<semaphore_mem>>
      %dma_start3A_202 = arith.constant 0 : i32
      %dma_start3A_203 = arith.constant 0 : i32
      %dma_start3A_204 = tpu.memref_slice %arg15[%dma_start3A_202, %dma_start3A_203] : memref<10000x128xf32, #tpu.memory_space<vmem_shared>> -> memref<10000x128xf32, #tpu.memory_space<vmem_shared>>
      tpu.enqueue_indirect_dma source(%arg12 : memref<125x128xf32, #tpu.memory_space<vmem>>) target(%dma_start3A_204 : memref<10000x128xf32, #tpu.memory_space<vmem_shared>>) offsets(%arg9 : memref<125xi32, #tpu.memory_space<vmem>>) semaphore(%run_scoped3A : memref<!tpu.dma_semaphore, #tpu.memory_space<semaphore_mem>>) {add = true}
      %dma_wait3A_205 = arith.constant 0 : i32
      %dma_wait3A_206 = arith.constant 0 : i32
      %dma_wait3A_207 = tpu.memref_slice %arg15[%dma_wait3A_205, %dma_wait3A_206] : memref<10000x128xf32, #tpu.memory_space<vmem_shared>> -> memref<10000x128xf32, #tpu.memory_space<vmem_shared>>
      tpu.wait_indirect_dma semaphore(%run_scoped3A : memref<!tpu.dma_semaphore, #tpu.memory_space<semaphore_mem>>) src(%arg12 : memref<125x128xf32, #tpu.memory_space<vmem>>) dst(%dma_wait3A_207 : memref<10000x128xf32, #tpu.memory_space<vmem_shared>>)
      tpu.yield
    }) : () -> ()
    %dma_wait3A_173 = arith.constant 0 : i32
    %dma_wait3A_174 = arith.constant 0 : i32
    %dma_wait3A_175 = tpu.memref_slice %arg2[%dma_wait3A_173, %dma_wait3A_174] : memref<10000x128xf32, #tpu.memory_space<hbm>> -> memref<10000x128xf32, #tpu.memory_space<hbm>>
    tpu.wait_indirect_dma semaphore(%arg23 : memref<!tpu.dma_semaphore, #tpu.memory_space<semaphore_mem>>) src(%dma_wait3A_175 : memref<10000x128xf32, #tpu.memory_space<hbm>>) dst(%arg13 : memref<125x128xf32, #tpu.memory_space<vmem>>)
    %dma_wait3A_176 = arith.constant 79 : i32
    %dma_wait3A_177 = arith.constant 0 : i32
    %dma_wait3A_178 = arith.constant 0 : i32
    %dma_wait3A_179 = tpu.memref_slice %arg4[%add3A, %dma_wait3A_177, %dma_wait3A_178] : memref<32x80x125xi32, #tpu.memory_space<hbm>> -> memref<1x80x125xi32, #tpu.memory_space<hbm>>
    %dma_wait3A_180 = tpu.memref_squeeze %dma_wait3A_179 : memref<1x80x125xi32, #tpu.memory_space<hbm>> -> memref<80x125xi32, #tpu.memory_space<hbm>>
    %dma_wait3A_181 = arith.constant 0 : i32
    %dma_wait3A_182 = tpu.memref_slice %dma_wait3A_180[%dma_wait3A_176, %dma_wait3A_181] : memref<80x125xi32, #tpu.memory_space<hbm>> -> memref<1x125xi32, #tpu.memory_space<hbm>>
    %dma_wait3A_183 = tpu.memref_squeeze %dma_wait3A_182 : memref<1x125xi32, #tpu.memory_space<hbm>> -> memref<125xi32, #tpu.memory_space<hbm>>
    %dma_wait3A_184 = arith.constant 0 : i32
    %dma_wait3A_185 = arith.constant 0 : i32
    %dma_wait3A_186 = tpu.memref_slice %arg4[%add3A, %dma_wait3A_184, %dma_wait3A_185] : memref<32x80x125xi32, #tpu.memory_space<hbm>> -> memref<1x80x125xi32, #tpu.memory_space<hbm>>
    %dma_wait3A_187 = tpu.memref_squeeze %dma_wait3A_186 : memref<1x80x125xi32, #tpu.memory_space<hbm>> -> memref<80x125xi32, #tpu.memory_space<hbm>>
    %dma_wait3A_188 = arith.constant 0 : i32
    %dma_wait3A_189 = tpu.memref_slice %dma_wait3A_187[%dma_wait3A_176, %dma_wait3A_188] : memref<80x125xi32, #tpu.memory_space<hbm>> -> memref<1x125xi32, #tpu.memory_space<hbm>>
    %dma_wait3A_190 = tpu.memref_squeeze %dma_wait3A_189 : memref<1x125xi32, #tpu.memory_space<hbm>> -> memref<125xi32, #tpu.memory_space<hbm>>
    tpu.wait_dma2 semaphore(%arg20 : memref<!tpu.dma_semaphore, #tpu.memory_space<semaphore_mem>>) src(%dma_wait3A_190 : memref<125xi32, #tpu.memory_space<hbm>>) dst(%arg10 : memref<125xi32, #tpu.memory_space<vmem>>)
    "tpu.region"() ({
      %run_scoped3A = tpu.sem_alloc : memref<!tpu.dma_semaphore, #tpu.memory_space<semaphore_mem>>
      %dma_start3A_202 = arith.constant 0 : i32
      %dma_start3A_203 = arith.constant 0 : i32
      %dma_start3A_204 = tpu.memref_slice %arg15[%dma_start3A_202, %dma_start3A_203] : memref<10000x128xf32, #tpu.memory_space<vmem_shared>> -> memref<10000x128xf32, #tpu.memory_space<vmem_shared>>
      tpu.enqueue_indirect_dma source(%arg13 : memref<125x128xf32, #tpu.memory_space<vmem>>) target(%dma_start3A_204 : memref<10000x128xf32, #tpu.memory_space<vmem_shared>>) offsets(%arg10 : memref<125xi32, #tpu.memory_space<vmem>>) semaphore(%run_scoped3A : memref<!tpu.dma_semaphore, #tpu.memory_space<semaphore_mem>>) {add = true}
      %dma_wait3A_205 = arith.constant 0 : i32
      %dma_wait3A_206 = arith.constant 0 : i32
      %dma_wait3A_207 = tpu.memref_slice %arg15[%dma_wait3A_205, %dma_wait3A_206] : memref<10000x128xf32, #tpu.memory_space<vmem_shared>> -> memref<10000x128xf32, #tpu.memory_space<vmem_shared>>
      tpu.wait_indirect_dma semaphore(%run_scoped3A : memref<!tpu.dma_semaphore, #tpu.memory_space<semaphore_mem>>) src(%arg13 : memref<125x128xf32, #tpu.memory_space<vmem>>) dst(%dma_wait3A_207 : memref<10000x128xf32, #tpu.memory_space<vmem_shared>>)
      tpu.yield
    }) : () -> ()
    %barrier3A_191 = arith.constant 0 : index
    tpu.barrier barrier_id(%barrier3A_191)
    %lt3A_192 = arith.constant 15 : i32
    %lt3A_193 = arith.cmpi slt, %arg1, %lt3A_192 : i32
    %convert_element_type3A_194 = arith.extui %lt3A_193 : i1 to i32
    %cond3A_195 = arith.constant 0 : i32
    %cond3A_196 = arith.cmpi ne, %convert_element_type3A_194, %cond3A_195 : i32
    scf.if %cond3A_196 {
      "tpu.region"() ({
        %run_scoped3A = tpu.sem_alloc : memref<!tpu.dma_semaphore, #tpu.memory_space<semaphore_mem>>
        %dma_start3A_202 = arith.constant 0 : i32
        %dma_start3A_203 = arith.constant 0 : i32
        %dma_start3A_204 = tpu.memref_slice %arg5[%arg0, %dma_start3A_202, %dma_start3A_203] : memref<2x10000x128xf32, #tpu.memory_space<hbm>> -> memref<1x10000x128xf32, #tpu.memory_space<hbm>>
        %dma_start3A_205 = tpu.memref_squeeze %dma_start3A_204 : memref<1x10000x128xf32, #tpu.memory_space<hbm>> -> memref<10000x128xf32, #tpu.memory_space<hbm>>
        %dma_start3A_206 = arith.constant 0 : i32
        %dma_start3A_207 = tpu.memref_slice %dma_start3A_205[%mul3A_0, %dma_start3A_206] : memref<10000x128xf32, #tpu.memory_space<hbm>> -> memref<624x128xf32, #tpu.memory_space<hbm>>
        %dma_start3A_208 = arith.constant 0 : i32
        %dma_start3A_209 = tpu.memref_slice %arg15[%mul3A_0, %dma_start3A_208] : memref<10000x128xf32, #tpu.memory_space<vmem_shared>> -> memref<624x128xf32, #tpu.memory_space<vmem_shared>>
        tpu.enqueue_dma source(%dma_start3A_209 : memref<624x128xf32, #tpu.memory_space<vmem_shared>>) target(%dma_start3A_207 : memref<624x128xf32, #tpu.memory_space<hbm>>) target_semaphore(%run_scoped3A : memref<!tpu.dma_semaphore, #tpu.memory_space<semaphore_mem>>)
        %dma_wait3A_210 = arith.constant 0 : i32
        %dma_wait3A_211 = arith.constant 0 : i32
        %dma_wait3A_212 = tpu.memref_slice %arg5[%arg0, %dma_wait3A_210, %dma_wait3A_211] : memref<2x10000x128xf32, #tpu.memory_space<hbm>> -> memref<1x10000x128xf32, #tpu.memory_space<hbm>>
        %dma_wait3A_213 = tpu.memref_squeeze %dma_wait3A_212 : memref<1x10000x128xf32, #tpu.memory_space<hbm>> -> memref<10000x128xf32, #tpu.memory_space<hbm>>
        %dma_wait3A_214 = arith.constant 0 : i32
        %dma_wait3A_215 = tpu.memref_slice %dma_wait3A_213[%mul3A_0, %dma_wait3A_214] : memref<10000x128xf32, #tpu.memory_space<hbm>> -> memref<624x128xf32, #tpu.memory_space<hbm>>
        %dma_wait3A_216 = arith.constant 0 : i32
        %dma_wait3A_217 = tpu.memref_slice %arg15[%mul3A_0, %dma_wait3A_216] : memref<10000x128xf32, #tpu.memory_space<vmem_shared>> -> memref<624x128xf32, #tpu.memory_space<vmem_shared>>
        tpu.wait_dma2 semaphore(%run_scoped3A : memref<!tpu.dma_semaphore, #tpu.memory_space<semaphore_mem>>) src(%dma_wait3A_217 : memref<624x128xf32, #tpu.memory_space<vmem_shared>>) dst(%dma_wait3A_215 : memref<624x128xf32, #tpu.memory_space<hbm>>)
        tpu.yield
      }) : () -> ()
    } else {
    }
    %eq3A_197 = arith.constant 15 : i32
    %eq3A_198 = arith.cmpi eq, %arg1, %eq3A_197 : i32
    %convert_element_type3A_199 = arith.extui %eq3A_198 : i1 to i32
    %cond3A_200 = arith.constant 0 : i32
    %cond3A_201 = arith.cmpi ne, %convert_element_type3A_199, %cond3A_200 : i32
    scf.if %cond3A_201 {
      "tpu.region"() ({
        %run_scoped3A = tpu.sem_alloc : memref<!tpu.dma_semaphore, #tpu.memory_space<semaphore_mem>>
        %dma_start3A_202 = arith.constant 0 : i32
        %dma_start3A_203 = arith.constant 0 : i32
        %dma_start3A_204 = tpu.memref_slice %arg5[%arg0, %dma_start3A_202, %dma_start3A_203] : memref<2x10000x128xf32, #tpu.memory_space<hbm>> -> memref<1x10000x128xf32, #tpu.memory_space<hbm>>
        %dma_start3A_205 = tpu.memref_squeeze %dma_start3A_204 : memref<1x10000x128xf32, #tpu.memory_space<hbm>> -> memref<10000x128xf32, #tpu.memory_space<hbm>>
        %dma_start3A_206 = arith.constant 9360 : i32
        %dma_start3A_207 = arith.constant 0 : i32
        %dma_start3A_208 = tpu.memref_slice %dma_start3A_205[%dma_start3A_206, %dma_start3A_207] : memref<10000x128xf32, #tpu.memory_space<hbm>> -> memref<640x128xf32, #tpu.memory_space<hbm>>
        %dma_start3A_209 = arith.constant 9360 : i32
        %dma_start3A_210 = arith.constant 0 : i32
        %dma_start3A_211 = tpu.memref_slice %arg15[%dma_start3A_209, %dma_start3A_210] : memref<10000x128xf32, #tpu.memory_space<vmem_shared>> -> memref<640x128xf32, #tpu.memory_space<vmem_shared>>
        tpu.enqueue_dma source(%dma_start3A_211 : memref<640x128xf32, #tpu.memory_space<vmem_shared>>) target(%dma_start3A_208 : memref<640x128xf32, #tpu.memory_space<hbm>>) target_semaphore(%run_scoped3A : memref<!tpu.dma_semaphore, #tpu.memory_space<semaphore_mem>>)
        %dma_wait3A_212 = arith.constant 0 : i32
        %dma_wait3A_213 = arith.constant 0 : i32
        %dma_wait3A_214 = tpu.memref_slice %arg5[%arg0, %dma_wait3A_212, %dma_wait3A_213] : memref<2x10000x128xf32, #tpu.memory_space<hbm>> -> memref<1x10000x128xf32, #tpu.memory_space<hbm>>
        %dma_wait3A_215 = tpu.memref_squeeze %dma_wait3A_214 : memref<1x10000x128xf32, #tpu.memory_space<hbm>> -> memref<10000x128xf32, #tpu.memory_space<hbm>>
        %dma_wait3A_216 = arith.constant 9360 : i32
        %dma_wait3A_217 = arith.constant 0 : i32
        %dma_wait3A_218 = tpu.memref_slice %dma_wait3A_215[%dma_wait3A_216, %dma_wait3A_217] : memref<10000x128xf32, #tpu.memory_space<hbm>> -> memref<640x128xf32, #tpu.memory_space<hbm>>
        %dma_wait3A_219 = arith.constant 9360 : i32
        %dma_wait3A_220 = arith.constant 0 : i32
        %dma_wait3A_221 = tpu.memref_slice %arg15[%dma_wait3A_219, %dma_wait3A_220] : memref<10000x128xf32, #tpu.memory_space<vmem_shared>> -> memref<640x128xf32, #tpu.memory_space<vmem_shared>>
        tpu.wait_dma2 semaphore(%run_scoped3A : memref<!tpu.dma_semaphore, #tpu.memory_space<semaphore_mem>>) src(%dma_wait3A_221 : memref<640x128xf32, #tpu.memory_space<vmem_shared>>) dst(%dma_wait3A_218 : memref<640x128xf32, #tpu.memory_space<hbm>>)
        tpu.yield
      }) : () -> ()
    } else {
    }
    return
  }
}

module attributes {stable_mosaic.version = 14 : i64} {
  func.func @body(%arg0: memref<10000x128xf32, #tpu.memory_space<vmem>>, %arg1: memref<128x128xf32, #tpu.memory_space<vmem>>, %arg2: memref<1x128xf32, #tpu.memory_space<vmem>>, %arg3: memref<10000x128xf32, #tpu.memory_space<vmem>>) attributes {dimension_semantics = [], scalar_prefetch = 0 : i64, scratch_operands = 0 : i64, tpu.core_type = #tpu.core_type<tc>} {
    %get3A = arith.constant 0 : index
    %get3A_0 = arith.constant 0 : index
    %get3A_1 = vector.load %arg0[%get3A, %get3A_0] : memref<10000x128xf32, #tpu.memory_space<vmem>>, vector<10000x128xf32>
    %get3A_2 = arith.constant 0 : index
    %get3A_3 = arith.constant 0 : index
    %get3A_4 = vector.load %arg1[%get3A_2, %get3A_3] : memref<128x128xf32, #tpu.memory_space<vmem>>, vector<128x128xf32>
    %dot_general3A = arith.constant dense<0.000000e+00> : vector<10000x128xf32>
    %dot_general3A_5 = tpu.matmul %get3A_1, %get3A_4, %dot_general3A {dimension_numbers = #tpu.dot_dimension_numbers<[1], [0], [0], [1], [0, 0, 1, 1], [], []>, transpose_lhs_hint = false} : vector<10000x128xf32>, vector<128x128xf32>, vector<10000x128xf32> -> vector<10000x128xf32>
    %get3A_6 = arith.constant 0 : index
    %get3A_7 = arith.constant 0 : index
    %get3A_8 = vector.load %arg2[%get3A_6, %get3A_7] : memref<1x128xf32, #tpu.memory_space<vmem>>, vector<1x128xf32>
    %add3A = vector.broadcast %get3A_8 : vector<1x128xf32> to vector<10000x128xf32>
    %add3A_9 = arith.addf %dot_general3A_5, %add3A : vector<10000x128xf32>
    %swap3A = arith.constant 0 : index
    %swap3A_10 = arith.constant 0 : index
    %swap3A_11 = vector.load %arg3[%swap3A, %swap3A_10] : memref<10000x128xf32, #tpu.memory_space<vmem>>, vector<10000x128xf32>
    tpu.vector_store %arg3[%swap3A, %swap3A_10], %add3A_9 {strides = array<i32>} : memref<10000x128xf32, #tpu.memory_space<vmem>>, vector<10000x128xf32>,
    return
  }
}

module attributes {stable_mosaic.version = 14 : i64} {
  func.func @body(%arg0: memref<10000x128xf32, #tpu.memory_space<vmem>>, %arg1: memref<2x10000x128xf32, #tpu.memory_space<vmem>>, %arg2: memref<128x256xf32, #tpu.memory_space<vmem>>, %arg3: memref<1x256xf32, #tpu.memory_space<vmem>>, %arg4: memref<1x256xf32, #tpu.memory_space<vmem>>, %arg5: memref<1x256xf32, #tpu.memory_space<vmem>>, %arg6: memref<256x128xf32, #tpu.memory_space<vmem>>, %arg7: memref<1x128xf32, #tpu.memory_space<vmem>>, %arg8: memref<1x128xf32, #tpu.memory_space<vmem>>, %arg9: memref<1x128xf32, #tpu.memory_space<vmem>>, %arg10: memref<10000x128xf32, #tpu.memory_space<vmem>>) attributes {dimension_semantics = [], scalar_prefetch = 0 : i64, scratch_operands = 0 : i64, tpu.core_type = #tpu.core_type<tc>} {
    %get3A = arith.constant 0 : index
    %get3A_0 = arith.constant 0 : index
    %get3A_1 = vector.load %arg0[%get3A, %get3A_0] : memref<10000x128xf32, #tpu.memory_space<vmem>>, vector<10000x128xf32>
    %get3A_2 = arith.constant 0 : index
    %get3A_3 = arith.constant 0 : index
    %get3A_4 = arith.constant 0 : index
    %get3A_5 = vector.load %arg1[%get3A_2, %get3A_3, %get3A_4] : memref<2x10000x128xf32, #tpu.memory_space<vmem>>, vector<1x10000x128xf32>
    %get3A_6 = vector.shape_cast %get3A_5 : vector<1x10000x128xf32> to vector<10000x128xf32>
    %get3A_7 = arith.constant 1 : index
    %get3A_8 = arith.constant 0 : index
    %get3A_9 = arith.constant 0 : index
    %get3A_10 = vector.load %arg1[%get3A_7, %get3A_8, %get3A_9] : memref<2x10000x128xf32, #tpu.memory_space<vmem>>, vector<1x10000x128xf32>
    %get3A_11 = vector.shape_cast %get3A_10 : vector<1x10000x128xf32> to vector<10000x128xf32>
    %add3A = arith.addf %get3A_6, %get3A_11 : vector<10000x128xf32>
    %sub3A = arith.subf %add3A, %get3A_1 : vector<10000x128xf32>
    %get3A_12 = arith.constant 0 : index
    %get3A_13 = arith.constant 0 : index
    %get3A_14 = vector.load %arg2[%get3A_12, %get3A_13] : memref<128x256xf32, #tpu.memory_space<vmem>>, vector<128x256xf32>
    %dot_general3A = arith.constant dense<0.000000e+00> : vector<10000x256xf32>
    %dot_general3A_15 = tpu.matmul %sub3A, %get3A_14, %dot_general3A {dimension_numbers = #tpu.dot_dimension_numbers<[1], [0], [0], [1], [0, 0, 1, 1], [], []>, transpose_lhs_hint = false} : vector<10000x128xf32>, vector<128x256xf32>, vector<10000x256xf32> -> vector<10000x256xf32>
    %get3A_16 = arith.constant 0 : index
    %get3A_17 = arith.constant 0 : index
    %get3A_18 = vector.load %arg3[%get3A_16, %get3A_17] : memref<1x256xf32, #tpu.memory_space<vmem>>, vector<1x256xf32>
    %add3A_19 = vector.broadcast %get3A_18 : vector<1x256xf32> to vector<10000x256xf32>
    %add3A_20 = arith.addf %dot_general3A_15, %add3A_19 : vector<10000x256xf32>
    %reduce_sum3A = arith.constant dense<0.000000e+00> : vector<256xf32>
    %reduce_sum3A_21 = vector.multi_reduction <add>, %add3A_20, %reduce_sum3A [0] : vector<10000x256xf32> to vector<256xf32>
    %broadcast_in_dim3A = vector.shape_cast %reduce_sum3A_21 : vector<256xf32> to vector<1x256xf32>
    %div3A = arith.constant 1.000000e+04 : f32
    %div3A_22 = vector.broadcast %div3A : f32 to vector<1x256xf32>
    %div3A_23 = arith.divf %broadcast_in_dim3A, %div3A_22 : vector<1x256xf32>
    %sub3A_24 = vector.broadcast %div3A_23 : vector<1x256xf32> to vector<10000x256xf32>
    %sub3A_25 = arith.subf %add3A_20, %sub3A_24 : vector<10000x256xf32>
    %sub3A_26 = vector.broadcast %div3A_23 : vector<1x256xf32> to vector<10000x256xf32>
    %sub3A_27 = arith.subf %add3A_20, %sub3A_26 : vector<10000x256xf32>
    %mul3A = arith.mulf %sub3A_25, %sub3A_27 : vector<10000x256xf32>
    %reduce_sum3A_28 = arith.constant dense<0.000000e+00> : vector<256xf32>
    %reduce_sum3A_29 = vector.multi_reduction <add>, %mul3A, %reduce_sum3A_28 [0] : vector<10000x256xf32> to vector<256xf32>
    %broadcast_in_dim3A_30 = vector.shape_cast %reduce_sum3A_29 : vector<256xf32> to vector<1x256xf32>
    %div3A_31 = arith.constant 1.000000e+04 : f32
    %div3A_32 = vector.broadcast %div3A_31 : f32 to vector<1x256xf32>
    %div3A_33 = arith.divf %broadcast_in_dim3A_30, %div3A_32 : vector<1x256xf32>
    %get3A_34 = arith.constant 0 : index
    %get3A_35 = arith.constant 0 : index
    %get3A_36 = vector.load %arg4[%get3A_34, %get3A_35] : memref<1x256xf32, #tpu.memory_space<vmem>>, vector<1x256xf32>
    %sub3A_37 = vector.broadcast %div3A_23 : vector<1x256xf32> to vector<10000x256xf32>
    %sub3A_38 = arith.subf %add3A_20, %sub3A_37 : vector<10000x256xf32>
    %mul3A_39 = vector.broadcast %get3A_36 : vector<1x256xf32> to vector<10000x256xf32>
    %mul3A_40 = arith.mulf %mul3A_39, %sub3A_38 : vector<10000x256xf32>
    %add3A_41 = arith.constant 9.99999974E-6 : f32
    %add3A_42 = vector.broadcast %add3A_41 : f32 to vector<1x256xf32>
    %add3A_43 = arith.addf %div3A_33, %add3A_42 : vector<1x256xf32>
    %rsqrt3A = math.rsqrt %add3A_43 : vector<1x256xf32>
    %mul3A_44 = vector.broadcast %rsqrt3A : vector<1x256xf32> to vector<10000x256xf32>
    %mul3A_45 = arith.mulf %mul3A_40, %mul3A_44 : vector<10000x256xf32>
    %get3A_46 = arith.constant 0 : index
    %get3A_47 = arith.constant 0 : index
    %get3A_48 = vector.load %arg5[%get3A_46, %get3A_47] : memref<1x256xf32, #tpu.memory_space<vmem>>, vector<1x256xf32>
    %add3A_49 = vector.broadcast %get3A_48 : vector<1x256xf32> to vector<10000x256xf32>
    %add3A_50 = arith.addf %mul3A_45, %add3A_49 : vector<10000x256xf32>
    %max3A = arith.constant 0.000000e+00 : f32
    %max3A_51 = vector.broadcast %max3A : f32 to vector<10000x256xf32>
    %max3A_52 = arith.maximumf %add3A_50, %max3A_51 : vector<10000x256xf32>
    %get3A_53 = arith.constant 0 : index
    %get3A_54 = arith.constant 0 : index
    %get3A_55 = vector.load %arg6[%get3A_53, %get3A_54] : memref<256x128xf32, #tpu.memory_space<vmem>>, vector<256x128xf32>
    %dot_general3A_56 = arith.constant dense<0.000000e+00> : vector<10000x128xf32>
    %dot_general3A_57 = tpu.matmul %max3A_52, %get3A_55, %dot_general3A_56 {dimension_numbers = #tpu.dot_dimension_numbers<[1], [0], [0], [1], [0, 0, 1, 1], [], []>, transpose_lhs_hint = false} : vector<10000x256xf32>, vector<256x128xf32>, vector<10000x128xf32> -> vector<10000x128xf32>
    %get3A_58 = arith.constant 0 : index
    %get3A_59 = arith.constant 0 : index
    %get3A_60 = vector.load %arg7[%get3A_58, %get3A_59] : memref<1x128xf32, #tpu.memory_space<vmem>>, vector<1x128xf32>
    %add3A_61 = vector.broadcast %get3A_60 : vector<1x128xf32> to vector<10000x128xf32>
    %add3A_62 = arith.addf %dot_general3A_57, %add3A_61 : vector<10000x128xf32>
    %add3A_63 = arith.addf %add3A_62, %get3A_1 : vector<10000x128xf32>
    %reduce_sum3A_64 = arith.constant dense<0.000000e+00> : vector<128xf32>
    %reduce_sum3A_65 = vector.multi_reduction <add>, %add3A_63, %reduce_sum3A_64 [0] : vector<10000x128xf32> to vector<128xf32>
    %broadcast_in_dim3A_66 = vector.shape_cast %reduce_sum3A_65 : vector<128xf32> to vector<1x128xf32>
    %div3A_67 = arith.constant 1.000000e+04 : f32
    %div3A_68 = vector.broadcast %div3A_67 : f32 to vector<1x128xf32>
    %div3A_69 = arith.divf %broadcast_in_dim3A_66, %div3A_68 : vector<1x128xf32>
    %sub3A_70 = vector.broadcast %div3A_69 : vector<1x128xf32> to vector<10000x128xf32>
    %sub3A_71 = arith.subf %add3A_63, %sub3A_70 : vector<10000x128xf32>
    %sub3A_72 = vector.broadcast %div3A_69 : vector<1x128xf32> to vector<10000x128xf32>
    %sub3A_73 = arith.subf %add3A_63, %sub3A_72 : vector<10000x128xf32>
    %mul3A_74 = arith.mulf %sub3A_71, %sub3A_73 : vector<10000x128xf32>
    %reduce_sum3A_75 = arith.constant dense<0.000000e+00> : vector<128xf32>
    %reduce_sum3A_76 = vector.multi_reduction <add>, %mul3A_74, %reduce_sum3A_75 [0] : vector<10000x128xf32> to vector<128xf32>
    %broadcast_in_dim3A_77 = vector.shape_cast %reduce_sum3A_76 : vector<128xf32> to vector<1x128xf32>
    %div3A_78 = arith.constant 1.000000e+04 : f32
    %div3A_79 = vector.broadcast %div3A_78 : f32 to vector<1x128xf32>
    %div3A_80 = arith.divf %broadcast_in_dim3A_77, %div3A_79 : vector<1x128xf32>
    %get3A_81 = arith.constant 0 : index
    %get3A_82 = arith.constant 0 : index
    %get3A_83 = vector.load %arg8[%get3A_81, %get3A_82] : memref<1x128xf32, #tpu.memory_space<vmem>>, vector<1x128xf32>
    %sub3A_84 = vector.broadcast %div3A_69 : vector<1x128xf32> to vector<10000x128xf32>
    %sub3A_85 = arith.subf %add3A_63, %sub3A_84 : vector<10000x128xf32>
    %mul3A_86 = vector.broadcast %get3A_83 : vector<1x128xf32> to vector<10000x128xf32>
    %mul3A_87 = arith.mulf %mul3A_86, %sub3A_85 : vector<10000x128xf32>
    %add3A_88 = arith.constant 9.99999974E-6 : f32
    %add3A_89 = vector.broadcast %add3A_88 : f32 to vector<1x128xf32>
    %add3A_90 = arith.addf %div3A_80, %add3A_89 : vector<1x128xf32>
    %rsqrt3A_91 = math.rsqrt %add3A_90 : vector<1x128xf32>
    %mul3A_92 = vector.broadcast %rsqrt3A_91 : vector<1x128xf32> to vector<10000x128xf32>
    %mul3A_93 = arith.mulf %mul3A_87, %mul3A_92 : vector<10000x128xf32>
    %get3A_94 = arith.constant 0 : index
    %get3A_95 = arith.constant 0 : index
    %get3A_96 = vector.load %arg9[%get3A_94, %get3A_95] : memref<1x128xf32, #tpu.memory_space<vmem>>, vector<1x128xf32>
    %add3A_97 = vector.broadcast %get3A_96 : vector<1x128xf32> to vector<10000x128xf32>
    %add3A_98 = arith.addf %mul3A_93, %add3A_97 : vector<10000x128xf32>
    %swap3A = arith.constant 0 : index
    %swap3A_99 = arith.constant 0 : index
    %swap3A_100 = vector.load %arg10[%swap3A, %swap3A_99] : memref<10000x128xf32, #tpu.memory_space<vmem>>, vector<10000x128xf32>
    tpu.vector_store %arg10[%swap3A, %swap3A_99], %add3A_98 {strides = array<i32>} : memref<10000x128xf32, #tpu.memory_space<vmem>>, vector<10000x128xf32>,
    return
  }
}

module attributes {stable_mosaic.version = 14 : i64} {
  func.func @body(%arg0: memref<10000x128xf32, #tpu.memory_space<vmem>>, %arg1: memref<2x10000x128xf32, #tpu.memory_space<vmem>>, %arg2: memref<128x256xf32, #tpu.memory_space<vmem>>, %arg3: memref<1x256xf32, #tpu.memory_space<vmem>>, %arg4: memref<1x256xf32, #tpu.memory_space<vmem>>, %arg5: memref<1x256xf32, #tpu.memory_space<vmem>>, %arg6: memref<256x128xf32, #tpu.memory_space<vmem>>, %arg7: memref<1x128xf32, #tpu.memory_space<vmem>>, %arg8: memref<1x128xf32, #tpu.memory_space<vmem>>, %arg9: memref<1x128xf32, #tpu.memory_space<vmem>>, %arg10: memref<10000x128xf32, #tpu.memory_space<vmem>>) attributes {dimension_semantics = [], scalar_prefetch = 0 : i64, scratch_operands = 0 : i64, tpu.core_type = #tpu.core_type<tc>} {
    %get3A = arith.constant 0 : index
    %get3A_0 = arith.constant 0 : index
    %get3A_1 = vector.load %arg0[%get3A, %get3A_0] : memref<10000x128xf32, #tpu.memory_space<vmem>>, vector<10000x128xf32>
    %get3A_2 = arith.constant 0 : index
    %get3A_3 = arith.constant 0 : index
    %get3A_4 = arith.constant 0 : index
    %get3A_5 = vector.load %arg1[%get3A_2, %get3A_3, %get3A_4] : memref<2x10000x128xf32, #tpu.memory_space<vmem>>, vector<1x10000x128xf32>
    %get3A_6 = vector.shape_cast %get3A_5 : vector<1x10000x128xf32> to vector<10000x128xf32>
    %get3A_7 = arith.constant 1 : index
    %get3A_8 = arith.constant 0 : index
    %get3A_9 = arith.constant 0 : index
    %get3A_10 = vector.load %arg1[%get3A_7, %get3A_8, %get3A_9] : memref<2x10000x128xf32, #tpu.memory_space<vmem>>, vector<1x10000x128xf32>
    %get3A_11 = vector.shape_cast %get3A_10 : vector<1x10000x128xf32> to vector<10000x128xf32>
    %add3A = arith.addf %get3A_6, %get3A_11 : vector<10000x128xf32>
    %sub3A = arith.subf %add3A, %get3A_1 : vector<10000x128xf32>
    %get3A_12 = arith.constant 0 : index
    %get3A_13 = arith.constant 0 : index
    %get3A_14 = vector.load %arg2[%get3A_12, %get3A_13] : memref<128x256xf32, #tpu.memory_space<vmem>>, vector<128x256xf32>
    %dot_general3A = arith.constant dense<0.000000e+00> : vector<10000x256xf32>
    %dot_general3A_15 = tpu.matmul %sub3A, %get3A_14, %dot_general3A {dimension_numbers = #tpu.dot_dimension_numbers<[1], [0], [0], [1], [0, 0, 1, 1], [], []>, transpose_lhs_hint = false} : vector<10000x128xf32>, vector<128x256xf32>, vector<10000x256xf32> -> vector<10000x256xf32>
    %get3A_16 = arith.constant 0 : index
    %get3A_17 = arith.constant 0 : index
    %get3A_18 = vector.load %arg3[%get3A_16, %get3A_17] : memref<1x256xf32, #tpu.memory_space<vmem>>, vector<1x256xf32>
    %add3A_19 = vector.broadcast %get3A_18 : vector<1x256xf32> to vector<10000x256xf32>
    %add3A_20 = arith.addf %dot_general3A_15, %add3A_19 : vector<10000x256xf32>
    %reduce_sum3A = arith.constant dense<0.000000e+00> : vector<256xf32>
    %reduce_sum3A_21 = vector.multi_reduction <add>, %add3A_20, %reduce_sum3A [0] : vector<10000x256xf32> to vector<256xf32>
    %broadcast_in_dim3A = vector.shape_cast %reduce_sum3A_21 : vector<256xf32> to vector<1x256xf32>
    %div3A = arith.constant 1.000000e+04 : f32
    %div3A_22 = vector.broadcast %div3A : f32 to vector<1x256xf32>
    %div3A_23 = arith.divf %broadcast_in_dim3A, %div3A_22 : vector<1x256xf32>
    %sub3A_24 = vector.broadcast %div3A_23 : vector<1x256xf32> to vector<10000x256xf32>
    %sub3A_25 = arith.subf %add3A_20, %sub3A_24 : vector<10000x256xf32>
    %sub3A_26 = vector.broadcast %div3A_23 : vector<1x256xf32> to vector<10000x256xf32>
    %sub3A_27 = arith.subf %add3A_20, %sub3A_26 : vector<10000x256xf32>
    %mul3A = arith.mulf %sub3A_25, %sub3A_27 : vector<10000x256xf32>
    %reduce_sum3A_28 = arith.constant dense<0.000000e+00> : vector<256xf32>
    %reduce_sum3A_29 = vector.multi_reduction <add>, %mul3A, %reduce_sum3A_28 [0] : vector<10000x256xf32> to vector<256xf32>
    %broadcast_in_dim3A_30 = vector.shape_cast %reduce_sum3A_29 : vector<256xf32> to vector<1x256xf32>
    %div3A_31 = arith.constant 1.000000e+04 : f32
    %div3A_32 = vector.broadcast %div3A_31 : f32 to vector<1x256xf32>
    %div3A_33 = arith.divf %broadcast_in_dim3A_30, %div3A_32 : vector<1x256xf32>
    %get3A_34 = arith.constant 0 : index
    %get3A_35 = arith.constant 0 : index
    %get3A_36 = vector.load %arg4[%get3A_34, %get3A_35] : memref<1x256xf32, #tpu.memory_space<vmem>>, vector<1x256xf32>
    %sub3A_37 = vector.broadcast %div3A_23 : vector<1x256xf32> to vector<10000x256xf32>
    %sub3A_38 = arith.subf %add3A_20, %sub3A_37 : vector<10000x256xf32>
    %mul3A_39 = vector.broadcast %get3A_36 : vector<1x256xf32> to vector<10000x256xf32>
    %mul3A_40 = arith.mulf %mul3A_39, %sub3A_38 : vector<10000x256xf32>
    %add3A_41 = arith.constant 9.99999974E-6 : f32
    %add3A_42 = vector.broadcast %add3A_41 : f32 to vector<1x256xf32>
    %add3A_43 = arith.addf %div3A_33, %add3A_42 : vector<1x256xf32>
    %rsqrt3A = math.rsqrt %add3A_43 : vector<1x256xf32>
    %mul3A_44 = vector.broadcast %rsqrt3A : vector<1x256xf32> to vector<10000x256xf32>
    %mul3A_45 = arith.mulf %mul3A_40, %mul3A_44 : vector<10000x256xf32>
    %get3A_46 = arith.constant 0 : index
    %get3A_47 = arith.constant 0 : index
    %get3A_48 = vector.load %arg5[%get3A_46, %get3A_47] : memref<1x256xf32, #tpu.memory_space<vmem>>, vector<1x256xf32>
    %add3A_49 = vector.broadcast %get3A_48 : vector<1x256xf32> to vector<10000x256xf32>
    %add3A_50 = arith.addf %mul3A_45, %add3A_49 : vector<10000x256xf32>
    %max3A = arith.constant 0.000000e+00 : f32
    %max3A_51 = vector.broadcast %max3A : f32 to vector<10000x256xf32>
    %max3A_52 = arith.maximumf %add3A_50, %max3A_51 : vector<10000x256xf32>
    %get3A_53 = arith.constant 0 : index
    %get3A_54 = arith.constant 0 : index
    %get3A_55 = vector.load %arg6[%get3A_53, %get3A_54] : memref<256x128xf32, #tpu.memory_space<vmem>>, vector<256x128xf32>
    %dot_general3A_56 = arith.constant dense<0.000000e+00> : vector<10000x128xf32>
    %dot_general3A_57 = tpu.matmul %max3A_52, %get3A_55, %dot_general3A_56 {dimension_numbers = #tpu.dot_dimension_numbers<[1], [0], [0], [1], [0, 0, 1, 1], [], []>, transpose_lhs_hint = false} : vector<10000x256xf32>, vector<256x128xf32>, vector<10000x128xf32> -> vector<10000x128xf32>
    %get3A_58 = arith.constant 0 : index
    %get3A_59 = arith.constant 0 : index
    %get3A_60 = vector.load %arg7[%get3A_58, %get3A_59] : memref<1x128xf32, #tpu.memory_space<vmem>>, vector<1x128xf32>
    %add3A_61 = vector.broadcast %get3A_60 : vector<1x128xf32> to vector<10000x128xf32>
    %add3A_62 = arith.addf %dot_general3A_57, %add3A_61 : vector<10000x128xf32>
    %add3A_63 = arith.addf %add3A_62, %get3A_1 : vector<10000x128xf32>
    %reduce_sum3A_64 = arith.constant dense<0.000000e+00> : vector<128xf32>
    %reduce_sum3A_65 = vector.multi_reduction <add>, %add3A_63, %reduce_sum3A_64 [0] : vector<10000x128xf32> to vector<128xf32>
    %broadcast_in_dim3A_66 = vector.shape_cast %reduce_sum3A_65 : vector<128xf32> to vector<1x128xf32>
    %div3A_67 = arith.constant 1.000000e+04 : f32
    %div3A_68 = vector.broadcast %div3A_67 : f32 to vector<1x128xf32>
    %div3A_69 = arith.divf %broadcast_in_dim3A_66, %div3A_68 : vector<1x128xf32>
    %sub3A_70 = vector.broadcast %div3A_69 : vector<1x128xf32> to vector<10000x128xf32>
    %sub3A_71 = arith.subf %add3A_63, %sub3A_70 : vector<10000x128xf32>
    %sub3A_72 = vector.broadcast %div3A_69 : vector<1x128xf32> to vector<10000x128xf32>
    %sub3A_73 = arith.subf %add3A_63, %sub3A_72 : vector<10000x128xf32>
    %mul3A_74 = arith.mulf %sub3A_71, %sub3A_73 : vector<10000x128xf32>
    %reduce_sum3A_75 = arith.constant dense<0.000000e+00> : vector<128xf32>
    %reduce_sum3A_76 = vector.multi_reduction <add>, %mul3A_74, %reduce_sum3A_75 [0] : vector<10000x128xf32> to vector<128xf32>
    %broadcast_in_dim3A_77 = vector.shape_cast %reduce_sum3A_76 : vector<128xf32> to vector<1x128xf32>
    %div3A_78 = arith.constant 1.000000e+04 : f32
    %div3A_79 = vector.broadcast %div3A_78 : f32 to vector<1x128xf32>
    %div3A_80 = arith.divf %broadcast_in_dim3A_77, %div3A_79 : vector<1x128xf32>
    %get3A_81 = arith.constant 0 : index
    %get3A_82 = arith.constant 0 : index
    %get3A_83 = vector.load %arg8[%get3A_81, %get3A_82] : memref<1x128xf32, #tpu.memory_space<vmem>>, vector<1x128xf32>
    %sub3A_84 = vector.broadcast %div3A_69 : vector<1x128xf32> to vector<10000x128xf32>
    %sub3A_85 = arith.subf %add3A_63, %sub3A_84 : vector<10000x128xf32>
    %mul3A_86 = vector.broadcast %get3A_83 : vector<1x128xf32> to vector<10000x128xf32>
    %mul3A_87 = arith.mulf %mul3A_86, %sub3A_85 : vector<10000x128xf32>
    %add3A_88 = arith.constant 9.99999974E-6 : f32
    %add3A_89 = vector.broadcast %add3A_88 : f32 to vector<1x128xf32>
    %add3A_90 = arith.addf %div3A_80, %add3A_89 : vector<1x128xf32>
    %rsqrt3A_91 = math.rsqrt %add3A_90 : vector<1x128xf32>
    %mul3A_92 = vector.broadcast %rsqrt3A_91 : vector<1x128xf32> to vector<10000x128xf32>
    %mul3A_93 = arith.mulf %mul3A_87, %mul3A_92 : vector<10000x128xf32>
    %get3A_94 = arith.constant 0 : index
    %get3A_95 = arith.constant 0 : index
    %get3A_96 = vector.load %arg9[%get3A_94, %get3A_95] : memref<1x128xf32, #tpu.memory_space<vmem>>, vector<1x128xf32>
    %add3A_97 = vector.broadcast %get3A_96 : vector<1x128xf32> to vector<10000x128xf32>
    %add3A_98 = arith.addf %mul3A_93, %add3A_97 : vector<10000x128xf32>
    %swap3A = arith.constant 0 : index
    %swap3A_99 = arith.constant 0 : index
    %swap3A_100 = vector.load %arg10[%swap3A, %swap3A_99] : memref<10000x128xf32, #tpu.memory_space<vmem>>, vector<10000x128xf32>
    tpu.vector_store %arg10[%swap3A, %swap3A_99], %add3A_98 {strides = array<i32>} : memref<10000x128xf32, #tpu.memory_space<vmem>>, vector<10000x128xf32>,
    return
  }
}

</mosaic_0001>

<sc_bundles>
// kernel: kernel.12.cloned.1.call-start
scs
__scs_entry_jumppad:
0x0: {  	(pc) =	sbr.rel $0x88, $3  }
0x1: {  	(tag) =	ssettag $0x0;
	lr =	simm.s32 $0x1  }
0x2: {  	[smem:$0x3F95] =	sst lr;
	_ =	strace $0xD0000000  }
0x3: {  	_ = 	snop  }
0x4: {  	_ = 	snop  }
0x5: {  	_ = 	snop  }
0x6: {  	_ = 	snop  }
0x7: {  	_ = 	snop  }
__scs_overlays_trampoline_lowered:
0x8: {  	[smem:$0x3FA4] =	sst s0  }
0x9: {  	[smem:$0x3FA5] =	sst s1  }
0xa: {  	[smem:$0x3FA6] =	sst s2  }
0xb: {  	[smem:$0x3FA7] =	sst s3  }
0xc: {  	[smem:$0x3FA8] =	sst s4  }
0xd: {  	[smem:$0x3FA9] =	sst s5  }
0xe: {  	[smem:$0x3FAA] =	sst s6  }
0xf: {  	[smem:$0x3FAB] =	sst s7  }
0x10: {  	[smem:$0x3FAC] =	sst s8  }
0x11: {  	[smem:$0x3FAD] =	sst s9;
	s0 =	simm.s32 @!p0 $0x0  }
0x12: {  	s1 =	sld [smem:$0x3F93];
	s0 =	simm.s32 @p0 $0x1  }
0x13: {  	[smem:$0x3FAE] =	sst s0;
	s0 =	simm.s32 @!p1 $0x0  }
0x14: {  	s2 =	sld [smem:$0x3F92];
	s0 =	simm.s32 @p1 $0x1  }
0x15: {  	[smem:$0x3FAF] =	sst s0;
	s0 =	simm.s32 @!p2 $0x0  }
0x16: {  	s3 =	sld [smem:$0x3FDB];
	s0 =	simm.s32 @p2 $0x1  }
0x17: {  	s4 =	simm.s32 $0x1BF5;
	[smem:$0x3FB1] =	sst s0  }
0x18: {  	s0 =	sld [smem:$0x3F94];
	_ =	swait.ge [sflag:s4], $0x0  }
0x19: {  	s7 =	sld [smem:$0x3F95]  }
0x1a: {  	s8 =	sadd.s32 $0xFFFFE003, lr  }
0x1b: {  	s9 =	sadd.s32 $0xFFFFFEF7, lr;
	s5 =	simm.s32 $0xFFFFFFFF;
	p2 =	slt.u32 s8, $0xFFFFF086  }
0x1c: {  	p1 =	slt.u32 s9, $0xF7A;
	s5 =	simm.s32 @!p2 $0x0  }
0x1d: {  	s5 =	simm.s32 @p1 $0x1;
	p0 =	seq.s32 s7, s2  }
0x1e: {  	s7 =	smul.u32 @!p0 $0xF7A, s2;
	p2 =	seq.s32 @!p0 s5, $0x0  }
0x1f: {  	s9 =	smul.u32 $0xF7A, s1;
	s8 =	simm.s32 @!p0 $0x1BF5;
	p2 =	por !p2, p0  }
0x20: {  	[sflag:s8] =	ssyncset.s32 @!p0 $0xFFFFF086;
	s6 =	sadd.s32 @!p0 s3, s7;
	s7 =	simm.s32 @!p0 $0x108  }
0x21: {  	s3 =	sadd.s32 s3, s9;
	s6 =	sadd.s32 @!p0 $0x88, s6;
	s7 =	simm.s32 @p2 $0x1082  }
0x22: {  	[simem:s7], [sflag:s8] =	dma.local @!p0 [hbm:s6], $0xF7A  }
0x23: {  	s9 =	sor.u32 $0xD0000000, s2;
	s6 =	simm.s32 $0x108;
	_ =	swait.ge @!p0 [sflag:s8], $0x0  }
0x24: {  	s3 =	sadd.s32 $0x88, s3;
	s6 =	simm.s32 @!p1 $0x1082;
	[sflag:s4] =	ssyncset.s32 $0xFFFFF086  }
0x25: {  	[simem:s6], [sflag:s4] =	dma.local [hbm:s3], $0xF7A  }
0x26: {  	[smem:$0x3F95] =	sst s1;
	(tag) =	ssettag s2;
	_ =	strace s9  }
0x27: {  	s1 =	sld [smem:$0x3FA5]  }
0x28: {  	s2 =	sld [smem:$0x3FA6]  }
0x29: {  	s4 =	sld [smem:$0x3FA8]  }
0x2a: {  	p0 =	seq.s32 s5, $0x0;
	s5 =	sld [smem:$0x3FA9]  }
0x2b: {  	s6 =	sld [smem:$0x3FAA]  }
0x2c: {  	s7 =	sld [smem:$0x3FAB]  }
0x2d: {  	s3 =	simm.s32 $0x108;
	s8 =	sld [smem:$0x3FAC]  }
0x2e: {  	s3 =	simm.s32 @!p0 $0x1082;
	s9 =	sld [smem:$0x3FAD]  }
0x2f: {  	lr =	sadd.s32 s0, s3;
	s0 =	sld [smem:$0x3FA4]  }
0x30: {  	s3 =	sld [smem:$0x3FA7]  }
0x31: {  	[smem:$0x3FB0] =	sst s10  }
0x32: {  	s10 =	sld [smem:$0x3FAE];
	_ =	sdelay $0x3  }
0x33: {  	p0 =	seq.s32 s10, $0x1;
	s10 =	sld [smem:$0x3FB0];
	_ =	sdelay $0x3  }
0x34: {  	[smem:$0x3FB0] =	sst s10  }
0x35: {  	s10 =	sld [smem:$0x3FAF];
	_ =	sdelay $0x3  }
0x36: {  	p1 =	seq.s32 s10, $0x1;
	s10 =	sld [smem:$0x3FB0];
	_ =	sdelay $0x3  }
0x37: {  	[smem:$0x3FB0] =	sst s10  }
0x38: {  	s10 =	sld [smem:$0x3FB1]  }
0x39: {  	_ = 	snop;
	(pc) =	sbr.ind lr, $3  }
0x3a: {  	_ = 	snop  }
0x3b: {  	_ = 	snop  }
0x3c: {  	p2 =	seq.s32 s10, $0x1;
	s10 =	sld [smem:$0x3FB0]  }
0x3d: {  	_ =	shalt  }
0x3e: {  	_ =	shalt  }
0x3f: {  	_ =	shalt  }
0x40: {  	_ =	shalt  }
0x41: {  	_ =	shalt  }
0x42: {  	_ =	shalt  }
0x43: {  	_ =	shalt  }
0x44: {  	_ =	shalt  }
0x45: {  	_ =	shalt  }
0x46: {  	_ =	shalt  }
0x47: {  	_ =	shalt  }
0x48: {  	_ =	shalt  }
0x49: {  	_ =	shalt  }
0x4a: {  	_ =	shalt  }
0x4b: {  	_ =	shalt  }
0x4c: {  	_ =	shalt  }
0x4d: {  	_ =	shalt  }
0x4e: {  	_ =	shalt  }
0x4f: {  	_ =	shalt  }
0x50: {  	_ =	shalt  }
0x51: {  	_ =	shalt  }
0x52: {  	_ =	shalt  }
0x53: {  	_ =	shalt  }
0x54: {  	_ =	shalt  }
0x55: {  	_ =	shalt  }
0x56: {  	_ =	shalt  }
0x57: {  	_ =	shalt  }
0x58: {  	_ =	shalt  }
0x59: {  	_ =	shalt  }
0x5a: {  	_ =	shalt  }
0x5b: {  	_ =	shalt  }
0x5c: {  	_ =	shalt  }
0x5d: {  	_ =	shalt  }
0x5e: {  	_ =	shalt  }
0x5f: {  	_ =	shalt  }
0x60: {  	_ =	shalt  }
0x61: {  	_ =	shalt  }
0x62: {  	_ =	shalt  }
0x63: {  	_ =	shalt  }
0x64: {  	_ =	shalt  }
0x65: {  	_ =	shalt  }
0x66: {  	_ =	shalt  }
0x67: {  	_ =	shalt  }
0x68: {  	_ =	shalt  }
0x69: {  	_ =	shalt  }
0x6a: {  	_ =	shalt  }
0x6b: {  	_ =	shalt  }
0x6c: {  	_ =	shalt  }
0x6d: {  	_ =	shalt  }
0x6e: {  	_ =	shalt  }
0x6f: {  	_ =	shalt  }
0x70: {  	_ =	shalt  }
0x71: {  	_ =	shalt  }
0x72: {  	_ =	shalt  }
0x73: {  	_ =	shalt  }
0x74: {  	_ =	shalt  }
0x75: {  	_ =	shalt  }
0x76: {  	_ =	shalt  }
0x77: {  	_ =	shalt  }
0x78: {  	_ =	shalt  }
0x79: {  	_ =	shalt  }
0x7a: {  	_ =	shalt  }
0x7b: {  	_ =	shalt  }
0x7c: {  	_ =	shalt  }
0x7d: {  	_ =	shalt  }
0x7e: {  	_ =	shalt  }
0x7f: {  	_ =	shalt  }
0x80: {  	_ =	shalt  }
0x81: {  	_ =	shalt  }
0x82: {  	_ =	shalt  }
0x83: {  	_ =	shalt  }
0x84: {  	_ =	shalt  }
0x85: {  	_ =	shalt  }
0x86: {  	_ =	shalt  }
0x87: {  	_ =	shalt  }
.Lfunc_end0:
.L_simem_size_0:
called_computation.1_lowered:
.L_overlay_start_0:
0x88: {  	s2 =	sld [smem:$0x3FD9]  }
0x89: {  	s3 =	sld [smem:$0x3FFE];
	_ =	sdelay $0x1  }
0x8a: {  	s1 =	srdreg.scid  }
0x8b: {  	s0 =	sand.u32 $0x1, s1  }
0x8c: {  	s17 =	sshll.u32 s0, $0xA;
	s2 =	sadd.s32 s3, s2  }
0x8d: {  	s2 =	sadd.s32 s2, s17  }
0x8e: {  	[smem:$0x3FBC] =	sst s2  }
0x8f: {  	_ = 	snop  }
0x90: {  	s2 =	sld [smem:$0x3FD0];
	(tm) =	ssettm $0x1  }
0x91: {  	s18 =	sld [smem:$0x3FFB];
	_ =	sdelay $0x3  }
0x92: {  	_ =	strace s18  }
0x93: {  	s3 =	sld [smem:$0x3FFC];
	_ =	sdelay $0x3  }
0x94: {  	_ =	strace s3  }
0x95: {  	s3 =	sld [smem:$0x3FFD];
	_ =	sdelay $0x3  }
0x96: {  	_ =	strace s3  }
0x97: {  	_ =	strace $0x8FFFFFFF  }
0x98: {  	s19 =	sld [smem:$0x3FDB];
	_ =	sdelay $0x1  }
0x99: {  	s4 =	simm.s32 $_scs_section_size  }
0x9a: {  	s5 =	simm.s32 $_size__tile_overlayer_lowered;
	s6 =	simm.s32 $_tile_overlayer_lowered  }
0x9b: {  	s22 =	simm.s32 $0x1BFF;
	s21 =	sshll.u32 s6, $0x1;
	s3 =	sadd.s32 s4, s19  }
0x9c: {  	s7 =	simm.s32 $0x0;
	s20 =	sshll.u32 s5, $0x1;
	s5 =	sadd.s32 s21, s3  }
0x9d: {  	[timem:s7], [sflag:s22] =	dma.local [hbm:s5], s20  }
0x9e: {  	_ =	swait.ge [sflag:s22], s20  }
0x9f: {  	s4 =	ssub.s32 $0x0, s20;
	[sflag:s22] =	ssyncset.done $0x0  }
0xa0: {  	[sflag:s22] =	ssyncadd.s32 s4;
	_ =	sdelay $0x1  }
0xa1: {  	s23 =	simm.s32 $0x1B8B  }
0xa2: {  	_ =	swait.ge [sflag:s23], $0x1  }
0xa3: {  	[sflag:s23] =	ssyncset.done $0x0  }
0xa4: {  	s25 =	simm.s32 $0x1B8E;
	s24 =	sld [smem:$0x3FFE];
	[sflag:s23] =	ssyncadd.s32 $0xFFFFFFFF  }
0xa5: {  	s26 =	simm.s32 $execute0_lowered;
	[smem:$0x3FD2] =	sst s25  }
0xa6: {  	s5 =	sshll.u32 s26, $0x1;
	_ =	strace $0x80000049;
	[dreg:$0x1] =	wrdreg $0xFFFFFFFF  }
0xa7: {  	s28 =	simm.s32 $_size_execute0_lowered;
	s3 =	sadd.s32 s3, s5;
	[dreg:$0x0] =	wrdreg $0x0  }
0xa8: {  	s5 =	sshll.u32 s28, $0x1;
	[dreg:$0x2] =	wrdreg s3  }
0xa9: {  	[dreg:$0x3] =	wrdreg s5  }
0xaa: {  	[dreg:$0x4] =	wrdreg $0xC0  }
0xab: {  	_ =	task [dreg:s7], $0x5FFFF  }
0xac: {  	[dreg:$0x1] =	wrdreg $0xFFFFFFFF  }
0xad: {  	[dreg:$0x0] =	wrdreg $0x60  }
0xae: {  	[dreg:$0x2] =	wrdreg s2  }
0xaf: {  	[dreg:$0x3] =	wrdreg s24  }
0xb0: {  	[dreg:$0x4] =	wrdreg $0xC3000  }
0xb1: {  	[dreg:$0x5] =	wrdreg $0x9  }
0xb2: {  	_ =	task.clear_ibuf [dreg:s7], $0x6FFFF;
	_ =	strace $0x90000049  }
0xb3: {  	s29 =	simm.s32 $0x9;
	_ =	strace $0x8000004B  }
0xb4: {  	_ =	swait.ge [sflag:s29], $0x1  }
0xb5: {  	[sflag:s29] =	ssyncadd.s32 $0xFFFFFFFF  }
0xb6: {  	_ =	strace $0x9000004B  }
0xb7: {  	_ =	sfence  }
0xb8: {  	s30 =	sld [smem:$0x0];
	_ =	sdelay $0x2  }
0xb9: {  	s31 =	sshll.u32 s1, $0xD;
	s1 =	sshrl.u32 s1, $0x2  }
0xba: {  	s3 =	sand.u32 $0x4000, s31;
	s1 =	sadd.s32 s1, s30  }
0xbb: {  	s0 =	sor.u32 s3, s0;
	s1 =	sshll.u32 s1, $0x11  }
0xbc: {  	s0 =	sor.u32 s1, s0  }
0xbd: {  	s0 =	sadd.s32 $0x8F2B, s0  }
0xbe: {  	[sflag:s0] =	ssyncadd.remote.s32 $0x1  }
0xbf: {  	_ =	sfence.sel $0xFFFF  }
0xc0: {  	[dreg:$0x0] =	wrdreg $0xFFFFFFFF;
	(pc) =	sbr.abs _section_cstart, $3  }
0xc1: {  	[dreg:$0x1] =	wrdreg $0xFFFFFFFF  }
0xc2: {  	_ =	task.clear_ibuf [dreg:s7], $0x2FFFF;
	_ =	strace $0x9FFFFFFF  }
0xc3: {  	(tm) =	ssettm $0x7FFFFFFF  }
tec
execute0_lowered:
.L_overlay_start_1:
0x0: {  	(tag) =	ssettag $0x1  }
0x1: {  	s0 =	rddreg [dreg:$0x0]  }
0x2: {  	s2 =	rddreg [dreg:$0x1]  }
0x3: {  	s1 =	srdreg.scid;
	s3 =	rddreg [dreg:$0x2]  }
0x4: {  	s10 =	stileid.u32;
	s4 =	simm.s32 $0x0;
	s15 =	simm.s32 $0x180  }
0x5: {  	s17 =	simm.s32 $0x80;
	s19 =	simm.s32 $0x200;
	s28 =	simm.s32 $0x2  }
0x6: {  	s29 =	simm.s32 $0x4300;
	s30 =	simm.s32 $0x3;
	s31 =	simm.s32 $0x8300  }
0x7: {  	s11 =	simm.s32 $0x9;
	s16 =	simm.s32 $0x6;
	s18 =	simm.s32 $0x0  }
0x8: {  	s1 =	sand.u32 $0x1, s1;
	[smem:$0x7FF] =	sst s4;
	s6 =	smul.u32 $0x4E000, s10  }
0x9: {  	s9 =	smul.u32 $0x2700, s10;
	s22 =	sadd.s32 $0x24900, s0;
	p0 =	seq.s32 s10, $0xF  }
0xa: {  	s5 =	sshll.u32 s1, $0x4;
	_ =	strace $0x8000004A;
	s7 =	smul.u32 $0x27100, s1  }
0xb: {  	s1 =	ssub.s32 $0x2, s1;
	[dreg:$0x6] =	wrdreg s22;
	s5 =	sor.u32 s10, s5  }
0xc: {  	s8 =	sshrl.u32 s1, $0x1;
	s6 =	sshrl.u32 s6, $0x2;
	[dreg:$0x4] =	wrdreg s9  }
0xd: {  	s21 =	sadd.s32 s0, s9;
	s5 =	smul.u32 $0x500, s5;
	s1 =	ssub.s32 s1, s8  }
0xe: {  	s6 =	sadd.s32 s6, s3;
	[dreg:$0x5] =	wrdreg s21;
	s21 =	simm.s32 $0x100  }
0xf: {  	s1 =	smax.u32 s1, $0x1;
	s14 =	sshrl.u32 @!p0 s6, $0x3;
	s6 =	simm.s32 $0xA  }
0x10: {  	s5 =	sadd.s32 s5, s2;
	s2 =	sadd.s32 s7, s2;
	[dreg:$0x8] =	wrdreg s1  }
0x11: {  	s7 =	sadd.s32 $0x124800, s3;
	s1 =	sshll.u32 @!p0 s10, $0x6;
	[dreg:$0xa] =	wrdreg s14  }
0x12: {  	s8 =	sadd.s32 $0xD800, s5;
	s9 =	sadd.s32 $0x3800, s5;
	s2 =	sadd.s32 $0x17800, s2  }
0x13: {  	s22 =	sshrl.u32 @p0 s7, $0x3;
	s20 =	sor.u32 @!p0 $0x1C0A, s1;
	[dreg:$0x7] =	wrdreg s2  }
0x14: {  	s1 =	simm.s32 $0x7;
	s23 =	sadd.s32 $0x10, s8;
	[dreg:$0x9] =	wrdreg s20  }
.Ltmp0:
0x15: {  	s24 =	sadd.s32 $0x10, s9;
	[dreg:$0xb] =	wrdreg s23;
	(pc) =	sbr.rel .LBB2_1-.Ltmp0, $4  }
0x16: {  	s7 =	simm.s32 $0x8;
	s25 =	sadd.s32 $0x20, s8;
	[dreg:$0xc] =	wrdreg s24  }
0x17: {  	s5 =	simm.s32 $0x5;
	s26 =	sadd.s32 $0x20, s9;
	[dreg:$0xd] =	wrdreg s25  }
0x18: {  	s2 =	simm.s32 $0x4;
	[dreg:$0xe] =	wrdreg s26;
	s23 =	simm.s32 $0x280  }
0x19: {  	s24 =	simm.s32 $0x1;
	s25 =	simm.s32 $0x7D;
	s26 =	simm.s32 $0x300  }
.LBB2_4:
0x1a: {  	_ =	swait.ge [sflag:s16], $0x80  }
0x1b: {  	[sflag:s16] =	ssyncset.done $0x0  }
0x1c: {  	[sflag:s16] =	ssyncadd.s32 $0xFFFFFF80  }
0x1d: {  	[spmem:s3] =	stream.indirect.scatter.add.f32 [tilespmem:s31], [sflag:$0xA], $0x80, s23, s25, $0xb8;
	[tilespmem:$0x1FB80] =	vst v63  }
0x1e: {  	_ =	swait.ge [sflag:s6], $0x3E80  }
0x1f: {  	[sflag:s6] =	ssyncset.done $0x0  }
0x20: {  	[sflag:s6] =	ssyncadd.s32 $0xFFFFC180  }
0x21: {  	_ =	swait.ge [sflag:s1], $0x3E80  }
0x22: {  	[sflag:s1] =	ssyncset.done $0x0  }
0x23: {  	[sflag:s1] =	ssyncadd.s32 $0xFFFFC180  }
0x24: {  	_ =	swait.ge [sflag:s2], $0x80  }
0x25: {  	[sflag:s2] =	ssyncset.done $0x0  }
0x26: {  	[sflag:s2] =	ssyncadd.s32 $0xFFFFFF80  }
0x27: {  	[spmem:s3] =	stream.indirect.scatter.add.f32 [tilespmem:s26], [sflag:$0xA], $0x80, s15, s25, $0xb8;
	[tilespmem:$0x1FB80] =	vst v63  }
0x28: {  	_ =	swait.ge [sflag:s6], $0x3E80  }
0x29: {  	[sflag:s6] =	ssyncset.done $0x0  }
0x2a: {  	[sflag:s6] =	ssyncadd.s32 $0xFFFFC180  }
0x2b: {  	_ =	swait.ge [sflag:s7], $0x3E80  }
0x2c: {  	[sflag:s7] =	ssyncset.done $0x0  }
0x2d: {  	[sflag:s7] =	ssyncadd.s32 $0xFFFFC180  }
0x2e: {  	_ =	swait.ge [sflag:s5], $0x80  }
0x2f: {  	[sflag:s5] =	ssyncset.done $0x0  }
0x30: {  	[sflag:s5] =	ssyncadd.s32 $0xFFFFFF80  }
0x31: {  	[spmem:s3] =	stream.indirect.scatter.add.f32 [tilespmem:s29], [sflag:$0xA], $0x80, s19, s25, $0xb8;
	[tilespmem:$0x1FB80] =	vst v63  }
0x32: {  	_ =	swait.ge [sflag:s6], $0x3E80  }
0x33: {  	[sflag:s6] =	ssyncset.done $0x0  }
0x34: {  	[sflag:s6] =	ssyncadd.s32 $0xFFFFC180  }
0x35: {  	[bflag:$0x0] =	sbarrier.arrive $0xFFFF  }
0x36: {  	s20 =	rddreg [dreg:$0x7]  }
0x37: {  	s12 =	simm.s32 @p0 $0x1FCA;
	s10 =	sadd.s32 @p0 $0x24900, s20  }
0x38: {  	[hbm:s10], [sflag:s12] =	dma.local @p0 [spmem:s13], $0x2800  }
0x39: {  	s10 =	simm.s32 @p0 $0xA  }
0x3a: {  	_ =	swait.ge @p0 [sflag:s10], $0x2800  }
0x3b: {  	[sflag:s10] =	ssyncset.done @p0 $0x0;
	s14 =	rddreg [dreg:$0xa]  }
0x3c: {  	[sflag:s10] =	ssyncadd.s32 @p0 $0xFFFFD800;
	s10 =	rddreg [dreg:$0x4]  }
0x3d: {  	s10 =	sadd.s32 @!p0 s10, s20;
	s20 =	rddreg [dreg:$0x9]  }
0x3e: {  	[hbm:s10], [sflag:s20] =	dma.local @!p0 [spmem:s14], $0x2700  }
0x3f: {  	s10 =	simm.s32 @!p0 $0xA  }
0x40: {  	_ =	swait.ge @!p0 [sflag:s10], $0x2700  }
0x41: {  	s22 =	smov.u32 s13;
	s18 =	sadd.s32 $0x1, s18;
	s13 =	rddreg [dreg:$0x8]  }
0x42: {  	p1 =	sne.s32 s18, s13  }
.Ltmp1:
0x43: {  	_ = 	snop;
	(pc) =	sbr.rel @!p1 .LBB2_5-.Ltmp1, $3  }
0x44: {  	_ =	sdelay $0x1  }
0x45: {  	[sflag:s10] =	ssyncset.done @!p0 $0x0  }
0x46: {  	[sflag:s10] =	ssyncadd.s32 @!p0 $0xFFFFD900  }
.LBB2_1:
0x47: {  	s10 =	simm.s32 @p0 $0x1FCA;
	s12 =	rddreg [dreg:$0x6]  }
0x48: {  	[spmem:s22], [sflag:s10] =	dma.local @p0 [hbm:s12], $0x2800  }
0x49: {  	s10 =	simm.s32 @p0 $0xA  }
0x4a: {  	_ =	swait.ge @p0 [sflag:s10], $0x2800  }
0x4b: {  	[sflag:s10] =	ssyncset.done @p0 $0x0  }
0x4c: {  	[sflag:s10] =	ssyncadd.s32 @p0 $0xFFFFD800;
	s10 =	rddreg [dreg:$0x5]  }
0x4d: {  	[spmem:s14], [sflag:s20] =	dma.local @!p0 [hbm:s10], $0x2700  }
0x4e: {  	s10 =	simm.s32 @!p0 $0xA  }
0x4f: {  	_ =	swait.ge @!p0 [sflag:s10], $0x2700  }
0x50: {  	[sflag:s10] =	ssyncset.done @!p0 $0x0  }
0x51: {  	[sflag:s10] =	ssyncadd.s32 @!p0 $0xFFFFD900  }
0x52: {  	[bflag:$0x0] =	sbarrier.arrive $0xFFFF  }
0x53: {  	[tilespmem:s4], [sflag:$0x1] =	stream.linear.gather [hbm4b:s8+s4], $0x80, $0x38;
	[tilespmem:$0x1FB80] =	vst v63  }
0x54: {  	_ = 	snop  }
0x55: {  	[tilespmem:s15], [sflag:$0x4] =	stream.linear.gather [hbm4b:s9+s4], $0x80, $0x38;
	[tilespmem:$0x1FB80] =	vst v63  }
0x56: {  	s12 =	rddreg [dreg:$0xb]  }
0x57: {  	[tilespmem:s17], [sflag:$0x2] =	stream.linear.gather [hbm4b:s12+s4], $0x80, $0x38;
	[tilespmem:$0x1FB80] =	vst v63  }
0x58: {  	s14 =	rddreg [dreg:$0xc]  }
0x59: {  	[tilespmem:s19], [sflag:$0x5] =	stream.linear.gather [hbm4b:s14+s4], $0x80, $0x38;
	[tilespmem:$0x1FB80] =	vst v63  }
0x5a: {  	s20 =	rddreg [dreg:$0xd]  }
0x5b: {  	[tilespmem:s21], [sflag:$0x3] =	stream.linear.gather [hbm4b:s20+s4], $0x80, $0x38;
	[tilespmem:$0x1FB80] =	vst v63  }
0x5c: {  	s13 =	smov.u32 s22;
	s22 =	rddreg [dreg:$0xe]  }
0x5d: {  	[tilespmem:s23], [sflag:$0x6] =	stream.linear.gather [hbm4b:s22+s4], $0x80, $0x38;
	[tilespmem:$0x1FB80] =	vst v63  }
0x5e: {  	_ =	swait.ge [sflag:s24], $0x80  }
0x5f: {  	[sflag:s24] =	ssyncset.done $0x0  }
0x60: {  	[sflag:s24] =	ssyncadd.s32 $0xFFFFFF80  }
0x61: {  	[tilespmem:s26], [sflag:$0x7] =	stream.indirect.gather [hbm4b:s0+s25], $0x80, s4, s25, $0xb8;
	[tilespmem:$0x1FB80] =	vst v63  }
0x62: {  	_ =	swait.ge [sflag:s28], $0x80  }
0x63: {  	[sflag:s28] =	ssyncset.done $0x0  }
0x64: {  	[sflag:s28] =	ssyncadd.s32 $0xFFFFFF80  }
0x65: {  	[tilespmem:s29], [sflag:$0x8] =	stream.indirect.gather [hbm4b:s0+s25], $0x80, s17, s25, $0xb8;
	[tilespmem:$0x1FB80] =	vst v63  }
0x66: {  	_ =	swait.ge [sflag:s30], $0x80  }
0x67: {  	[sflag:s30] =	ssyncset.done $0x0  }
0x68: {  	s20 =	simm.s32 $0x0;
	[sflag:s30] =	ssyncadd.s32 $0xFFFFFF80  }
0x69: {  	[tilespmem:s31], [sflag:$0x9] =	stream.indirect.gather [hbm4b:s0+s25], $0x80, s21, s25, $0xb8;
	[tilespmem:$0x1FB80] =	vst v63  }
.LBB2_2:
0x6a: {  	_ =	swait.ge [sflag:s1], $0x3E80  }
0x6b: {  	s22 =	sadd.s32 s20, s8;
	[sflag:s1] =	ssyncset.done $0x0  }
0x6c: {  	s10 =	sadd.s32 $0x30, s22;
	[sflag:s1] =	ssyncadd.s32 $0xFFFFC180  }
0x6d: {  	[tilespmem:s4], [sflag:$0x1] =	stream.linear.gather [hbm4b:s10+s4], $0x80, $0x38;
	[tilespmem:$0x1FB80] =	vst v63  }
0x6e: {  	_ =	swait.ge [sflag:s2], $0x80  }
0x6f: {  	[sflag:s2] =	ssyncset.done $0x0  }
0x70: {  	[sflag:s2] =	ssyncadd.s32 $0xFFFFFF80  }
0x71: {  	[spmem:s3] =	stream.indirect.scatter.add.f32 [tilespmem:s26], [sflag:$0xA], $0x80, s15, s25, $0xb8;
	[tilespmem:$0x1FB80] =	vst v63  }
0x72: {  	_ =	swait.ge [sflag:s6], $0x3E80  }
0x73: {  	s10 =	sadd.s32 s20, s9;
	[sflag:s6] =	ssyncset.done $0x0  }
0x74: {  	s12 =	sadd.s32 $0x30, s10;
	[sflag:s6] =	ssyncadd.s32 $0xFFFFC180  }
0x75: {  	[tilespmem:s15], [sflag:$0x4] =	stream.linear.gather [hbm4b:s12+s4], $0x80, $0x38;
	[tilespmem:$0x1FB80] =	vst v63  }
0x76: {  	_ =	swait.ge [sflag:s24], $0x80  }
0x77: {  	[sflag:s24] =	ssyncset.done $0x0  }
0x78: {  	[sflag:s24] =	ssyncadd.s32 $0xFFFFFF80  }
0x79: {  	[tilespmem:s26], [sflag:$0x7] =	stream.indirect.gather [hbm4b:s0+s25], $0x80, s4, s25, $0xb8;
	[tilespmem:$0x1FB80] =	vst v63  }
0x7a: {  	_ =	swait.ge [sflag:s7], $0x3E80  }
0x7b: {  	[sflag:s7] =	ssyncset.done $0x0  }
0x7c: {  	s14 =	sadd.s32 $0x40, s22;
	[sflag:s7] =	ssyncadd.s32 $0xFFFFC180  }
0x7d: {  	[tilespmem:s17], [sflag:$0x2] =	stream.linear.gather [hbm4b:s14+s4], $0x80, $0x38;
	[tilespmem:$0x1FB80] =	vst v63  }
0x7e: {  	_ =	swait.ge [sflag:s5], $0x80  }
0x7f: {  	[sflag:s5] =	ssyncset.done $0x0  }
0x80: {  	[sflag:s5] =	ssyncadd.s32 $0xFFFFFF80  }
0x81: {  	[spmem:s3] =	stream.indirect.scatter.add.f32 [tilespmem:s29], [sflag:$0xA], $0x80, s19, s25, $0xb8;
	[tilespmem:$0x1FB80] =	vst v63  }
0x82: {  	_ =	swait.ge [sflag:s6], $0x3E80  }
0x83: {  	[sflag:s6] =	ssyncset.done $0x0  }
0x84: {  	s14 =	sadd.s32 $0x40, s10;
	[sflag:s6] =	ssyncadd.s32 $0xFFFFC180  }
0x85: {  	[tilespmem:s19], [sflag:$0x5] =	stream.linear.gather [hbm4b:s14+s4], $0x80, $0x38;
	[tilespmem:$0x1FB80] =	vst v63  }
0x86: {  	_ =	swait.ge [sflag:s28], $0x80  }
0x87: {  	p1 =	seq.s32 s20, $0x4B0;
	[sflag:s28] =	ssyncset.done $0x0  }
.Ltmp2:
0x88: {  	[sflag:s28] =	ssyncadd.s32 $0xFFFFFF80;
	(pc) =	sbr.rel @p1 .LBB2_4-.Ltmp2, $4  }
0x89: {  	[tilespmem:s29], [sflag:$0x8] =	stream.indirect.gather [hbm4b:s0+s25], $0x80, s17, s25, $0xb8;
	[tilespmem:$0x1FB80] =	vst v63  }
0x8a: {  	_ =	swait.ge [sflag:s11], $0x3E80  }
0x8b: {  	[sflag:s11] =	ssyncset.done $0x0  }
0x8c: {  	[sflag:s11] =	ssyncadd.s32 $0xFFFFC180  }
0x8d: {  	s12 =	sadd.s32 $0x50, s22  }
0x8e: {  	[tilespmem:s21], [sflag:$0x3] =	stream.linear.gather [hbm4b:s12+s4], $0x80, $0x38;
	[tilespmem:$0x1FB80] =	vst v63  }
0x8f: {  	_ =	swait.ge [sflag:s16], $0x80  }
0x90: {  	[sflag:s16] =	ssyncset.done $0x0  }
0x91: {  	[sflag:s16] =	ssyncadd.s32 $0xFFFFFF80  }
0x92: {  	[spmem:s3] =	stream.indirect.scatter.add.f32 [tilespmem:s31], [sflag:$0xA], $0x80, s23, s25, $0xb8;
	[tilespmem:$0x1FB80] =	vst v63  }
0x93: {  	_ =	swait.ge [sflag:s6], $0x3E80  }
0x94: {  	[sflag:s6] =	ssyncset.done $0x0  }
0x95: {  	s10 =	sadd.s32 $0x50, s10;
	[sflag:s6] =	ssyncadd.s32 $0xFFFFC180  }
0x96: {  	[tilespmem:s23], [sflag:$0x6] =	stream.linear.gather [hbm4b:s10+s4], $0x80, $0x38;
	[tilespmem:$0x1FB80] =	vst v63  }
.Ltmp3:
0x97: {  	_ = 	snop;
	(pc) =	sbr.rel .LBB2_2-.Ltmp3, $4  }
0x98: {  	_ =	swait.ge [sflag:s30], $0x80  }
0x99: {  	[sflag:s30] =	ssyncset.done $0x0  }
0x9a: {  	s20 =	sadd.s32 $0x30, s20;
	[sflag:s30] =	ssyncadd.s32 $0xFFFFFF80  }
0x9b: {  	[tilespmem:s31], [sflag:$0x9] =	stream.indirect.gather [hbm4b:s0+s25], $0x80, s21, s25, $0xb8;
	[tilespmem:$0x1FB80] =	vst v63  }
.LBB2_5:
0x9c: {  	_ =	sfence.sel $0x180000  }
0x9d: {  	[bflag:$0x0] =	sbarrier.arrive $0xFFFF  }
0x9e: {  	_ =	strace $0x9000004A  }
0x9f: {  	s0 =	stileid.u32;
	[bflag:$0x2] =	sbarrier.arrive $0xFFFF  }
0xa0: {  	p0 =	sne.s32 s0, $0x0;
	s0 =	rddreg [dreg:$0x3]  }
0xa1: {  	s0 =	sadd.s32 @!p0 $0x100000, s0  }
0xa2: {  	[sflag:s0] =	ssyncadd.tile.s32 @!p0 $0x1;
	_ =	shalt  }
.Lfunc_end2:
_tile_overlayer_lowered:
.L_overlay_start_2:
0xa3: {  	(tag) =	ssettag $0x2  }
0xa4: {  	s0 =	rddreg [dreg:$0x0];
	s2 =	stileid.u32  }
0xa5: {  	s1 =	rddreg [dreg:$0x1];
	p0 =	sne.s32 s2, $0x0  }
0xa6: {  	s3 =	rddreg [dreg:$0x2];
	[bflag:$0x3] =	sbarrier.arrive $0xFFFF;
	s2 =	simm.s32 @!p0 $0x1C0A  }
0xa7: {  	[timem:s3], [sflag:s2] =	dma.local @!p0 [hbm:s0], s1  }
0xa8: {  	s0 =	simm.s32 @!p0 $0xA  }
0xa9: {  	_ =	swait.ge @!p0 [sflag:s0], s1  }
0xaa: {  	s1 =	ssub.s32 @!p0 $0x0, s1;
	[sflag:s0] =	ssyncset.done @!p0 $0x0  }
0xab: {  	[sflag:s0] =	ssyncadd.s32 @!p0 s1  }
0xac: {  	[bflag:$0x3] =	sbarrier.arrive $0xFFFF  }
0xad: {  	_ =	shalt  }

// kernel: kernel.15.cloned.1.call-start
scs
__scs_entry_jumppad:
0x0: {  	(pc) =	sbr.rel $0x88, $3  }
0x1: {  	(tag) =	ssettag $0x0;
	lr =	simm.s32 $0x1  }
0x2: {  	[smem:$0x3F95] =	sst lr;
	_ =	strace $0xD0000000  }
0x3: {  	_ = 	snop  }
0x4: {  	_ = 	snop  }
0x5: {  	_ = 	snop  }
0x6: {  	_ = 	snop  }
0x7: {  	_ = 	snop  }
__scs_overlays_trampoline_lowered:
0x8: {  	[smem:$0x3FA4] =	sst s0  }
0x9: {  	[smem:$0x3FA5] =	sst s1  }
0xa: {  	[smem:$0x3FA6] =	sst s2  }
0xb: {  	[smem:$0x3FA7] =	sst s3  }
0xc: {  	[smem:$0x3FA8] =	sst s4  }
0xd: {  	[smem:$0x3FA9] =	sst s5  }
0xe: {  	[smem:$0x3FAA] =	sst s6  }
0xf: {  	[smem:$0x3FAB] =	sst s7  }
0x10: {  	[smem:$0x3FAC] =	sst s8  }
0x11: {  	[smem:$0x3FAD] =	sst s9;
	s0 =	simm.s32 @!p0 $0x0  }
0x12: {  	s1 =	sld [smem:$0x3F93];
	s0 =	simm.s32 @p0 $0x1  }
0x13: {  	[smem:$0x3FAE] =	sst s0;
	s0 =	simm.s32 @!p1 $0x0  }
0x14: {  	s2 =	sld [smem:$0x3F92];
	s0 =	simm.s32 @p1 $0x1  }
0x15: {  	[smem:$0x3FAF] =	sst s0;
	s0 =	simm.s32 @!p2 $0x0  }
0x16: {  	s3 =	sld [smem:$0x3FDB];
	s0 =	simm.s32 @p2 $0x1  }
0x17: {  	s4 =	simm.s32 $0x1BF5;
	[smem:$0x3FB1] =	sst s0  }
0x18: {  	s0 =	sld [smem:$0x3F94];
	_ =	swait.ge [sflag:s4], $0x0  }
0x19: {  	s7 =	sld [smem:$0x3F95]  }
0x1a: {  	s8 =	sadd.s32 $0xFFFFE003, lr  }
0x1b: {  	s9 =	sadd.s32 $0xFFFFFEF7, lr;
	s5 =	simm.s32 $0xFFFFFFFF;
	p2 =	slt.u32 s8, $0xFFFFF086  }
0x1c: {  	p1 =	slt.u32 s9, $0xF7A;
	s5 =	simm.s32 @!p2 $0x0  }
0x1d: {  	s5 =	simm.s32 @p1 $0x1;
	p0 =	seq.s32 s7, s2  }
0x1e: {  	s7 =	smul.u32 @!p0 $0xF7A, s2;
	p2 =	seq.s32 @!p0 s5, $0x0  }
0x1f: {  	s9 =	smul.u32 $0xF7A, s1;
	s8 =	simm.s32 @!p0 $0x1BF5;
	p2 =	por !p2, p0  }
0x20: {  	[sflag:s8] =	ssyncset.s32 @!p0 $0xFFFFF086;
	s6 =	sadd.s32 @!p0 s3, s7;
	s7 =	simm.s32 @!p0 $0x108  }
0x21: {  	s3 =	sadd.s32 s3, s9;
	s6 =	sadd.s32 @!p0 $0x88, s6;
	s7 =	simm.s32 @p2 $0x1082  }
0x22: {  	[simem:s7], [sflag:s8] =	dma.local @!p0 [hbm:s6], $0xF7A  }
0x23: {  	s9 =	sor.u32 $0xD0000000, s2;
	s6 =	simm.s32 $0x108;
	_ =	swait.ge @!p0 [sflag:s8], $0x0  }
0x24: {  	s3 =	sadd.s32 $0x88, s3;
	s6 =	simm.s32 @!p1 $0x1082;
	[sflag:s4] =	ssyncset.s32 $0xFFFFF086  }
0x25: {  	[simem:s6], [sflag:s4] =	dma.local [hbm:s3], $0xF7A  }
0x26: {  	[smem:$0x3F95] =	sst s1;
	(tag) =	ssettag s2;
	_ =	strace s9  }
0x27: {  	s1 =	sld [smem:$0x3FA5]  }
0x28: {  	s2 =	sld [smem:$0x3FA6]  }
0x29: {  	s4 =	sld [smem:$0x3FA8]  }
0x2a: {  	p0 =	seq.s32 s5, $0x0;
	s5 =	sld [smem:$0x3FA9]  }
0x2b: {  	s6 =	sld [smem:$0x3FAA]  }
0x2c: {  	s7 =	sld [smem:$0x3FAB]  }
0x2d: {  	s3 =	simm.s32 $0x108;
	s8 =	sld [smem:$0x3FAC]  }
0x2e: {  	s3 =	simm.s32 @!p0 $0x1082;
	s9 =	sld [smem:$0x3FAD]  }
0x2f: {  	lr =	sadd.s32 s0, s3;
	s0 =	sld [smem:$0x3FA4]  }
0x30: {  	s3 =	sld [smem:$0x3FA7]  }
0x31: {  	[smem:$0x3FB0] =	sst s10  }
0x32: {  	s10 =	sld [smem:$0x3FAE];
	_ =	sdelay $0x3  }
0x33: {  	p0 =	seq.s32 s10, $0x1;
	s10 =	sld [smem:$0x3FB0];
	_ =	sdelay $0x3  }
0x34: {  	[smem:$0x3FB0] =	sst s10  }
0x35: {  	s10 =	sld [smem:$0x3FAF];
	_ =	sdelay $0x3  }
0x36: {  	p1 =	seq.s32 s10, $0x1;
	s10 =	sld [smem:$0x3FB0];
	_ =	sdelay $0x3  }
0x37: {  	[smem:$0x3FB0] =	sst s10  }
0x38: {  	s10 =	sld [smem:$0x3FB1]  }
0x39: {  	_ = 	snop;
	(pc) =	sbr.ind lr, $3  }
0x3a: {  	_ = 	snop  }
0x3b: {  	_ = 	snop  }
0x3c: {  	p2 =	seq.s32 s10, $0x1;
	s10 =	sld [smem:$0x3FB0]  }
0x3d: {  	_ =	shalt  }
0x3e: {  	_ =	shalt  }
0x3f: {  	_ =	shalt  }
0x40: {  	_ =	shalt  }
0x41: {  	_ =	shalt  }
0x42: {  	_ =	shalt  }
0x43: {  	_ =	shalt  }
0x44: {  	_ =	shalt  }
0x45: {  	_ =	shalt  }
0x46: {  	_ =	shalt  }
0x47: {  	_ =	shalt  }
0x48: {  	_ =	shalt  }
0x49: {  	_ =	shalt  }
0x4a: {  	_ =	shalt  }
0x4b: {  	_ =	shalt  }
0x4c: {  	_ =	shalt  }
0x4d: {  	_ =	shalt  }
0x4e: {  	_ =	shalt  }
0x4f: {  	_ =	shalt  }
0x50: {  	_ =	shalt  }
0x51: {  	_ =	shalt  }
0x52: {  	_ =	shalt  }
0x53: {  	_ =	shalt  }
0x54: {  	_ =	shalt  }
0x55: {  	_ =	shalt  }
0x56: {  	_ =	shalt  }
0x57: {  	_ =	shalt  }
0x58: {  	_ =	shalt  }
0x59: {  	_ =	shalt  }
0x5a: {  	_ =	shalt  }
0x5b: {  	_ =	shalt  }
0x5c: {  	_ =	shalt  }
0x5d: {  	_ =	shalt  }
0x5e: {  	_ =	shalt  }
0x5f: {  	_ =	shalt  }
0x60: {  	_ =	shalt  }
0x61: {  	_ =	shalt  }
0x62: {  	_ =	shalt  }
0x63: {  	_ =	shalt  }
0x64: {  	_ =	shalt  }
0x65: {  	_ =	shalt  }
0x66: {  	_ =	shalt  }
0x67: {  	_ =	shalt  }
0x68: {  	_ =	shalt  }
0x69: {  	_ =	shalt  }
0x6a: {  	_ =	shalt  }
0x6b: {  	_ =	shalt  }
0x6c: {  	_ =	shalt  }
0x6d: {  	_ =	shalt  }
0x6e: {  	_ =	shalt  }
0x6f: {  	_ =	shalt  }
0x70: {  	_ =	shalt  }
0x71: {  	_ =	shalt  }
0x72: {  	_ =	shalt  }
0x73: {  	_ =	shalt  }
0x74: {  	_ =	shalt  }
0x75: {  	_ =	shalt  }
0x76: {  	_ =	shalt  }
0x77: {  	_ =	shalt  }
0x78: {  	_ =	shalt  }
0x79: {  	_ =	shalt  }
0x7a: {  	_ =	shalt  }
0x7b: {  	_ =	shalt  }
0x7c: {  	_ =	shalt  }
0x7d: {  	_ =	shalt  }
0x7e: {  	_ =	shalt  }
0x7f: {  	_ =	shalt  }
0x80: {  	_ =	shalt  }
0x81: {  	_ =	shalt  }
0x82: {  	_ =	shalt  }
0x83: {  	_ =	shalt  }
0x84: {  	_ =	shalt  }
0x85: {  	_ =	shalt  }
0x86: {  	_ =	shalt  }
0x87: {  	_ =	shalt  }
.Lfunc_end0:
.L_simem_size_0:
called_computation.2_lowered:
.L_overlay_start_0:
0x88: {  	s2 =	sld [smem:$0x3FD9]  }
0x89: {  	s3 =	sld [smem:$0x3FFE];
	_ =	sdelay $0x1  }
0x8a: {  	s1 =	srdreg.scid  }
0x8b: {  	s0 =	sand.u32 $0x1, s1  }
0x8c: {  	s17 =	sshll.u32 s0, $0xA;
	s2 =	sadd.s32 s3, s2  }
0x8d: {  	s2 =	sadd.s32 s2, s17  }
0x8e: {  	[smem:$0x3FBC] =	sst s2  }
0x8f: {  	_ = 	snop  }
0x90: {  	s2 =	sld [smem:$0x3FD0];
	(tm) =	ssettm $0x1  }
0x91: {  	s18 =	sld [smem:$0x3FFB];
	_ =	sdelay $0x3  }
0x92: {  	_ =	strace s18  }
0x93: {  	s3 =	sld [smem:$0x3FFC];
	_ =	sdelay $0x3  }
0x94: {  	_ =	strace s3  }
0x95: {  	s3 =	sld [smem:$0x3FFD];
	_ =	sdelay $0x3  }
0x96: {  	_ =	strace s3  }
0x97: {  	_ =	strace $0x8FFFFFFF  }
0x98: {  	s19 =	sld [smem:$0x3FDB];
	_ =	sdelay $0x1  }
0x99: {  	s4 =	simm.s32 $_scs_section_size  }
0x9a: {  	s5 =	simm.s32 $_size__tile_overlayer_lowered;
	s6 =	simm.s32 $_tile_overlayer_lowered  }
0x9b: {  	s22 =	simm.s32 $0x1BFF;
	s21 =	sshll.u32 s6, $0x1;
	s3 =	sadd.s32 s4, s19  }
0x9c: {  	s7 =	simm.s32 $0x0;
	s20 =	sshll.u32 s5, $0x1;
	s5 =	sadd.s32 s21, s3  }
0x9d: {  	[timem:s7], [sflag:s22] =	dma.local [hbm:s5], s20  }
0x9e: {  	_ =	swait.ge [sflag:s22], s20  }
0x9f: {  	s4 =	ssub.s32 $0x0, s20;
	[sflag:s22] =	ssyncset.done $0x0  }
0xa0: {  	[sflag:s22] =	ssyncadd.s32 s4;
	_ =	sdelay $0x1  }
0xa1: {  	s23 =	simm.s32 $0x1B8B  }
0xa2: {  	_ =	swait.ge [sflag:s23], $0x1  }
0xa3: {  	[sflag:s23] =	ssyncset.done $0x0  }
0xa4: {  	s25 =	simm.s32 $0x1B8E;
	s24 =	sld [smem:$0x3FFE];
	[sflag:s23] =	ssyncadd.s32 $0xFFFFFFFF  }
0xa5: {  	s26 =	simm.s32 $execute0_lowered;
	[smem:$0x3FD2] =	sst s25  }
0xa6: {  	s5 =	sshll.u32 s26, $0x1;
	_ =	strace $0x8000004C;
	[dreg:$0x1] =	wrdreg $0xFFFFFFFF  }
0xa7: {  	s28 =	simm.s32 $_size_execute0_lowered;
	s3 =	sadd.s32 s3, s5;
	[dreg:$0x0] =	wrdreg $0x0  }
0xa8: {  	s5 =	sshll.u32 s28, $0x1;
	[dreg:$0x2] =	wrdreg s3  }
0xa9: {  	[dreg:$0x3] =	wrdreg s5  }
0xaa: {  	[dreg:$0x4] =	wrdreg $0xC0  }
0xab: {  	_ =	task [dreg:s7], $0x5FFFF  }
0xac: {  	[dreg:$0x1] =	wrdreg $0xFFFFFFFF  }
0xad: {  	[dreg:$0x0] =	wrdreg $0x60  }
0xae: {  	[dreg:$0x2] =	wrdreg s2  }
0xaf: {  	[dreg:$0x3] =	wrdreg s24  }
0xb0: {  	[dreg:$0x4] =	wrdreg $0xC3000  }
0xb1: {  	[dreg:$0x5] =	wrdreg $0x9  }
0xb2: {  	_ =	task.clear_ibuf [dreg:s7], $0x6FFFF;
	_ =	strace $0x9000004C  }
0xb3: {  	s29 =	simm.s32 $0x9;
	_ =	strace $0x8000004E  }
0xb4: {  	_ =	swait.ge [sflag:s29], $0x1  }
0xb5: {  	[sflag:s29] =	ssyncadd.s32 $0xFFFFFFFF  }
0xb6: {  	_ =	strace $0x9000004E  }
0xb7: {  	_ =	sfence  }
0xb8: {  	s30 =	sld [smem:$0x0];
	_ =	sdelay $0x2  }
0xb9: {  	s31 =	sshll.u32 s1, $0xD;
	s1 =	sshrl.u32 s1, $0x2  }
0xba: {  	s3 =	sand.u32 $0x4000, s31;
	s1 =	sadd.s32 s1, s30  }
0xbb: {  	s0 =	sor.u32 s3, s0;
	s1 =	sshll.u32 s1, $0x11  }
0xbc: {  	s0 =	sor.u32 s1, s0  }
0xbd: {  	s0 =	sadd.s32 $0x8F2B, s0  }
0xbe: {  	[sflag:s0] =	ssyncadd.remote.s32 $0x1  }
0xbf: {  	_ =	sfence.sel $0xFFFF  }
0xc0: {  	[dreg:$0x0] =	wrdreg $0xFFFFFFFF;
	(pc) =	sbr.abs _section_cstart, $3  }
0xc1: {  	[dreg:$0x1] =	wrdreg $0xFFFFFFFF  }
0xc2: {  	_ =	task.clear_ibuf [dreg:s7], $0x2FFFF;
	_ =	strace $0x9FFFFFFF  }
0xc3: {  	(tm) =	ssettm $0x7FFFFFFF  }
tec
execute0_lowered:
.L_overlay_start_1:
0x0: {  	(tag) =	ssettag $0x1  }
0x1: {  	s0 =	rddreg [dreg:$0x0]  }
0x2: {  	s2 =	rddreg [dreg:$0x1]  }
0x3: {  	s1 =	srdreg.scid;
	s3 =	rddreg [dreg:$0x2]  }
0x4: {  	s10 =	stileid.u32;
	s4 =	simm.s32 $0x0;
	s15 =	simm.s32 $0x180  }
0x5: {  	s17 =	simm.s32 $0x80;
	s19 =	simm.s32 $0x200;
	s28 =	simm.s32 $0x2  }
0x6: {  	s29 =	simm.s32 $0x4300;
	s30 =	simm.s32 $0x3;
	s31 =	simm.s32 $0x8300  }
0x7: {  	s11 =	simm.s32 $0x9;
	s16 =	simm.s32 $0x6;
	s18 =	simm.s32 $0x0  }
0x8: {  	s1 =	sand.u32 $0x1, s1;
	[smem:$0x7FF] =	sst s4;
	s6 =	smul.u32 $0x4E000, s10  }
0x9: {  	s9 =	smul.u32 $0x2700, s10;
	s22 =	sadd.s32 $0x24900, s0;
	p0 =	seq.s32 s10, $0xF  }
0xa: {  	s5 =	sshll.u32 s1, $0x4;
	_ =	strace $0x8000004D;
	s7 =	smul.u32 $0x27100, s1  }
0xb: {  	s1 =	ssub.s32 $0x2, s1;
	[dreg:$0x6] =	wrdreg s22;
	s5 =	sor.u32 s10, s5  }
0xc: {  	s8 =	sshrl.u32 s1, $0x1;
	s6 =	sshrl.u32 s6, $0x2;
	[dreg:$0x4] =	wrdreg s9  }
0xd: {  	s21 =	sadd.s32 s0, s9;
	s5 =	smul.u32 $0x500, s5;
	s1 =	ssub.s32 s1, s8  }
0xe: {  	s6 =	sadd.s32 s6, s3;
	[dreg:$0x5] =	wrdreg s21;
	s21 =	simm.s32 $0x100  }
0xf: {  	s1 =	smax.u32 s1, $0x1;
	s14 =	sshrl.u32 @!p0 s6, $0x3;
	s6 =	simm.s32 $0xA  }
0x10: {  	s5 =	sadd.s32 s5, s2;
	s2 =	sadd.s32 s7, s2;
	[dreg:$0x8] =	wrdreg s1  }
0x11: {  	s7 =	sadd.s32 $0x124800, s3;
	s1 =	sshll.u32 @!p0 s10, $0x6;
	[dreg:$0xa] =	wrdreg s14  }
0x12: {  	s8 =	sadd.s32 $0xD800, s5;
	s9 =	sadd.s32 $0x3800, s5;
	s2 =	sadd.s32 $0x17800, s2  }
0x13: {  	s22 =	sshrl.u32 @p0 s7, $0x3;
	s20 =	sor.u32 @!p0 $0x1C0A, s1;
	[dreg:$0x7] =	wrdreg s2  }
0x14: {  	s1 =	simm.s32 $0x7;
	s23 =	sadd.s32 $0x10, s8;
	[dreg:$0x9] =	wrdreg s20  }
.Ltmp0:
0x15: {  	s24 =	sadd.s32 $0x10, s9;
	[dreg:$0xb] =	wrdreg s23;
	(pc) =	sbr.rel .LBB2_1-.Ltmp0, $4  }
0x16: {  	s7 =	simm.s32 $0x8;
	s25 =	sadd.s32 $0x20, s8;
	[dreg:$0xc] =	wrdreg s24  }
0x17: {  	s5 =	simm.s32 $0x5;
	s26 =	sadd.s32 $0x20, s9;
	[dreg:$0xd] =	wrdreg s25  }
0x18: {  	s2 =	simm.s32 $0x4;
	[dreg:$0xe] =	wrdreg s26;
	s23 =	simm.s32 $0x280  }
0x19: {  	s24 =	simm.s32 $0x1;
	s25 =	simm.s32 $0x7D;
	s26 =	simm.s32 $0x300  }
.LBB2_4:
0x1a: {  	_ =	swait.ge [sflag:s16], $0x80  }
0x1b: {  	[sflag:s16] =	ssyncset.done $0x0  }
0x1c: {  	[sflag:s16] =	ssyncadd.s32 $0xFFFFFF80  }
0x1d: {  	[spmem:s3] =	stream.indirect.scatter.add.f32 [tilespmem:s31], [sflag:$0xA], $0x80, s23, s25, $0xb8;
	[tilespmem:$0x1FB80] =	vst v63  }
0x1e: {  	_ =	swait.ge [sflag:s6], $0x3E80  }
0x1f: {  	[sflag:s6] =	ssyncset.done $0x0  }
0x20: {  	[sflag:s6] =	ssyncadd.s32 $0xFFFFC180  }
0x21: {  	_ =	swait.ge [sflag:s1], $0x3E80  }
0x22: {  	[sflag:s1] =	ssyncset.done $0x0  }
0x23: {  	[sflag:s1] =	ssyncadd.s32 $0xFFFFC180  }
0x24: {  	_ =	swait.ge [sflag:s2], $0x80  }
0x25: {  	[sflag:s2] =	ssyncset.done $0x0  }
0x26: {  	[sflag:s2] =	ssyncadd.s32 $0xFFFFFF80  }
0x27: {  	[spmem:s3] =	stream.indirect.scatter.add.f32 [tilespmem:s26], [sflag:$0xA], $0x80, s15, s25, $0xb8;
	[tilespmem:$0x1FB80] =	vst v63  }
0x28: {  	_ =	swait.ge [sflag:s6], $0x3E80  }
0x29: {  	[sflag:s6] =	ssyncset.done $0x0  }
0x2a: {  	[sflag:s6] =	ssyncadd.s32 $0xFFFFC180  }
0x2b: {  	_ =	swait.ge [sflag:s7], $0x3E80  }
0x2c: {  	[sflag:s7] =	ssyncset.done $0x0  }
0x2d: {  	[sflag:s7] =	ssyncadd.s32 $0xFFFFC180  }
0x2e: {  	_ =	swait.ge [sflag:s5], $0x80  }
0x2f: {  	[sflag:s5] =	ssyncset.done $0x0  }
0x30: {  	[sflag:s5] =	ssyncadd.s32 $0xFFFFFF80  }
0x31: {  	[spmem:s3] =	stream.indirect.scatter.add.f32 [tilespmem:s29], [sflag:$0xA], $0x80, s19, s25, $0xb8;
	[tilespmem:$0x1FB80] =	vst v63  }
0x32: {  	_ =	swait.ge [sflag:s6], $0x3E80  }
0x33: {  	[sflag:s6] =	ssyncset.done $0x0  }
0x34: {  	[sflag:s6] =	ssyncadd.s32 $0xFFFFC180  }
0x35: {  	[bflag:$0x0] =	sbarrier.arrive $0xFFFF  }
0x36: {  	s20 =	rddreg [dreg:$0x7]  }
0x37: {  	s12 =	simm.s32 @p0 $0x1FCA;
	s10 =	sadd.s32 @p0 $0x24900, s20  }
0x38: {  	[hbm:s10], [sflag:s12] =	dma.local @p0 [spmem:s13], $0x2800  }
0x39: {  	s10 =	simm.s32 @p0 $0xA  }
0x3a: {  	_ =	swait.ge @p0 [sflag:s10], $0x2800  }
0x3b: {  	[sflag:s10] =	ssyncset.done @p0 $0x0;
	s14 =	rddreg [dreg:$0xa]  }
0x3c: {  	[sflag:s10] =	ssyncadd.s32 @p0 $0xFFFFD800;
	s10 =	rddreg [dreg:$0x4]  }
0x3d: {  	s10 =	sadd.s32 @!p0 s10, s20;
	s20 =	rddreg [dreg:$0x9]  }
0x3e: {  	[hbm:s10], [sflag:s20] =	dma.local @!p0 [spmem:s14], $0x2700  }
0x3f: {  	s10 =	simm.s32 @!p0 $0xA  }
0x40: {  	_ =	swait.ge @!p0 [sflag:s10], $0x2700  }
0x41: {  	s22 =	smov.u32 s13;
	s18 =	sadd.s32 $0x1, s18;
	s13 =	rddreg [dreg:$0x8]  }
0x42: {  	p1 =	sne.s32 s18, s13  }
.Ltmp1:
0x43: {  	_ = 	snop;
	(pc) =	sbr.rel @!p1 .LBB2_5-.Ltmp1, $3  }
0x44: {  	_ =	sdelay $0x1  }
0x45: {  	[sflag:s10] =	ssyncset.done @!p0 $0x0  }
0x46: {  	[sflag:s10] =	ssyncadd.s32 @!p0 $0xFFFFD900  }
.LBB2_1:
0x47: {  	s10 =	simm.s32 @p0 $0x1FCA;
	s12 =	rddreg [dreg:$0x6]  }
0x48: {  	[spmem:s22], [sflag:s10] =	dma.local @p0 [hbm:s12], $0x2800  }
0x49: {  	s10 =	simm.s32 @p0 $0xA  }
0x4a: {  	_ =	swait.ge @p0 [sflag:s10], $0x2800  }
0x4b: {  	[sflag:s10] =	ssyncset.done @p0 $0x0  }
0x4c: {  	[sflag:s10] =	ssyncadd.s32 @p0 $0xFFFFD800;
	s10 =	rddreg [dreg:$0x5]  }
0x4d: {  	[spmem:s14], [sflag:s20] =	dma.local @!p0 [hbm:s10], $0x2700  }
0x4e: {  	s10 =	simm.s32 @!p0 $0xA  }
0x4f: {  	_ =	swait.ge @!p0 [sflag:s10], $0x2700  }
0x50: {  	[sflag:s10] =	ssyncset.done @!p0 $0x0  }
0x51: {  	[sflag:s10] =	ssyncadd.s32 @!p0 $0xFFFFD900  }
0x52: {  	[bflag:$0x0] =	sbarrier.arrive $0xFFFF  }
0x53: {  	[tilespmem:s4], [sflag:$0x1] =	stream.linear.gather [hbm4b:s8+s4], $0x80, $0x38;
	[tilespmem:$0x1FB80] =	vst v63  }
0x54: {  	_ = 	snop  }
0x55: {  	[tilespmem:s15], [sflag:$0x4] =	stream.linear.gather [hbm4b:s9+s4], $0x80, $0x38;
	[tilespmem:$0x1FB80] =	vst v63  }
0x56: {  	s12 =	rddreg [dreg:$0xb]  }
0x57: {  	[tilespmem:s17], [sflag:$0x2] =	stream.linear.gather [hbm4b:s12+s4], $0x80, $0x38;
	[tilespmem:$0x1FB80] =	vst v63  }
0x58: {  	s14 =	rddreg [dreg:$0xc]  }
0x59: {  	[tilespmem:s19], [sflag:$0x5] =	stream.linear.gather [hbm4b:s14+s4], $0x80, $0x38;
	[tilespmem:$0x1FB80] =	vst v63  }
0x5a: {  	s20 =	rddreg [dreg:$0xd]  }
0x5b: {  	[tilespmem:s21], [sflag:$0x3] =	stream.linear.gather [hbm4b:s20+s4], $0x80, $0x38;
	[tilespmem:$0x1FB80] =	vst v63  }
0x5c: {  	s13 =	smov.u32 s22;
	s22 =	rddreg [dreg:$0xe]  }
0x5d: {  	[tilespmem:s23], [sflag:$0x6] =	stream.linear.gather [hbm4b:s22+s4], $0x80, $0x38;
	[tilespmem:$0x1FB80] =	vst v63  }
0x5e: {  	_ =	swait.ge [sflag:s24], $0x80  }
0x5f: {  	[sflag:s24] =	ssyncset.done $0x0  }
0x60: {  	[sflag:s24] =	ssyncadd.s32 $0xFFFFFF80  }
0x61: {  	[tilespmem:s26], [sflag:$0x7] =	stream.indirect.gather [hbm4b:s0+s25], $0x80, s4, s25, $0xb8;
	[tilespmem:$0x1FB80] =	vst v63  }
0x62: {  	_ =	swait.ge [sflag:s28], $0x80  }
0x63: {  	[sflag:s28] =	ssyncset.done $0x0  }
0x64: {  	[sflag:s28] =	ssyncadd.s32 $0xFFFFFF80  }
0x65: {  	[tilespmem:s29], [sflag:$0x8] =	stream.indirect.gather [hbm4b:s0+s25], $0x80, s17, s25, $0xb8;
	[tilespmem:$0x1FB80] =	vst v63  }
0x66: {  	_ =	swait.ge [sflag:s30], $0x80  }
0x67: {  	[sflag:s30] =	ssyncset.done $0x0  }
0x68: {  	s20 =	simm.s32 $0x0;
	[sflag:s30] =	ssyncadd.s32 $0xFFFFFF80  }
0x69: {  	[tilespmem:s31], [sflag:$0x9] =	stream.indirect.gather [hbm4b:s0+s25], $0x80, s21, s25, $0xb8;
	[tilespmem:$0x1FB80] =	vst v63  }
.LBB2_2:
0x6a: {  	_ =	swait.ge [sflag:s1], $0x3E80  }
0x6b: {  	s22 =	sadd.s32 s20, s8;
	[sflag:s1] =	ssyncset.done $0x0  }
0x6c: {  	s10 =	sadd.s32 $0x30, s22;
	[sflag:s1] =	ssyncadd.s32 $0xFFFFC180  }
0x6d: {  	[tilespmem:s4], [sflag:$0x1] =	stream.linear.gather [hbm4b:s10+s4], $0x80, $0x38;
	[tilespmem:$0x1FB80] =	vst v63  }
0x6e: {  	_ =	swait.ge [sflag:s2], $0x80  }
0x6f: {  	[sflag:s2] =	ssyncset.done $0x0  }
0x70: {  	[sflag:s2] =	ssyncadd.s32 $0xFFFFFF80  }
0x71: {  	[spmem:s3] =	stream.indirect.scatter.add.f32 [tilespmem:s26], [sflag:$0xA], $0x80, s15, s25, $0xb8;
	[tilespmem:$0x1FB80] =	vst v63  }
0x72: {  	_ =	swait.ge [sflag:s6], $0x3E80  }
0x73: {  	s10 =	sadd.s32 s20, s9;
	[sflag:s6] =	ssyncset.done $0x0  }
0x74: {  	s12 =	sadd.s32 $0x30, s10;
	[sflag:s6] =	ssyncadd.s32 $0xFFFFC180  }
0x75: {  	[tilespmem:s15], [sflag:$0x4] =	stream.linear.gather [hbm4b:s12+s4], $0x80, $0x38;
	[tilespmem:$0x1FB80] =	vst v63  }
0x76: {  	_ =	swait.ge [sflag:s24], $0x80  }
0x77: {  	[sflag:s24] =	ssyncset.done $0x0  }
0x78: {  	[sflag:s24] =	ssyncadd.s32 $0xFFFFFF80  }
0x79: {  	[tilespmem:s26], [sflag:$0x7] =	stream.indirect.gather [hbm4b:s0+s25], $0x80, s4, s25, $0xb8;
	[tilespmem:$0x1FB80] =	vst v63  }
0x7a: {  	_ =	swait.ge [sflag:s7], $0x3E80  }
0x7b: {  	[sflag:s7] =	ssyncset.done $0x0  }
0x7c: {  	s14 =	sadd.s32 $0x40, s22;
	[sflag:s7] =	ssyncadd.s32 $0xFFFFC180  }
0x7d: {  	[tilespmem:s17], [sflag:$0x2] =	stream.linear.gather [hbm4b:s14+s4], $0x80, $0x38;
	[tilespmem:$0x1FB80] =	vst v63  }
0x7e: {  	_ =	swait.ge [sflag:s5], $0x80  }
0x7f: {  	[sflag:s5] =	ssyncset.done $0x0  }
0x80: {  	[sflag:s5] =	ssyncadd.s32 $0xFFFFFF80  }
0x81: {  	[spmem:s3] =	stream.indirect.scatter.add.f32 [tilespmem:s29], [sflag:$0xA], $0x80, s19, s25, $0xb8;
	[tilespmem:$0x1FB80] =	vst v63  }
0x82: {  	_ =	swait.ge [sflag:s6], $0x3E80  }
0x83: {  	[sflag:s6] =	ssyncset.done $0x0  }
0x84: {  	s14 =	sadd.s32 $0x40, s10;
	[sflag:s6] =	ssyncadd.s32 $0xFFFFC180  }
0x85: {  	[tilespmem:s19], [sflag:$0x5] =	stream.linear.gather [hbm4b:s14+s4], $0x80, $0x38;
	[tilespmem:$0x1FB80] =	vst v63  }
0x86: {  	_ =	swait.ge [sflag:s28], $0x80  }
0x87: {  	p1 =	seq.s32 s20, $0x4B0;
	[sflag:s28] =	ssyncset.done $0x0  }
.Ltmp2:
0x88: {  	[sflag:s28] =	ssyncadd.s32 $0xFFFFFF80;
	(pc) =	sbr.rel @p1 .LBB2_4-.Ltmp2, $4  }
0x89: {  	[tilespmem:s29], [sflag:$0x8] =	stream.indirect.gather [hbm4b:s0+s25], $0x80, s17, s25, $0xb8;
	[tilespmem:$0x1FB80] =	vst v63  }
0x8a: {  	_ =	swait.ge [sflag:s11], $0x3E80  }
0x8b: {  	[sflag:s11] =	ssyncset.done $0x0  }
0x8c: {  	[sflag:s11] =	ssyncadd.s32 $0xFFFFC180  }
0x8d: {  	s12 =	sadd.s32 $0x50, s22  }
0x8e: {  	[tilespmem:s21], [sflag:$0x3] =	stream.linear.gather [hbm4b:s12+s4], $0x80, $0x38;
	[tilespmem:$0x1FB80] =	vst v63  }
0x8f: {  	_ =	swait.ge [sflag:s16], $0x80  }
0x90: {  	[sflag:s16] =	ssyncset.done $0x0  }
0x91: {  	[sflag:s16] =	ssyncadd.s32 $0xFFFFFF80  }
0x92: {  	[spmem:s3] =	stream.indirect.scatter.add.f32 [tilespmem:s31], [sflag:$0xA], $0x80, s23, s25, $0xb8;
	[tilespmem:$0x1FB80] =	vst v63  }
0x93: {  	_ =	swait.ge [sflag:s6], $0x3E80  }
0x94: {  	[sflag:s6] =	ssyncset.done $0x0  }
0x95: {  	s10 =	sadd.s32 $0x50, s10;
	[sflag:s6] =	ssyncadd.s32 $0xFFFFC180  }
0x96: {  	[tilespmem:s23], [sflag:$0x6] =	stream.linear.gather [hbm4b:s10+s4], $0x80, $0x38;
	[tilespmem:$0x1FB80] =	vst v63  }
.Ltmp3:
0x97: {  	_ = 	snop;
	(pc) =	sbr.rel .LBB2_2-.Ltmp3, $4  }
0x98: {  	_ =	swait.ge [sflag:s30], $0x80  }
0x99: {  	[sflag:s30] =	ssyncset.done $0x0  }
0x9a: {  	s20 =	sadd.s32 $0x30, s20;
	[sflag:s30] =	ssyncadd.s32 $0xFFFFFF80  }
0x9b: {  	[tilespmem:s31], [sflag:$0x9] =	stream.indirect.gather [hbm4b:s0+s25], $0x80, s21, s25, $0xb8;
	[tilespmem:$0x1FB80] =	vst v63  }
.LBB2_5:
0x9c: {  	_ =	sfence.sel $0x180000  }
0x9d: {  	[bflag:$0x0] =	sbarrier.arrive $0xFFFF  }
0x9e: {  	_ =	strace $0x9000004D  }
0x9f: {  	s0 =	stileid.u32;
	[bflag:$0x2] =	sbarrier.arrive $0xFFFF  }
0xa0: {  	p0 =	sne.s32 s0, $0x0;
	s0 =	rddreg [dreg:$0x3]  }
0xa1: {  	s0 =	sadd.s32 @!p0 $0x100000, s0  }
0xa2: {  	[sflag:s0] =	ssyncadd.tile.s32 @!p0 $0x1;
	_ =	shalt  }
.Lfunc_end2:
_tile_overlayer_lowered:
.L_overlay_start_2:
0xa3: {  	(tag) =	ssettag $0x2  }
0xa4: {  	s0 =	rddreg [dreg:$0x0];
	s2 =	stileid.u32  }
0xa5: {  	s1 =	rddreg [dreg:$0x1];
	p0 =	sne.s32 s2, $0x0  }
0xa6: {  	s3 =	rddreg [dreg:$0x2];
	[bflag:$0x3] =	sbarrier.arrive $0xFFFF;
	s2 =	simm.s32 @!p0 $0x1C0A  }
0xa7: {  	[timem:s3], [sflag:s2] =	dma.local @!p0 [hbm:s0], s1  }
0xa8: {  	s0 =	simm.s32 @!p0 $0xA  }
0xa9: {  	_ =	swait.ge @!p0 [sflag:s0], s1  }
0xaa: {  	s1 =	ssub.s32 @!p0 $0x0, s1;
	[sflag:s0] =	ssyncset.done @!p0 $0x0  }
0xab: {  	[sflag:s0] =	ssyncadd.s32 @!p0 s1  }
0xac: {  	[bflag:$0x3] =	sbarrier.arrive $0xFFFF  }
0xad: {  	_ =	shalt  }

// kernel: kernel.9.cloned.1.call-start
scs
__scs_entry_jumppad:
0x0: {  	(pc) =	sbr.rel $0x88, $3  }
0x1: {  	(tag) =	ssettag $0x0;
	lr =	simm.s32 $0x1  }
0x2: {  	[smem:$0x3F95] =	sst lr;
	_ =	strace $0xD0000000  }
0x3: {  	_ = 	snop  }
0x4: {  	_ = 	snop  }
0x5: {  	_ = 	snop  }
0x6: {  	_ = 	snop  }
0x7: {  	_ = 	snop  }
__scs_overlays_trampoline_lowered:
0x8: {  	[smem:$0x3FA4] =	sst s0  }
0x9: {  	[smem:$0x3FA5] =	sst s1  }
0xa: {  	[smem:$0x3FA6] =	sst s2  }
0xb: {  	[smem:$0x3FA7] =	sst s3  }
0xc: {  	[smem:$0x3FA8] =	sst s4  }
0xd: {  	[smem:$0x3FA9] =	sst s5  }
0xe: {  	[smem:$0x3FAA] =	sst s6  }
0xf: {  	[smem:$0x3FAB] =	sst s7  }
0x10: {  	[smem:$0x3FAC] =	sst s8  }
0x11: {  	[smem:$0x3FAD] =	sst s9;
	s0 =	simm.s32 @!p0 $0x0  }
0x12: {  	s1 =	sld [smem:$0x3F93];
	s0 =	simm.s32 @p0 $0x1  }
0x13: {  	[smem:$0x3FAE] =	sst s0;
	s0 =	simm.s32 @!p1 $0x0  }
0x14: {  	s2 =	sld [smem:$0x3F92];
	s0 =	simm.s32 @p1 $0x1  }
0x15: {  	[smem:$0x3FAF] =	sst s0;
	s0 =	simm.s32 @!p2 $0x0  }
0x16: {  	s3 =	sld [smem:$0x3FDB];
	s0 =	simm.s32 @p2 $0x1  }
0x17: {  	s4 =	simm.s32 $0x1BF5;
	[smem:$0x3FB1] =	sst s0  }
0x18: {  	s0 =	sld [smem:$0x3F94];
	_ =	swait.ge [sflag:s4], $0x0  }
0x19: {  	s7 =	sld [smem:$0x3F95]  }
0x1a: {  	s8 =	sadd.s32 $0xFFFFE003, lr  }
0x1b: {  	s9 =	sadd.s32 $0xFFFFFEF7, lr;
	s5 =	simm.s32 $0xFFFFFFFF;
	p2 =	slt.u32 s8, $0xFFFFF086  }
0x1c: {  	p1 =	slt.u32 s9, $0xF7A;
	s5 =	simm.s32 @!p2 $0x0  }
0x1d: {  	s5 =	simm.s32 @p1 $0x1;
	p0 =	seq.s32 s7, s2  }
0x1e: {  	s7 =	smul.u32 @!p0 $0xF7A, s2;
	p2 =	seq.s32 @!p0 s5, $0x0  }
0x1f: {  	s9 =	smul.u32 $0xF7A, s1;
	s8 =	simm.s32 @!p0 $0x1BF5;
	p2 =	por !p2, p0  }
0x20: {  	[sflag:s8] =	ssyncset.s32 @!p0 $0xFFFFF086;
	s6 =	sadd.s32 @!p0 s3, s7;
	s7 =	simm.s32 @!p0 $0x108  }
0x21: {  	s3 =	sadd.s32 s3, s9;
	s6 =	sadd.s32 @!p0 $0x88, s6;
	s7 =	simm.s32 @p2 $0x1082  }
0x22: {  	[simem:s7], [sflag:s8] =	dma.local @!p0 [hbm:s6], $0xF7A  }
0x23: {  	s9 =	sor.u32 $0xD0000000, s2;
	s6 =	simm.s32 $0x108;
	_ =	swait.ge @!p0 [sflag:s8], $0x0  }
0x24: {  	s3 =	sadd.s32 $0x88, s3;
	s6 =	simm.s32 @!p1 $0x1082;
	[sflag:s4] =	ssyncset.s32 $0xFFFFF086  }
0x25: {  	[simem:s6], [sflag:s4] =	dma.local [hbm:s3], $0xF7A  }
0x26: {  	[smem:$0x3F95] =	sst s1;
	(tag) =	ssettag s2;
	_ =	strace s9  }
0x27: {  	s1 =	sld [smem:$0x3FA5]  }
0x28: {  	s2 =	sld [smem:$0x3FA6]  }
0x29: {  	s4 =	sld [smem:$0x3FA8]  }
0x2a: {  	p0 =	seq.s32 s5, $0x0;
	s5 =	sld [smem:$0x3FA9]  }
0x2b: {  	s6 =	sld [smem:$0x3FAA]  }
0x2c: {  	s7 =	sld [smem:$0x3FAB]  }
0x2d: {  	s3 =	simm.s32 $0x108;
	s8 =	sld [smem:$0x3FAC]  }
0x2e: {  	s3 =	simm.s32 @!p0 $0x1082;
	s9 =	sld [smem:$0x3FAD]  }
0x2f: {  	lr =	sadd.s32 s0, s3;
	s0 =	sld [smem:$0x3FA4]  }
0x30: {  	s3 =	sld [smem:$0x3FA7]  }
0x31: {  	[smem:$0x3FB0] =	sst s10  }
0x32: {  	s10 =	sld [smem:$0x3FAE];
	_ =	sdelay $0x3  }
0x33: {  	p0 =	seq.s32 s10, $0x1;
	s10 =	sld [smem:$0x3FB0];
	_ =	sdelay $0x3  }
0x34: {  	[smem:$0x3FB0] =	sst s10  }
0x35: {  	s10 =	sld [smem:$0x3FAF];
	_ =	sdelay $0x3  }
0x36: {  	p1 =	seq.s32 s10, $0x1;
	s10 =	sld [smem:$0x3FB0];
	_ =	sdelay $0x3  }
0x37: {  	[smem:$0x3FB0] =	sst s10  }
0x38: {  	s10 =	sld [smem:$0x3FB1]  }
0x39: {  	_ = 	snop;
	(pc) =	sbr.ind lr, $3  }
0x3a: {  	_ = 	snop  }
0x3b: {  	_ = 	snop  }
0x3c: {  	p2 =	seq.s32 s10, $0x1;
	s10 =	sld [smem:$0x3FB0]  }
0x3d: {  	_ =	shalt  }
0x3e: {  	_ =	shalt  }
0x3f: {  	_ =	shalt  }
0x40: {  	_ =	shalt  }
0x41: {  	_ =	shalt  }
0x42: {  	_ =	shalt  }
0x43: {  	_ =	shalt  }
0x44: {  	_ =	shalt  }
0x45: {  	_ =	shalt  }
0x46: {  	_ =	shalt  }
0x47: {  	_ =	shalt  }
0x48: {  	_ =	shalt  }
0x49: {  	_ =	shalt  }
0x4a: {  	_ =	shalt  }
0x4b: {  	_ =	shalt  }
0x4c: {  	_ =	shalt  }
0x4d: {  	_ =	shalt  }
0x4e: {  	_ =	shalt  }
0x4f: {  	_ =	shalt  }
0x50: {  	_ =	shalt  }
0x51: {  	_ =	shalt  }
0x52: {  	_ =	shalt  }
0x53: {  	_ =	shalt  }
0x54: {  	_ =	shalt  }
0x55: {  	_ =	shalt  }
0x56: {  	_ =	shalt  }
0x57: {  	_ =	shalt  }
0x58: {  	_ =	shalt  }
0x59: {  	_ =	shalt  }
0x5a: {  	_ =	shalt  }
0x5b: {  	_ =	shalt  }
0x5c: {  	_ =	shalt  }
0x5d: {  	_ =	shalt  }
0x5e: {  	_ =	shalt  }
0x5f: {  	_ =	shalt  }
0x60: {  	_ =	shalt  }
0x61: {  	_ =	shalt  }
0x62: {  	_ =	shalt  }
0x63: {  	_ =	shalt  }
0x64: {  	_ =	shalt  }
0x65: {  	_ =	shalt  }
0x66: {  	_ =	shalt  }
0x67: {  	_ =	shalt  }
0x68: {  	_ =	shalt  }
0x69: {  	_ =	shalt  }
0x6a: {  	_ =	shalt  }
0x6b: {  	_ =	shalt  }
0x6c: {  	_ =	shalt  }
0x6d: {  	_ =	shalt  }
0x6e: {  	_ =	shalt  }
0x6f: {  	_ =	shalt  }
0x70: {  	_ =	shalt  }
0x71: {  	_ =	shalt  }
0x72: {  	_ =	shalt  }
0x73: {  	_ =	shalt  }
0x74: {  	_ =	shalt  }
0x75: {  	_ =	shalt  }
0x76: {  	_ =	shalt  }
0x77: {  	_ =	shalt  }
0x78: {  	_ =	shalt  }
0x79: {  	_ =	shalt  }
0x7a: {  	_ =	shalt  }
0x7b: {  	_ =	shalt  }
0x7c: {  	_ =	shalt  }
0x7d: {  	_ =	shalt  }
0x7e: {  	_ =	shalt  }
0x7f: {  	_ =	shalt  }
0x80: {  	_ =	shalt  }
0x81: {  	_ =	shalt  }
0x82: {  	_ =	shalt  }
0x83: {  	_ =	shalt  }
0x84: {  	_ =	shalt  }
0x85: {  	_ =	shalt  }
0x86: {  	_ =	shalt  }
0x87: {  	_ =	shalt  }
.Lfunc_end0:
.L_simem_size_0:
called_computation_lowered:
.L_overlay_start_0:
0x88: {  	s2 =	sld [smem:$0x3FD9]  }
0x89: {  	s3 =	sld [smem:$0x3FFE];
	_ =	sdelay $0x1  }
0x8a: {  	s1 =	srdreg.scid  }
0x8b: {  	s0 =	sand.u32 $0x1, s1  }
0x8c: {  	s17 =	sshll.u32 s0, $0xA;
	s2 =	sadd.s32 s3, s2  }
0x8d: {  	s2 =	sadd.s32 s2, s17  }
0x8e: {  	[smem:$0x3FBC] =	sst s2  }
0x8f: {  	_ = 	snop  }
0x90: {  	s2 =	sld [smem:$0x3FD0];
	(tm) =	ssettm $0x1  }
0x91: {  	s18 =	sld [smem:$0x3FFB];
	_ =	sdelay $0x3  }
0x92: {  	_ =	strace s18  }
0x93: {  	s3 =	sld [smem:$0x3FFC];
	_ =	sdelay $0x3  }
0x94: {  	_ =	strace s3  }
0x95: {  	s3 =	sld [smem:$0x3FFD];
	_ =	sdelay $0x3  }
0x96: {  	_ =	strace s3  }
0x97: {  	_ =	strace $0x8FFFFFFF  }
0x98: {  	s19 =	sld [smem:$0x3FDB];
	_ =	sdelay $0x1  }
0x99: {  	s4 =	simm.s32 $_scs_section_size  }
0x9a: {  	s5 =	simm.s32 $_size__tile_overlayer_lowered;
	s6 =	simm.s32 $_tile_overlayer_lowered  }
0x9b: {  	s22 =	simm.s32 $0x1BFF;
	s21 =	sshll.u32 s6, $0x1;
	s3 =	sadd.s32 s4, s19  }
0x9c: {  	s7 =	simm.s32 $0x0;
	s20 =	sshll.u32 s5, $0x1;
	s5 =	sadd.s32 s21, s3  }
0x9d: {  	[timem:s7], [sflag:s22] =	dma.local [hbm:s5], s20  }
0x9e: {  	_ =	swait.ge [sflag:s22], s20  }
0x9f: {  	s4 =	ssub.s32 $0x0, s20;
	[sflag:s22] =	ssyncset.done $0x0  }
0xa0: {  	[sflag:s22] =	ssyncadd.s32 s4;
	_ =	sdelay $0x1  }
0xa1: {  	s23 =	simm.s32 $0x1B8B  }
0xa2: {  	_ =	swait.ge [sflag:s23], $0x1  }
0xa3: {  	[sflag:s23] =	ssyncset.done $0x0  }
0xa4: {  	s25 =	simm.s32 $0x1B8E;
	s24 =	sld [smem:$0x3FFE];
	[sflag:s23] =	ssyncadd.s32 $0xFFFFFFFF  }
0xa5: {  	s26 =	simm.s32 $execute0_lowered;
	[smem:$0x3FD2] =	sst s25  }
0xa6: {  	s5 =	sshll.u32 s26, $0x1;
	_ =	strace $0x80000046;
	[dreg:$0x1] =	wrdreg $0xFFFFFFFF  }
0xa7: {  	s28 =	simm.s32 $_size_execute0_lowered;
	s3 =	sadd.s32 s3, s5;
	[dreg:$0x0] =	wrdreg $0x0  }
0xa8: {  	s5 =	sshll.u32 s28, $0x1;
	[dreg:$0x2] =	wrdreg s3  }
0xa9: {  	[dreg:$0x3] =	wrdreg s5  }
0xaa: {  	[dreg:$0x4] =	wrdreg $0xC0  }
0xab: {  	_ =	task [dreg:s7], $0x5FFFF  }
0xac: {  	[dreg:$0x1] =	wrdreg $0xFFFFFFFF  }
0xad: {  	[dreg:$0x0] =	wrdreg $0x60  }
0xae: {  	[dreg:$0x2] =	wrdreg s2  }
0xaf: {  	[dreg:$0x3] =	wrdreg s24  }
0xb0: {  	[dreg:$0x4] =	wrdreg $0xC3000  }
0xb1: {  	[dreg:$0x5] =	wrdreg $0x9  }
0xb2: {  	_ =	task.clear_ibuf [dreg:s7], $0x6FFFF;
	_ =	strace $0x90000046  }
0xb3: {  	s29 =	simm.s32 $0x9;
	_ =	strace $0x80000048  }
0xb4: {  	_ =	swait.ge [sflag:s29], $0x1  }
0xb5: {  	[sflag:s29] =	ssyncadd.s32 $0xFFFFFFFF  }
0xb6: {  	_ =	strace $0x90000048  }
0xb7: {  	_ =	sfence  }
0xb8: {  	s30 =	sld [smem:$0x0];
	_ =	sdelay $0x2  }
0xb9: {  	s31 =	sshll.u32 s1, $0xD;
	s1 =	sshrl.u32 s1, $0x2  }
0xba: {  	s3 =	sand.u32 $0x4000, s31;
	s1 =	sadd.s32 s1, s30  }
0xbb: {  	s0 =	sor.u32 s3, s0;
	s1 =	sshll.u32 s1, $0x11  }
0xbc: {  	s0 =	sor.u32 s1, s0  }
0xbd: {  	s0 =	sadd.s32 $0x8F2B, s0  }
0xbe: {  	[sflag:s0] =	ssyncadd.remote.s32 $0x1  }
0xbf: {  	_ =	sfence.sel $0xFFFF  }
0xc0: {  	[dreg:$0x0] =	wrdreg $0xFFFFFFFF;
	(pc) =	sbr.abs _section_cstart, $3  }
0xc1: {  	[dreg:$0x1] =	wrdreg $0xFFFFFFFF  }
0xc2: {  	_ =	task.clear_ibuf [dreg:s7], $0x2FFFF;
	_ =	strace $0x9FFFFFFF  }
0xc3: {  	(tm) =	ssettm $0x7FFFFFFF  }
tec
execute0_lowered:
.L_overlay_start_1:
0x0: {  	(tag) =	ssettag $0x1  }
0x1: {  	s0 =	rddreg [dreg:$0x0]  }
0x2: {  	s2 =	rddreg [dreg:$0x1]  }
0x3: {  	s1 =	srdreg.scid;
	s3 =	rddreg [dreg:$0x2]  }
0x4: {  	s10 =	stileid.u32;
	s4 =	simm.s32 $0x0;
	s15 =	simm.s32 $0x180  }
0x5: {  	s17 =	simm.s32 $0x80;
	s19 =	simm.s32 $0x200;
	s28 =	simm.s32 $0x2  }
0x6: {  	s29 =	simm.s32 $0x4300;
	s30 =	simm.s32 $0x3;
	s31 =	simm.s32 $0x8300  }
0x7: {  	s11 =	simm.s32 $0x9;
	s16 =	simm.s32 $0x6;
	s18 =	simm.s32 $0x0  }
0x8: {  	s1 =	sand.u32 $0x1, s1;
	[smem:$0x7FF] =	sst s4;
	s6 =	smul.u32 $0x4E000, s10  }
0x9: {  	s9 =	smul.u32 $0x2700, s10;
	s22 =	sadd.s32 $0x24900, s0;
	p0 =	seq.s32 s10, $0xF  }
0xa: {  	s5 =	sshll.u32 s1, $0x4;
	_ =	strace $0x80000047;
	s7 =	smul.u32 $0x27100, s1  }
0xb: {  	s1 =	ssub.s32 $0x2, s1;
	[dreg:$0x6] =	wrdreg s22;
	s5 =	sor.u32 s10, s5  }
0xc: {  	s8 =	sshrl.u32 s1, $0x1;
	s6 =	sshrl.u32 s6, $0x2;
	[dreg:$0x4] =	wrdreg s9  }
0xd: {  	s21 =	sadd.s32 s0, s9;
	s5 =	smul.u32 $0x500, s5;
	s1 =	ssub.s32 s1, s8  }
0xe: {  	s6 =	sadd.s32 s6, s3;
	[dreg:$0x5] =	wrdreg s21;
	s21 =	simm.s32 $0x100  }
0xf: {  	s1 =	smax.u32 s1, $0x1;
	s14 =	sshrl.u32 @!p0 s6, $0x3;
	s6 =	simm.s32 $0xA  }
0x10: {  	s5 =	sadd.s32 s5, s2;
	s2 =	sadd.s32 s7, s2;
	[dreg:$0x8] =	wrdreg s1  }
0x11: {  	s7 =	sadd.s32 $0x124800, s3;
	s1 =	sshll.u32 @!p0 s10, $0x6;
	[dreg:$0xa] =	wrdreg s14  }
0x12: {  	s8 =	sadd.s32 $0xD800, s5;
	s9 =	sadd.s32 $0x3800, s5;
	s2 =	sadd.s32 $0x17800, s2  }
0x13: {  	s22 =	sshrl.u32 @p0 s7, $0x3;
	s20 =	sor.u32 @!p0 $0x1C0A, s1;
	[dreg:$0x7] =	wrdreg s2  }
0x14: {  	s1 =	simm.s32 $0x7;
	s23 =	sadd.s32 $0x10, s8;
	[dreg:$0x9] =	wrdreg s20  }
.Ltmp0:
0x15: {  	s24 =	sadd.s32 $0x10, s9;
	[dreg:$0xb] =	wrdreg s23;
	(pc) =	sbr.rel .LBB2_1-.Ltmp0, $4  }
0x16: {  	s7 =	simm.s32 $0x8;
	s25 =	sadd.s32 $0x20, s8;
	[dreg:$0xc] =	wrdreg s24  }
0x17: {  	s5 =	simm.s32 $0x5;
	s26 =	sadd.s32 $0x20, s9;
	[dreg:$0xd] =	wrdreg s25  }
0x18: {  	s2 =	simm.s32 $0x4;
	[dreg:$0xe] =	wrdreg s26;
	s23 =	simm.s32 $0x280  }
0x19: {  	s24 =	simm.s32 $0x1;
	s25 =	simm.s32 $0x7D;
	s26 =	simm.s32 $0x300  }
.LBB2_4:
0x1a: {  	_ =	swait.ge [sflag:s16], $0x80  }
0x1b: {  	[sflag:s16] =	ssyncset.done $0x0  }
0x1c: {  	[sflag:s16] =	ssyncadd.s32 $0xFFFFFF80  }
0x1d: {  	[spmem:s3] =	stream.indirect.scatter.add.f32 [tilespmem:s31], [sflag:$0xA], $0x80, s23, s25, $0xb8;
	[tilespmem:$0x1FB80] =	vst v63  }
0x1e: {  	_ =	swait.ge [sflag:s6], $0x3E80  }
0x1f: {  	[sflag:s6] =	ssyncset.done $0x0  }
0x20: {  	[sflag:s6] =	ssyncadd.s32 $0xFFFFC180  }
0x21: {  	_ =	swait.ge [sflag:s1], $0x3E80  }
0x22: {  	[sflag:s1] =	ssyncset.done $0x0  }
0x23: {  	[sflag:s1] =	ssyncadd.s32 $0xFFFFC180  }
0x24: {  	_ =	swait.ge [sflag:s2], $0x80  }
0x25: {  	[sflag:s2] =	ssyncset.done $0x0  }
0x26: {  	[sflag:s2] =	ssyncadd.s32 $0xFFFFFF80  }
0x27: {  	[spmem:s3] =	stream.indirect.scatter.add.f32 [tilespmem:s26], [sflag:$0xA], $0x80, s15, s25, $0xb8;
	[tilespmem:$0x1FB80] =	vst v63  }
0x28: {  	_ =	swait.ge [sflag:s6], $0x3E80  }
0x29: {  	[sflag:s6] =	ssyncset.done $0x0  }
0x2a: {  	[sflag:s6] =	ssyncadd.s32 $0xFFFFC180  }
0x2b: {  	_ =	swait.ge [sflag:s7], $0x3E80  }
0x2c: {  	[sflag:s7] =	ssyncset.done $0x0  }
0x2d: {  	[sflag:s7] =	ssyncadd.s32 $0xFFFFC180  }
0x2e: {  	_ =	swait.ge [sflag:s5], $0x80  }
0x2f: {  	[sflag:s5] =	ssyncset.done $0x0  }
0x30: {  	[sflag:s5] =	ssyncadd.s32 $0xFFFFFF80  }
0x31: {  	[spmem:s3] =	stream.indirect.scatter.add.f32 [tilespmem:s29], [sflag:$0xA], $0x80, s19, s25, $0xb8;
	[tilespmem:$0x1FB80] =	vst v63  }
0x32: {  	_ =	swait.ge [sflag:s6], $0x3E80  }
0x33: {  	[sflag:s6] =	ssyncset.done $0x0  }
0x34: {  	[sflag:s6] =	ssyncadd.s32 $0xFFFFC180  }
0x35: {  	[bflag:$0x0] =	sbarrier.arrive $0xFFFF  }
0x36: {  	s20 =	rddreg [dreg:$0x7]  }
0x37: {  	s12 =	simm.s32 @p0 $0x1FCA;
	s10 =	sadd.s32 @p0 $0x24900, s20  }
0x38: {  	[hbm:s10], [sflag:s12] =	dma.local @p0 [spmem:s13], $0x2800  }
0x39: {  	s10 =	simm.s32 @p0 $0xA  }
0x3a: {  	_ =	swait.ge @p0 [sflag:s10], $0x2800  }
0x3b: {  	[sflag:s10] =	ssyncset.done @p0 $0x0;
	s14 =	rddreg [dreg:$0xa]  }
0x3c: {  	[sflag:s10] =	ssyncadd.s32 @p0 $0xFFFFD800;
	s10 =	rddreg [dreg:$0x4]  }
0x3d: {  	s10 =	sadd.s32 @!p0 s10, s20;
	s20 =	rddreg [dreg:$0x9]  }
0x3e: {  	[hbm:s10], [sflag:s20] =	dma.local @!p0 [spmem:s14], $0x2700  }
0x3f: {  	s10 =	simm.s32 @!p0 $0xA  }
0x40: {  	_ =	swait.ge @!p0 [sflag:s10], $0x2700  }
0x41: {  	s22 =	smov.u32 s13;
	s18 =	sadd.s32 $0x1, s18;
	s13 =	rddreg [dreg:$0x8]  }
0x42: {  	p1 =	sne.s32 s18, s13  }
.Ltmp1:
0x43: {  	_ = 	snop;
	(pc) =	sbr.rel @!p1 .LBB2_5-.Ltmp1, $3  }
0x44: {  	_ =	sdelay $0x1  }
0x45: {  	[sflag:s10] =	ssyncset.done @!p0 $0x0  }
0x46: {  	[sflag:s10] =	ssyncadd.s32 @!p0 $0xFFFFD900  }
.LBB2_1:
0x47: {  	s10 =	simm.s32 @p0 $0x1FCA;
	s12 =	rddreg [dreg:$0x6]  }
0x48: {  	[spmem:s22], [sflag:s10] =	dma.local @p0 [hbm:s12], $0x2800  }
0x49: {  	s10 =	simm.s32 @p0 $0xA  }
0x4a: {  	_ =	swait.ge @p0 [sflag:s10], $0x2800  }
0x4b: {  	[sflag:s10] =	ssyncset.done @p0 $0x0  }
0x4c: {  	[sflag:s10] =	ssyncadd.s32 @p0 $0xFFFFD800;
	s10 =	rddreg [dreg:$0x5]  }
0x4d: {  	[spmem:s14], [sflag:s20] =	dma.local @!p0 [hbm:s10], $0x2700  }
0x4e: {  	s10 =	simm.s32 @!p0 $0xA  }
0x4f: {  	_ =	swait.ge @!p0 [sflag:s10], $0x2700  }
0x50: {  	[sflag:s10] =	ssyncset.done @!p0 $0x0  }
0x51: {  	[sflag:s10] =	ssyncadd.s32 @!p0 $0xFFFFD900  }
0x52: {  	[bflag:$0x0] =	sbarrier.arrive $0xFFFF  }
0x53: {  	[tilespmem:s4], [sflag:$0x1] =	stream.linear.gather [hbm4b:s8+s4], $0x80, $0x38;
	[tilespmem:$0x1FB80] =	vst v63  }
0x54: {  	_ = 	snop  }
0x55: {  	[tilespmem:s15], [sflag:$0x4] =	stream.linear.gather [hbm4b:s9+s4], $0x80, $0x38;
	[tilespmem:$0x1FB80] =	vst v63  }
0x56: {  	s12 =	rddreg [dreg:$0xb]  }
0x57: {  	[tilespmem:s17], [sflag:$0x2] =	stream.linear.gather [hbm4b:s12+s4], $0x80, $0x38;
	[tilespmem:$0x1FB80] =	vst v63  }
0x58: {  	s14 =	rddreg [dreg:$0xc]  }
0x59: {  	[tilespmem:s19], [sflag:$0x5] =	stream.linear.gather [hbm4b:s14+s4], $0x80, $0x38;
	[tilespmem:$0x1FB80] =	vst v63  }
0x5a: {  	s20 =	rddreg [dreg:$0xd]  }
0x5b: {  	[tilespmem:s21], [sflag:$0x3] =	stream.linear.gather [hbm4b:s20+s4], $0x80, $0x38;
	[tilespmem:$0x1FB80] =	vst v63  }
0x5c: {  	s13 =	smov.u32 s22;
	s22 =	rddreg [dreg:$0xe]  }
0x5d: {  	[tilespmem:s23], [sflag:$0x6] =	stream.linear.gather [hbm4b:s22+s4], $0x80, $0x38;
	[tilespmem:$0x1FB80] =	vst v63  }
0x5e: {  	_ =	swait.ge [sflag:s24], $0x80  }
0x5f: {  	[sflag:s24] =	ssyncset.done $0x0  }
0x60: {  	[sflag:s24] =	ssyncadd.s32 $0xFFFFFF80  }
0x61: {  	[tilespmem:s26], [sflag:$0x7] =	stream.indirect.gather [hbm4b:s0+s25], $0x80, s4, s25, $0xb8;
	[tilespmem:$0x1FB80] =	vst v63  }
0x62: {  	_ =	swait.ge [sflag:s28], $0x80  }
0x63: {  	[sflag:s28] =	ssyncset.done $0x0  }
0x64: {  	[sflag:s28] =	ssyncadd.s32 $0xFFFFFF80  }
0x65: {  	[tilespmem:s29], [sflag:$0x8] =	stream.indirect.gather [hbm4b:s0+s25], $0x80, s17, s25, $0xb8;
	[tilespmem:$0x1FB80] =	vst v63  }
0x66: {  	_ =	swait.ge [sflag:s30], $0x80  }
0x67: {  	[sflag:s30] =	ssyncset.done $0x0  }
0x68: {  	s20 =	simm.s32 $0x0;
	[sflag:s30] =	ssyncadd.s32 $0xFFFFFF80  }
0x69: {  	[tilespmem:s31], [sflag:$0x9] =	stream.indirect.gather [hbm4b:s0+s25], $0x80, s21, s25, $0xb8;
	[tilespmem:$0x1FB80] =	vst v63  }
.LBB2_2:
0x6a: {  	_ =	swait.ge [sflag:s1], $0x3E80  }
0x6b: {  	s22 =	sadd.s32 s20, s8;
	[sflag:s1] =	ssyncset.done $0x0  }
0x6c: {  	s10 =	sadd.s32 $0x30, s22;
	[sflag:s1] =	ssyncadd.s32 $0xFFFFC180  }
0x6d: {  	[tilespmem:s4], [sflag:$0x1] =	stream.linear.gather [hbm4b:s10+s4], $0x80, $0x38;
	[tilespmem:$0x1FB80] =	vst v63  }
0x6e: {  	_ =	swait.ge [sflag:s2], $0x80  }
0x6f: {  	[sflag:s2] =	ssyncset.done $0x0  }
0x70: {  	[sflag:s2] =	ssyncadd.s32 $0xFFFFFF80  }
0x71: {  	[spmem:s3] =	stream.indirect.scatter.add.f32 [tilespmem:s26], [sflag:$0xA], $0x80, s15, s25, $0xb8;
	[tilespmem:$0x1FB80] =	vst v63  }
0x72: {  	_ =	swait.ge [sflag:s6], $0x3E80  }
0x73: {  	s10 =	sadd.s32 s20, s9;
	[sflag:s6] =	ssyncset.done $0x0  }
0x74: {  	s12 =	sadd.s32 $0x30, s10;
	[sflag:s6] =	ssyncadd.s32 $0xFFFFC180  }
0x75: {  	[tilespmem:s15], [sflag:$0x4] =	stream.linear.gather [hbm4b:s12+s4], $0x80, $0x38;
	[tilespmem:$0x1FB80] =	vst v63  }
0x76: {  	_ =	swait.ge [sflag:s24], $0x80  }
0x77: {  	[sflag:s24] =	ssyncset.done $0x0  }
0x78: {  	[sflag:s24] =	ssyncadd.s32 $0xFFFFFF80  }
0x79: {  	[tilespmem:s26], [sflag:$0x7] =	stream.indirect.gather [hbm4b:s0+s25], $0x80, s4, s25, $0xb8;
	[tilespmem:$0x1FB80] =	vst v63  }
0x7a: {  	_ =	swait.ge [sflag:s7], $0x3E80  }
0x7b: {  	[sflag:s7] =	ssyncset.done $0x0  }
0x7c: {  	s14 =	sadd.s32 $0x40, s22;
	[sflag:s7] =	ssyncadd.s32 $0xFFFFC180  }
0x7d: {  	[tilespmem:s17], [sflag:$0x2] =	stream.linear.gather [hbm4b:s14+s4], $0x80, $0x38;
	[tilespmem:$0x1FB80] =	vst v63  }
0x7e: {  	_ =	swait.ge [sflag:s5], $0x80  }
0x7f: {  	[sflag:s5] =	ssyncset.done $0x0  }
0x80: {  	[sflag:s5] =	ssyncadd.s32 $0xFFFFFF80  }
0x81: {  	[spmem:s3] =	stream.indirect.scatter.add.f32 [tilespmem:s29], [sflag:$0xA], $0x80, s19, s25, $0xb8;
	[tilespmem:$0x1FB80] =	vst v63  }
0x82: {  	_ =	swait.ge [sflag:s6], $0x3E80  }
0x83: {  	[sflag:s6] =	ssyncset.done $0x0  }
0x84: {  	s14 =	sadd.s32 $0x40, s10;
	[sflag:s6] =	ssyncadd.s32 $0xFFFFC180  }
0x85: {  	[tilespmem:s19], [sflag:$0x5] =	stream.linear.gather [hbm4b:s14+s4], $0x80, $0x38;
	[tilespmem:$0x1FB80] =	vst v63  }
0x86: {  	_ =	swait.ge [sflag:s28], $0x80  }
0x87: {  	p1 =	seq.s32 s20, $0x4B0;
	[sflag:s28] =	ssyncset.done $0x0  }
.Ltmp2:
0x88: {  	[sflag:s28] =	ssyncadd.s32 $0xFFFFFF80;
	(pc) =	sbr.rel @p1 .LBB2_4-.Ltmp2, $4  }
0x89: {  	[tilespmem:s29], [sflag:$0x8] =	stream.indirect.gather [hbm4b:s0+s25], $0x80, s17, s25, $0xb8;
	[tilespmem:$0x1FB80] =	vst v63  }
0x8a: {  	_ =	swait.ge [sflag:s11], $0x3E80  }
0x8b: {  	[sflag:s11] =	ssyncset.done $0x0  }
0x8c: {  	[sflag:s11] =	ssyncadd.s32 $0xFFFFC180  }
0x8d: {  	s12 =	sadd.s32 $0x50, s22  }
0x8e: {  	[tilespmem:s21], [sflag:$0x3] =	stream.linear.gather [hbm4b:s12+s4], $0x80, $0x38;
	[tilespmem:$0x1FB80] =	vst v63  }
0x8f: {  	_ =	swait.ge [sflag:s16], $0x80  }
0x90: {  	[sflag:s16] =	ssyncset.done $0x0  }
0x91: {  	[sflag:s16] =	ssyncadd.s32 $0xFFFFFF80  }
0x92: {  	[spmem:s3] =	stream.indirect.scatter.add.f32 [tilespmem:s31], [sflag:$0xA], $0x80, s23, s25, $0xb8;
	[tilespmem:$0x1FB80] =	vst v63  }
0x93: {  	_ =	swait.ge [sflag:s6], $0x3E80  }
0x94: {  	[sflag:s6] =	ssyncset.done $0x0  }
0x95: {  	s10 =	sadd.s32 $0x50, s10;
	[sflag:s6] =	ssyncadd.s32 $0xFFFFC180  }
0x96: {  	[tilespmem:s23], [sflag:$0x6] =	stream.linear.gather [hbm4b:s10+s4], $0x80, $0x38;
	[tilespmem:$0x1FB80] =	vst v63  }
.Ltmp3:
0x97: {  	_ = 	snop;
	(pc) =	sbr.rel .LBB2_2-.Ltmp3, $4  }
0x98: {  	_ =	swait.ge [sflag:s30], $0x80  }
0x99: {  	[sflag:s30] =	ssyncset.done $0x0  }
0x9a: {  	s20 =	sadd.s32 $0x30, s20;
	[sflag:s30] =	ssyncadd.s32 $0xFFFFFF80  }
0x9b: {  	[tilespmem:s31], [sflag:$0x9] =	stream.indirect.gather [hbm4b:s0+s25], $0x80, s21, s25, $0xb8;
	[tilespmem:$0x1FB80] =	vst v63  }
.LBB2_5:
0x9c: {  	_ =	sfence.sel $0x180000  }
0x9d: {  	[bflag:$0x0] =	sbarrier.arrive $0xFFFF  }
0x9e: {  	_ =	strace $0x90000047  }
0x9f: {  	s0 =	stileid.u32;
	[bflag:$0x2] =	sbarrier.arrive $0xFFFF  }
0xa0: {  	p0 =	sne.s32 s0, $0x0;
	s0 =	rddreg [dreg:$0x3]  }
0xa1: {  	s0 =	sadd.s32 @!p0 $0x100000, s0  }
0xa2: {  	[sflag:s0] =	ssyncadd.tile.s32 @!p0 $0x1;
	_ =	shalt  }
.Lfunc_end2:
_tile_overlayer_lowered:
.L_overlay_start_2:
0xa3: {  	(tag) =	ssettag $0x2  }
0xa4: {  	s0 =	rddreg [dreg:$0x0];
	s2 =	stileid.u32  }
0xa5: {  	s1 =	rddreg [dreg:$0x1];
	p0 =	sne.s32 s2, $0x0  }
0xa6: {  	s3 =	rddreg [dreg:$0x2];
	[bflag:$0x3] =	sbarrier.arrive $0xFFFF;
	s2 =	simm.s32 @!p0 $0x1C0A  }
0xa7: {  	[timem:s3], [sflag:s2] =	dma.local @!p0 [hbm:s0], s1  }
0xa8: {  	s0 =	simm.s32 @!p0 $0xA  }
0xa9: {  	_ =	swait.ge @!p0 [sflag:s0], s1  }
0xaa: {  	s1 =	ssub.s32 @!p0 $0x0, s1;
	[sflag:s0] =	ssyncset.done @!p0 $0x0  }
0xab: {  	[sflag:s0] =	ssyncadd.s32 @!p0 s1  }
0xac: {  	[bflag:$0x3] =	sbarrier.arrive $0xFFFF  }
0xad: {  	_ =	shalt  }

</sc_bundles>
